<compile_context>
chip_gen: v7x
topology: tpu7x:2x2x1
jax: 0.10.2.dev20260603
libtpu: 0.0.44.dev20260713+nightly
codegen_flags: <defaults>
</compile_context>

<pallas_src>
import functools

import jax
import jax.numpy as jnp
from jax import lax
from jax.experimental import pallas as pl
from jax.experimental.pallas import tpu as pltpu
from jax.experimental.pallas import tpu_sc as plsc

R = 64
N = 32768
L = 16
NV = N // L

D0_BITS = 15
D1_BITS = 6
D2_BITS = 11
H0 = 1 << D0_BITS
H1 = 1 << D1_BITS
H2 = 1 << D2_BITS
IDX_MASK = (1 << D0_BITS) - 1


def _srl(x, n):
  return lax.shift_right_logical(x, jnp.int32(n))


def _desc_key(v):
  u = lax.bitcast_convert_type(v, jnp.int32)
  return jnp.where(u >= 0, ~u & jnp.int32(0x7FFFFFFF), u)


def _zero_hist(hist, n, off=0):
  zeros = jnp.zeros((L,), jnp.int32)

  @plsc.parallel_loop(0, n // L, 1, unroll=8)
  def body(i):
    hist[pl.ds(off + i * L, L)] = zeros


def _excl_prefix_sum(hist, n, off=0):

  def body(i, carry):
    v = hist[pl.ds(off + i * L, L)]
    inc = plsc.cumsum(v)
    hist[pl.ds(off + i * L, L)] = inc - v + carry
    return carry + inc[L - 1]

  lax.fori_loop(0, n // L, body, jnp.int32(0), unroll=4)


def _rr_body(in_hbm, out_hbm, fbuf, bufa, bufb, bufh):
  c = lax.axis_index("c")
  s = lax.axis_index("s")
  wid = s * 2 + c
  ones = jnp.ones((L,), jnp.int32)

  for j in range(2):
    row = wid + 32 * j
    pltpu.sync_copy(in_hbm.at[pl.ds(row * N, N)], fbuf)

    _zero_hist(bufb, H0)
    _zero_hist(bufh, H1 + H2)

    @plsc.parallel_loop(0, NV, 1, unroll=4)
    def hist0(i):
      k = _desc_key(fbuf[pl.ds(i * L, L)])
      d = k & jnp.int32(H0 - 1)
      plsc.addupdate_scatter(bufb, [d], ones)
    _excl_prefix_sum(bufb, H0)

    def p0_fetch(i):
      k = _desc_key(fbuf[pl.ds(i * L, L)])
      d = k & jnp.int32(H0 - 1)
      cnt, last = plsc.scan_count(d)
      packed = (k & jnp.int32(~IDX_MASK)) | (lax.iota(jnp.int32, L) + i * L)
      return d, cnt, last, packed

    def scat0(i, c):
      d_c, cnt_c, last_c, packed_c = c
      nxt = p0_fetch(jnp.minimum(i + 1, NV - 1))
      base = plsc.load_gather(bufb, [d_c])
      pos = base + cnt_c - 1
      plsc.store_scatter(bufa, [pos], packed_c)
      plsc.addupdate_scatter(bufb, [d_c], cnt_c, mask=last_c)
      d1 = _srl(packed_c, D0_BITS) & jnp.int32(H1 - 1)
      plsc.addupdate_scatter(bufh, [d1], ones)
      return nxt

    lax.fori_loop(0, NV, scat0, p0_fetch(0), unroll=4)

    _excl_prefix_sum(bufh, H1)

    def p1_fetch(i):
      p = bufa[pl.ds(i * L, L)]
      d = _srl(p, D0_BITS) & jnp.int32(H1 - 1)
      cnt, last = plsc.scan_count(d)
      packed = lax.shift_left(_srl(p, D0_BITS + D1_BITS), jnp.int32(D0_BITS)) | (
          p & jnp.int32(IDX_MASK)
      )
      return d, cnt, last, packed

    def scat1(i, c):
      d_c, cnt_c, last_c, packed_c = c
      nxt = p1_fetch(jnp.minimum(i + 1, NV - 1))
      base = plsc.load_gather(bufh, [d_c])
      pos = base + cnt_c - 1
      plsc.store_scatter(bufb, [pos], packed_c)
      plsc.addupdate_scatter(bufh, [d_c], cnt_c, mask=last_c)
      d2 = _srl(packed_c, D0_BITS) + jnp.int32(H1)
      plsc.addupdate_scatter(bufh, [d2], ones)
      return nxt

    lax.fori_loop(0, NV, scat1, p1_fetch(0), unroll=4)

    _excl_prefix_sum(bufh, H2, off=H1)

    def p2_fetch(i):
      p = bufb[pl.ds(i * L, L)]
      d = _srl(p, D0_BITS) + jnp.int32(H1)
      cnt, last = plsc.scan_count(d)
      idx = p & jnp.int32(IDX_MASK)
      return d, cnt, last, idx

    def scat2(i, c):
      d_c, cnt_c, last_c, idx_c = c
      nxt = p2_fetch(jnp.minimum(i + 1, NV - 1))
      base = plsc.load_gather(bufh, [d_c])
      rank = base + cnt_c
      w = 1.0 / rank.astype(jnp.float32)
      t = d_c - jnp.int32(H1)
      w = jnp.where((t == 1023) | (t == 1024), 0.0, w)
      plsc.store_scatter(fbuf, [idx_c], w)
      plsc.addupdate_scatter(bufh, [d_c], cnt_c, mask=last_c)
      return nxt

    lax.fori_loop(0, NV, scat2, p2_fetch(0), unroll=4)

    pltpu.sync_copy(fbuf, out_hbm.at[pl.ds(row * N, N)])


@jax.jit
def _rr(inputs):
  mesh = plsc.VectorSubcoreMesh(core_axis_name="c", subcore_axis_name="s")
  kfn = pl.kernel(
      _rr_body,
      out_type=jax.ShapeDtypeStruct((R * N,), jnp.float32),
      mesh=mesh,
      compiler_params=pltpu.CompilerParams(needs_layout_passes=False),
      scratch_types=[
          pltpu.VMEM((N,), jnp.float32),
          pltpu.VMEM((N,), jnp.int32),
          pltpu.VMEM((N,), jnp.int32),
          pltpu.VMEM((H1 + H2,), jnp.int32),
      ],
  )
  return kfn(inputs.reshape(R * N)).reshape(R, N)


def kernel(inputs):
  return _rr(inputs)

# --- scband reference (transcript-rebuilt; emitter-appended) ---
"""Pipeline reference for scband-reciprocal-rank-layer-86629490360438 (READ-ONLY COPY).

The authoritative reference and input builder live on the scoring server;
editing this copy changes nothing except your own understanding.
"""

import jax, jax.numpy as jnp
import numpy as np

K_CONST = 0.0  # k=0.0, k_trainable=False
IGNORE_ZERO_SCORE = True
SCALE_RANGE_TO_ONE = False


def setup_inputs(seed: int = 0) -> dict:
    key = jax.random.key(seed)
    inputs = jax.random.normal(key, (64, 32768), dtype=jnp.float32)
    return {"inputs": inputs}


def reference(inputs):
    # ranks = argsort(argsort(inputs, descending, stable), ascending, stable) + 1
    # Descending stable argsort via argsort of negated scores (stable; ties are
    # measure-zero for continuous random inputs).
    order = jnp.argsort(-inputs, axis=1)
    ranks = jnp.argsort(order, axis=1) + 1
    ranks = ranks.astype(jnp.float32) + K_CONST
    # tf.math.divide_no_nan(1.0, ranks)
    safe_ranks = jnp.where(ranks == 0.0, 1.0, ranks)
    reciprocal_ranks = jnp.where(ranks == 0.0, 0.0, 1.0 / safe_ranks)
    if IGNORE_ZERO_SCORE:
        reciprocal_ranks = jnp.where(inputs == 0.0, 0.0, reciprocal_ranks)
    if SCALE_RANGE_TO_ONE:
        scale = K_CONST + 1.0
        reciprocal_ranks = jnp.where(
            jnp.logical_or(reciprocal_ranks == 0.0, scale == 0.0),
            0.0,
            reciprocal_ranks * scale,
        )
    return reciprocal_ranks

if __name__ == "__main__":
    import jax
    _d = setup_inputs()
    print(jax.jit(kernel)(*tuple(_d.values())))

</pallas_src>

<mosaic_0001>
#map = affine_map<(d0, d1) -> (0)>
module attributes {stable_mosaic.version = 14 : i64} {
  func.func @_rr_body(%arg0: i32, %arg1: i32, %arg2: memref<2097152xf32, #tpu.memory_space<hbm>>, %arg3: memref<2097152xf32, #tpu.memory_space<hbm>>, %arg4: memref<32768xf32, #tpu.memory_space<vmem>>, %arg5: memref<32768xi32, #tpu.memory_space<vmem>>, %arg6: memref<32768xi32, #tpu.memory_space<vmem>>, %arg7: memref<2112xi32, #tpu.memory_space<vmem>>) attributes {dimension_semantics = [#tpu.dimension_semantics<core_parallel>, #tpu.dimension_semantics<subcore_parallel>], iteration_bounds = array<i64: 2, 16>, scalar_prefetch = 0 : i64, scratch_operands = 4 : i64, tpu.core_type = #tpu.core_type<sc_vector_subcore>, window_params = [{transform_indices = #map}, {transform_indices = #map}]} {
    %mul3A = arith.constant 2 : i32
    %mul3A_0 = arith.muli %arg1, %mul3A : i32
    %add3A = arith.addi %mul3A_0, %arg0 : i32
    %broadcast_in_dim3A = arith.constant 1 : i32
    %broadcast_in_dim3A_1 = vector.broadcast %broadcast_in_dim3A : i32 to vector<16xi32>
    %add3A_2 = arith.constant 0 : i32
    %add3A_3 = arith.addi %add3A, %add3A_2 : i32
    %mul3A_4 = arith.constant 32768 : i32
    %mul3A_5 = arith.muli %add3A_3, %mul3A_4 : i32
    "tpu.region"() ({
      %run_scoped3A = tpu.sem_alloc : memref<!tpu.dma_semaphore, #tpu.memory_space<semaphore_mem>>
      %dma_start3A = tpu.memref_slice %arg2[%mul3A_5] : memref<2097152xf32, #tpu.memory_space<hbm>> -> memref<32768xf32, #tpu.memory_space<hbm>>
      %dma_start3A_394 = tpu.memref_slice %arg2[%mul3A_5] : memref<2097152xf32, #tpu.memory_space<hbm>> -> memref<32768xf32, #tpu.memory_space<hbm>>
      tpu.enqueue_dma source(%dma_start3A_394 : memref<32768xf32, #tpu.memory_space<hbm>>) target(%arg4 : memref<32768xf32, #tpu.memory_space<vmem>>) target_semaphore(%run_scoped3A : memref<!tpu.dma_semaphore, #tpu.memory_space<semaphore_mem>>)
      %dma_wait3A = tpu.memref_slice %arg2[%mul3A_5] : memref<2097152xf32, #tpu.memory_space<hbm>> -> memref<32768xf32, #tpu.memory_space<hbm>>
      %dma_wait3A_395 = tpu.memref_slice %arg2[%mul3A_5] : memref<2097152xf32, #tpu.memory_space<hbm>> -> memref<32768xf32, #tpu.memory_space<hbm>>
      tpu.wait_dma2 semaphore(%run_scoped3A : memref<!tpu.dma_semaphore, #tpu.memory_space<semaphore_mem>>) src(%dma_wait3A_395 : memref<32768xf32, #tpu.memory_space<hbm>>) dst(%arg4 : memref<32768xf32, #tpu.memory_space<vmem>>)
      tpu.yield
    }) : () -> ()
    %broadcast_in_dim3A_6 = arith.constant 0 : i32
    %broadcast_in_dim3A_7 = vector.broadcast %broadcast_in_dim3A_6 : i32 to vector<16xi32>
    %parallel_loop3A = arith.constant 0 : i32
    %parallel_loop3A_8 = arith.constant 2048 : i32
    %parallel_loop3A_9 = arith.constant 1 : i32
    scf.for %parallel_loop3A_394 = %parallel_loop3A to %parallel_loop3A_8 step %parallel_loop3A_9  : i32 {
      %parallel_loop3A_395 = arith.constant 16 : i32
      %parallel_loop3A_396 = arith.muli %parallel_loop3A_394, %parallel_loop3A_395 : i32
      %parallel_loop3A_397 = arith.constant 0 : i32
      %parallel_loop3A_398 = arith.addi %parallel_loop3A_397, %parallel_loop3A_396 : i32
      %parallel_loop3A_399 = arith.index_cast %parallel_loop3A_398 : i32 to index
      %parallel_loop3A_400 = tpu.vector_load %arg6[%parallel_loop3A_399] {strides = array<i32>} : memref<32768xi32, #tpu.memory_space<vmem>>, vector<16xi32>,
      tpu.vector_store %arg6[%parallel_loop3A_399], %broadcast_in_dim3A_7 {strides = array<i32>} : memref<32768xi32, #tpu.memory_space<vmem>>, vector<16xi32>,
    } {sc.loop_unroll_factor = 8 : i64, sc.parallel_access}
    %broadcast_in_dim3A_10 = arith.constant 0 : i32
    %broadcast_in_dim3A_11 = vector.broadcast %broadcast_in_dim3A_10 : i32 to vector<16xi32>
    %parallel_loop3A_12 = arith.constant 0 : i32
    %parallel_loop3A_13 = arith.constant 132 : i32
    %parallel_loop3A_14 = arith.constant 1 : i32
    scf.for %parallel_loop3A_394 = %parallel_loop3A_12 to %parallel_loop3A_13 step %parallel_loop3A_14  : i32 {
      %parallel_loop3A_395 = arith.constant 16 : i32
      %parallel_loop3A_396 = arith.muli %parallel_loop3A_394, %parallel_loop3A_395 : i32
      %parallel_loop3A_397 = arith.constant 0 : i32
      %parallel_loop3A_398 = arith.addi %parallel_loop3A_397, %parallel_loop3A_396 : i32
      %parallel_loop3A_399 = arith.index_cast %parallel_loop3A_398 : i32 to index
      %parallel_loop3A_400 = tpu.vector_load %arg7[%parallel_loop3A_399] {strides = array<i32>} : memref<2112xi32, #tpu.memory_space<vmem>>, vector<16xi32>,
      tpu.vector_store %arg7[%parallel_loop3A_399], %broadcast_in_dim3A_11 {strides = array<i32>} : memref<2112xi32, #tpu.memory_space<vmem>>, vector<16xi32>,
    } {sc.loop_unroll_factor = 8 : i64, sc.parallel_access}
    %parallel_loop3A_15 = arith.constant 0 : i32
    %parallel_loop3A_16 = arith.constant 2048 : i32
    %parallel_loop3A_17 = arith.constant 1 : i32
    scf.for %parallel_loop3A_394 = %parallel_loop3A_15 to %parallel_loop3A_16 step %parallel_loop3A_17  : i32 {
      %parallel_loop3A_395 = arith.constant 16 : i32
      %parallel_loop3A_396 = arith.muli %parallel_loop3A_394, %parallel_loop3A_395 : i32
      %parallel_loop3A_397 = arith.index_cast %parallel_loop3A_396 : i32 to index
      %parallel_loop3A_398 = tpu.vector_load %arg4[%parallel_loop3A_397] {strides = array<i32>} : memref<32768xf32, #tpu.memory_space<vmem>>, vector<16xf32>,
      %parallel_loop3A_399 = tpu.bitcast %parallel_loop3A_398 : vector<16xf32> -> vector<16xi32>
      %parallel_loop3A_400 = arith.constant 0 : i32
      %parallel_loop3A_401 = vector.broadcast %parallel_loop3A_400 : i32 to vector<16xi32>
      %parallel_loop3A_402 = arith.cmpi sge, %parallel_loop3A_399, %parallel_loop3A_401 : vector<16xi32>
      %parallel_loop3A_403 = arith.constant dense<-1> : vector<16xi32>
      %parallel_loop3A_404 = arith.xori %parallel_loop3A_399, %parallel_loop3A_403 : vector<16xi32>
      %parallel_loop3A_405 = arith.constant 2147483647 : i32
      %parallel_loop3A_406 = vector.broadcast %parallel_loop3A_405 : i32 to vector<16xi32>
      %parallel_loop3A_407 = arith.andi %parallel_loop3A_404, %parallel_loop3A_406 : vector<16xi32>
      %parallel_loop3A_408 = arith.select %parallel_loop3A_402, %parallel_loop3A_407, %parallel_loop3A_399 : vector<16xi1>, vector<16xi32>
      %parallel_loop3A_409 = arith.constant 32767 : i32
      %parallel_loop3A_410 = vector.broadcast %parallel_loop3A_409 : i32 to vector<16xi32>
      %parallel_loop3A_411 = arith.andi %parallel_loop3A_408, %parallel_loop3A_410 : vector<16xi32>
      tpu.vector_store_idx %arg6[%parallel_loop3A_411], %broadcast_in_dim3A_1 {add = true} : memref<32768xi32, #tpu.memory_space<vmem>>[vector<16xi32>], vector<16xi32>,
    } {sc.loop_unroll_factor = 4 : i64, sc.parallel_access}
    %scan3A = arith.constant 0 : i32
    %scan3A_18 = arith.constant 0 : i32
    %scan3A_19 = arith.constant 2048 : i32
    %scan3A_20 = arith.addi %scan3A_18, %scan3A_19 : i32
    %scan3A_21 = arith.constant 4 : i32
    %scan3A_22 = scf.for %scan3A_394 = %scan3A_18 to %scan3A_20 step %scan3A_21 iter_args(%scan3A_395 = %scan3A) -> (i32)  : i32 {
      %mul3A_396 = arith.constant 16 : i32
      %mul3A_397 = arith.muli %scan3A_394, %mul3A_396 : i32
      %add3A_398 = arith.constant 0 : i32
      %add3A_399 = arith.addi %add3A_398, %mul3A_397 : i32
      %get3A_400 = arith.index_cast %add3A_399 : i32 to index
      %get3A_401 = tpu.vector_load %arg6[%get3A_400] {strides = array<i32>} : memref<32768xi32, #tpu.memory_space<vmem>>, vector<16xi32>,
      %broadcast_in_dim3A_402 = arith.constant true
      %broadcast_in_dim3A_403 = vector.broadcast %broadcast_in_dim3A_402 : i1 to vector<16xi1>
      %masked_cumsum3A_404 = tpu.scan <sum>, %get3A_401 masked %broadcast_in_dim3A_403 : vector<16xi32>, vector<16xi1> -> vector<16xi32>
      %sub3A_405 = arith.subi %masked_cumsum3A_404, %get3A_401 : vector<16xi32>
      %add3A_406 = vector.broadcast %scan3A_395 : i32 to vector<16xi32>
      %add3A_407 = arith.addi %sub3A_405, %add3A_406 : vector<16xi32>
      %mul3A_408 = arith.constant 16 : i32
      %mul3A_409 = arith.muli %scan3A_394, %mul3A_408 : i32
      %add3A_410 = arith.constant 0 : i32
      %add3A_411 = arith.addi %add3A_410, %mul3A_409 : i32
      %swap3A_412 = arith.index_cast %add3A_411 : i32 to index
      %swap3A_413 = tpu.vector_load %arg6[%swap3A_412] {strides = array<i32>} : memref<32768xi32, #tpu.memory_space<vmem>>, vector<16xi32>,
      tpu.vector_store %arg6[%swap3A_412], %add3A_407 {strides = array<i32>} : memref<32768xi32, #tpu.memory_space<vmem>>, vector<16xi32>,
      %slice3A_414 = vector.extract_strided_slice %masked_cumsum3A_404 {offsets = [15], sizes = [1], strides = [1]} : vector<16xi32> to vector<1xi32>
      %squeeze3A_415 = vector.extract %slice3A_414[0] : i32 from vector<1xi32>
      %add3A_416 = arith.addi %scan3A_395, %squeeze3A_415 : i32
      %scan3A_417 = arith.constant 1 : i32
      %scan3A_418 = arith.addi %scan3A_394, %scan3A_417 : i32
      %mul3A_419 = arith.constant 16 : i32
      %mul3A_420 = arith.muli %scan3A_418, %mul3A_419 : i32
      %add3A_421 = arith.constant 0 : i32
      %add3A_422 = arith.addi %add3A_421, %mul3A_420 : i32
      %get3A_423 = arith.index_cast %add3A_422 : i32 to index
      %get3A_424 = tpu.vector_load %arg6[%get3A_423] {strides = array<i32>} : memref<32768xi32, #tpu.memory_space<vmem>>, vector<16xi32>,
      %broadcast_in_dim3A_425 = arith.constant true
      %broadcast_in_dim3A_426 = vector.broadcast %broadcast_in_dim3A_425 : i1 to vector<16xi1>
      %masked_cumsum3A_427 = tpu.scan <sum>, %get3A_424 masked %broadcast_in_dim3A_426 : vector<16xi32>, vector<16xi1> -> vector<16xi32>
      %sub3A_428 = arith.subi %masked_cumsum3A_427, %get3A_424 : vector<16xi32>
      %add3A_429 = vector.broadcast %add3A_416 : i32 to vector<16xi32>
      %add3A_430 = arith.addi %sub3A_428, %add3A_429 : vector<16xi32>
      %mul3A_431 = arith.constant 16 : i32
      %mul3A_432 = arith.muli %scan3A_418, %mul3A_431 : i32
      %add3A_433 = arith.constant 0 : i32
      %add3A_434 = arith.addi %add3A_433, %mul3A_432 : i32
      %swap3A_435 = arith.index_cast %add3A_434 : i32 to index
      %swap3A_436 = tpu.vector_load %arg6[%swap3A_435] {strides = array<i32>} : memref<32768xi32, #tpu.memory_space<vmem>>, vector<16xi32>,
      tpu.vector_store %arg6[%swap3A_435], %add3A_430 {strides = array<i32>} : memref<32768xi32, #tpu.memory_space<vmem>>, vector<16xi32>,
      %slice3A_437 = vector.extract_strided_slice %masked_cumsum3A_427 {offsets = [15], sizes = [1], strides = [1]} : vector<16xi32> to vector<1xi32>
      %squeeze3A_438 = vector.extract %slice3A_437[0] : i32 from vector<1xi32>
      %add3A_439 = arith.addi %add3A_416, %squeeze3A_438 : i32
      %scan3A_440 = arith.constant 2 : i32
      %scan3A_441 = arith.addi %scan3A_394, %scan3A_440 : i32
      %mul3A_442 = arith.constant 16 : i32
      %mul3A_443 = arith.muli %scan3A_441, %mul3A_442 : i32
      %add3A_444 = arith.constant 0 : i32
      %add3A_445 = arith.addi %add3A_444, %mul3A_443 : i32
      %get3A_446 = arith.index_cast %add3A_445 : i32 to index
      %get3A_447 = tpu.vector_load %arg6[%get3A_446] {strides = array<i32>} : memref<32768xi32, #tpu.memory_space<vmem>>, vector<16xi32>,
      %broadcast_in_dim3A_448 = arith.constant true
      %broadcast_in_dim3A_449 = vector.broadcast %broadcast_in_dim3A_448 : i1 to vector<16xi1>
      %masked_cumsum3A_450 = tpu.scan <sum>, %get3A_447 masked %broadcast_in_dim3A_449 : vector<16xi32>, vector<16xi1> -> vector<16xi32>
      %sub3A_451 = arith.subi %masked_cumsum3A_450, %get3A_447 : vector<16xi32>
      %add3A_452 = vector.broadcast %add3A_439 : i32 to vector<16xi32>
      %add3A_453 = arith.addi %sub3A_451, %add3A_452 : vector<16xi32>
      %mul3A_454 = arith.constant 16 : i32
      %mul3A_455 = arith.muli %scan3A_441, %mul3A_454 : i32
      %add3A_456 = arith.constant 0 : i32
      %add3A_457 = arith.addi %add3A_456, %mul3A_455 : i32
      %swap3A_458 = arith.index_cast %add3A_457 : i32 to index
      %swap3A_459 = tpu.vector_load %arg6[%swap3A_458] {strides = array<i32>} : memref<32768xi32, #tpu.memory_space<vmem>>, vector<16xi32>,
      tpu.vector_store %arg6[%swap3A_458], %add3A_453 {strides = array<i32>} : memref<32768xi32, #tpu.memory_space<vmem>>, vector<16xi32>,
      %slice3A_460 = vector.extract_strided_slice %masked_cumsum3A_450 {offsets = [15], sizes = [1], strides = [1]} : vector<16xi32> to vector<1xi32>
      %squeeze3A_461 = vector.extract %slice3A_460[0] : i32 from vector<1xi32>
      %add3A_462 = arith.addi %add3A_439, %squeeze3A_461 : i32
      %scan3A_463 = arith.constant 3 : i32
      %scan3A_464 = arith.addi %scan3A_394, %scan3A_463 : i32
      %mul3A_465 = arith.constant 16 : i32
      %mul3A_466 = arith.muli %scan3A_464, %mul3A_465 : i32
      %add3A_467 = arith.constant 0 : i32
      %add3A_468 = arith.addi %add3A_467, %mul3A_466 : i32
      %get3A_469 = arith.index_cast %add3A_468 : i32 to index
      %get3A_470 = tpu.vector_load %arg6[%get3A_469] {strides = array<i32>} : memref<32768xi32, #tpu.memory_space<vmem>>, vector<16xi32>,
      %broadcast_in_dim3A_471 = arith.constant true
      %broadcast_in_dim3A_472 = vector.broadcast %broadcast_in_dim3A_471 : i1 to vector<16xi1>
      %masked_cumsum3A_473 = tpu.scan <sum>, %get3A_470 masked %broadcast_in_dim3A_472 : vector<16xi32>, vector<16xi1> -> vector<16xi32>
      %sub3A_474 = arith.subi %masked_cumsum3A_473, %get3A_470 : vector<16xi32>
      %add3A_475 = vector.broadcast %add3A_462 : i32 to vector<16xi32>
      %add3A_476 = arith.addi %sub3A_474, %add3A_475 : vector<16xi32>
      %mul3A_477 = arith.constant 16 : i32
      %mul3A_478 = arith.muli %scan3A_464, %mul3A_477 : i32
      %add3A_479 = arith.constant 0 : i32
      %add3A_480 = arith.addi %add3A_479, %mul3A_478 : i32
      %swap3A_481 = arith.index_cast %add3A_480 : i32 to index
      %swap3A_482 = tpu.vector_load %arg6[%swap3A_481] {strides = array<i32>} : memref<32768xi32, #tpu.memory_space<vmem>>, vector<16xi32>,
      tpu.vector_store %arg6[%swap3A_481], %add3A_476 {strides = array<i32>} : memref<32768xi32, #tpu.memory_space<vmem>>, vector<16xi32>,
      %slice3A_483 = vector.extract_strided_slice %masked_cumsum3A_473 {offsets = [15], sizes = [1], strides = [1]} : vector<16xi32> to vector<1xi32>
      %squeeze3A_484 = vector.extract %slice3A_483[0] : i32 from vector<1xi32>
      %add3A_485 = arith.addi %add3A_462, %squeeze3A_484 : i32
      scf.yield %add3A_485 : i32
    }
    %scan3A_23 = arith.constant 2048 : i32
    %get3A = arith.constant 0 : index
    %get3A_24 = tpu.vector_load %arg4[%get3A] {strides = array<i32>} : memref<32768xf32, #tpu.memory_space<vmem>>, vector<16xf32>,
    %bitcast_convert_type3A = tpu.bitcast %get3A_24 : vector<16xf32> -> vector<16xi32>
    %ge3A = arith.constant 0 : i32
    %ge3A_25 = vector.broadcast %ge3A : i32 to vector<16xi32>
    %ge3A_26 = arith.cmpi sge, %bitcast_convert_type3A, %ge3A_25 : vector<16xi32>
    %not3A = arith.constant dense<-1> : vector<16xi32>
    %not3A_27 = arith.xori %bitcast_convert_type3A, %not3A : vector<16xi32>
    %and3A = arith.constant 2147483647 : i32
    %and3A_28 = vector.broadcast %and3A : i32 to vector<16xi32>
    %and3A_29 = arith.andi %not3A_27, %and3A_28 : vector<16xi32>
    %select_n3A = arith.select %ge3A_26, %and3A_29, %bitcast_convert_type3A : vector<16xi1>, vector<16xi32>
    %and3A_30 = arith.constant 32767 : i32
    %and3A_31 = vector.broadcast %and3A_30 : i32 to vector<16xi32>
    %and3A_32 = arith.andi %select_n3A, %and3A_31 : vector<16xi32>
    %broadcast_in_dim3A_33 = arith.constant true
    %broadcast_in_dim3A_34 = vector.broadcast %broadcast_in_dim3A_33 : i1 to vector<16xi1>
    %unique3A, %unique3A_35 = tpu.scan_count mask(%broadcast_in_dim3A_34 : vector<16xi1>) value(%and3A_32 : vector<16xi32>) : vector<16xi1>, vector<16xi32>
    %and3A_36 = arith.constant -32768 : i32
    %and3A_37 = vector.broadcast %and3A_36 : i32 to vector<16xi32>
    %and3A_38 = arith.andi %select_n3A, %and3A_37 : vector<16xi32>
    %iota3A = tpu.iota {dimensions = array<i32: 0>} : vector<16xi32>
    %add3A_39 = arith.constant 0 : i32
    %add3A_40 = vector.broadcast %add3A_39 : i32 to vector<16xi32>
    %add3A_41 = arith.addi %iota3A, %add3A_40 : vector<16xi32>
    %or3A = arith.ori %and3A_38, %add3A_41 : vector<16xi32>
    %scan3A_42 = arith.constant 0 : i32
    %scan3A_43 = arith.constant 2048 : i32
    %scan3A_44 = arith.addi %scan3A_42, %scan3A_43 : i32
    %scan3A_45 = arith.constant 4 : i32
    %scan3A_46:4 = scf.for %scan3A_394 = %scan3A_42 to %scan3A_44 step %scan3A_45 iter_args(%scan3A_395 = %and3A_32, %scan3A_396 = %unique3A_35, %scan3A_397 = %unique3A, %scan3A_398 = %or3A) -> (vector<16xi32>, vector<16xi32>, vector<16xi1>, vector<16xi32>)  : i32 {
      %add3A_399 = arith.constant 1 : i32
      %add3A_400 = arith.addi %scan3A_394, %add3A_399 : i32
      %min3A = arith.constant 2047 : i32
      %min3A_401 = arith.minsi %add3A_400, %min3A : i32
      %mul3A_402 = arith.constant 16 : i32
      %mul3A_403 = arith.muli %min3A_401, %mul3A_402 : i32
      %get3A_404 = arith.index_cast %mul3A_403 : i32 to index
      %get3A_405 = tpu.vector_load %arg4[%get3A_404] {strides = array<i32>} : memref<32768xf32, #tpu.memory_space<vmem>>, vector<16xf32>,
      %bitcast_convert_type3A_406 = tpu.bitcast %get3A_405 : vector<16xf32> -> vector<16xi32>
      %ge3A_407 = arith.constant 0 : i32
      %ge3A_408 = vector.broadcast %ge3A_407 : i32 to vector<16xi32>
      %ge3A_409 = arith.cmpi sge, %bitcast_convert_type3A_406, %ge3A_408 : vector<16xi32>
      %not3A_410 = arith.constant dense<-1> : vector<16xi32>
      %not3A_411 = arith.xori %bitcast_convert_type3A_406, %not3A_410 : vector<16xi32>
      %and3A_412 = arith.constant 2147483647 : i32
      %and3A_413 = vector.broadcast %and3A_412 : i32 to vector<16xi32>
      %and3A_414 = arith.andi %not3A_411, %and3A_413 : vector<16xi32>
      %select_n3A_415 = arith.select %ge3A_409, %and3A_414, %bitcast_convert_type3A_406 : vector<16xi1>, vector<16xi32>
      %and3A_416 = arith.constant 32767 : i32
      %and3A_417 = vector.broadcast %and3A_416 : i32 to vector<16xi32>
      %and3A_418 = arith.andi %select_n3A_415, %and3A_417 : vector<16xi32>
      %broadcast_in_dim3A_419 = arith.constant true
      %broadcast_in_dim3A_420 = vector.broadcast %broadcast_in_dim3A_419 : i1 to vector<16xi1>
      %unique3A_421, %unique3A_422 = tpu.scan_count mask(%broadcast_in_dim3A_420 : vector<16xi1>) value(%and3A_418 : vector<16xi32>) : vector<16xi1>, vector<16xi32>
      %and3A_423 = arith.constant -32768 : i32
      %and3A_424 = vector.broadcast %and3A_423 : i32 to vector<16xi32>
      %and3A_425 = arith.andi %select_n3A_415, %and3A_424 : vector<16xi32>
      %iota3A_426 = tpu.iota {dimensions = array<i32: 0>} : vector<16xi32>
      %mul3A_427 = arith.constant 16 : i32
      %mul3A_428 = arith.muli %min3A_401, %mul3A_427 : i32
      %add3A_429 = vector.broadcast %mul3A_428 : i32 to vector<16xi32>
      %add3A_430 = arith.addi %iota3A_426, %add3A_429 : vector<16xi32>
      %or3A_431 = arith.ori %and3A_425, %add3A_430 : vector<16xi32>
      %gather3A = tpu.vector_load_idx %arg6[%scan3A_395] : memref<32768xi32, #tpu.memory_space<vmem>>[vector<16xi32>], vector<16xi32>,
      %add3A_432 = arith.addi %gather3A, %scan3A_396 : vector<16xi32>
      %sub3A_433 = arith.constant 1 : i32
      %sub3A_434 = vector.broadcast %sub3A_433 : i32 to vector<16xi32>
      %sub3A_435 = arith.subi %add3A_432, %sub3A_434 : vector<16xi32>
      tpu.vector_store_idx %arg5[%sub3A_435], %scan3A_398 : memref<32768xi32, #tpu.memory_space<vmem>>[vector<16xi32>], vector<16xi32>,
      tpu.vector_store_idx %arg6[%scan3A_395], %scan3A_396 masked %scan3A_397 {add = true} : memref<32768xi32, #tpu.memory_space<vmem>>[vector<16xi32>], vector<16xi32>, vector<16xi1>
      %shift_right_logical3A_436 = arith.constant 15 : i32
      %shift_right_logical3A_437 = vector.broadcast %shift_right_logical3A_436 : i32 to vector<16xi32>
      %shift_right_logical3A_438 = arith.shrui %scan3A_398, %shift_right_logical3A_437 : vector<16xi32>
      %and3A_439 = arith.constant 63 : i32
      %and3A_440 = vector.broadcast %and3A_439 : i32 to vector<16xi32>
      %and3A_441 = arith.andi %shift_right_logical3A_438, %and3A_440 : vector<16xi32>
      tpu.vector_store_idx %arg7[%and3A_441], %broadcast_in_dim3A_1 {add = true} : memref<2112xi32, #tpu.memory_space<vmem>>[vector<16xi32>], vector<16xi32>,
      %scan3A_442 = arith.constant 1 : i32
      %scan3A_443 = arith.addi %scan3A_394, %scan3A_442 : i32
      %add3A_444 = arith.constant 1 : i32
      %add3A_445 = arith.addi %scan3A_443, %add3A_444 : i32
      %min3A_446 = arith.constant 2047 : i32
      %min3A_447 = arith.minsi %add3A_445, %min3A_446 : i32
      %mul3A_448 = arith.constant 16 : i32
      %mul3A_449 = arith.muli %min3A_447, %mul3A_448 : i32
      %get3A_450 = arith.index_cast %mul3A_449 : i32 to index
      %get3A_451 = tpu.vector_load %arg4[%get3A_450] {strides = array<i32>} : memref<32768xf32, #tpu.memory_space<vmem>>, vector<16xf32>,
      %bitcast_convert_type3A_452 = tpu.bitcast %get3A_451 : vector<16xf32> -> vector<16xi32>
      %ge3A_453 = arith.constant 0 : i32
      %ge3A_454 = vector.broadcast %ge3A_453 : i32 to vector<16xi32>
      %ge3A_455 = arith.cmpi sge, %bitcast_convert_type3A_452, %ge3A_454 : vector<16xi32>
      %not3A_456 = arith.constant dense<-1> : vector<16xi32>
      %not3A_457 = arith.xori %bitcast_convert_type3A_452, %not3A_456 : vector<16xi32>
      %and3A_458 = arith.constant 2147483647 : i32
      %and3A_459 = vector.broadcast %and3A_458 : i32 to vector<16xi32>
      %and3A_460 = arith.andi %not3A_457, %and3A_459 : vector<16xi32>
      %select_n3A_461 = arith.select %ge3A_455, %and3A_460, %bitcast_convert_type3A_452 : vector<16xi1>, vector<16xi32>
      %and3A_462 = arith.constant 32767 : i32
      %and3A_463 = vector.broadcast %and3A_462 : i32 to vector<16xi32>
      %and3A_464 = arith.andi %select_n3A_461, %and3A_463 : vector<16xi32>
      %broadcast_in_dim3A_465 = arith.constant true
      %broadcast_in_dim3A_466 = vector.broadcast %broadcast_in_dim3A_465 : i1 to vector<16xi1>
      %unique3A_467, %unique3A_468 = tpu.scan_count mask(%broadcast_in_dim3A_466 : vector<16xi1>) value(%and3A_464 : vector<16xi32>) : vector<16xi1>, vector<16xi32>
      %and3A_469 = arith.constant -32768 : i32
      %and3A_470 = vector.broadcast %and3A_469 : i32 to vector<16xi32>
      %and3A_471 = arith.andi %select_n3A_461, %and3A_470 : vector<16xi32>
      %iota3A_472 = tpu.iota {dimensions = array<i32: 0>} : vector<16xi32>
      %mul3A_473 = arith.constant 16 : i32
      %mul3A_474 = arith.muli %min3A_447, %mul3A_473 : i32
      %add3A_475 = vector.broadcast %mul3A_474 : i32 to vector<16xi32>
      %add3A_476 = arith.addi %iota3A_472, %add3A_475 : vector<16xi32>
      %or3A_477 = arith.ori %and3A_471, %add3A_476 : vector<16xi32>
      %gather3A_478 = tpu.vector_load_idx %arg6[%and3A_418] : memref<32768xi32, #tpu.memory_space<vmem>>[vector<16xi32>], vector<16xi32>,
      %add3A_479 = arith.addi %gather3A_478, %unique3A_422 : vector<16xi32>
      %sub3A_480 = arith.constant 1 : i32
      %sub3A_481 = vector.broadcast %sub3A_480 : i32 to vector<16xi32>
      %sub3A_482 = arith.subi %add3A_479, %sub3A_481 : vector<16xi32>
      tpu.vector_store_idx %arg5[%sub3A_482], %or3A_431 : memref<32768xi32, #tpu.memory_space<vmem>>[vector<16xi32>], vector<16xi32>,
      tpu.vector_store_idx %arg6[%and3A_418], %unique3A_422 masked %unique3A_421 {add = true} : memref<32768xi32, #tpu.memory_space<vmem>>[vector<16xi32>], vector<16xi32>, vector<16xi1>
      %shift_right_logical3A_483 = arith.constant 15 : i32
      %shift_right_logical3A_484 = vector.broadcast %shift_right_logical3A_483 : i32 to vector<16xi32>
      %shift_right_logical3A_485 = arith.shrui %or3A_431, %shift_right_logical3A_484 : vector<16xi32>
      %and3A_486 = arith.constant 63 : i32
      %and3A_487 = vector.broadcast %and3A_486 : i32 to vector<16xi32>
      %and3A_488 = arith.andi %shift_right_logical3A_485, %and3A_487 : vector<16xi32>
      tpu.vector_store_idx %arg7[%and3A_488], %broadcast_in_dim3A_1 {add = true} : memref<2112xi32, #tpu.memory_space<vmem>>[vector<16xi32>], vector<16xi32>,
      %scan3A_489 = arith.constant 2 : i32
      %scan3A_490 = arith.addi %scan3A_394, %scan3A_489 : i32
      %add3A_491 = arith.constant 1 : i32
      %add3A_492 = arith.addi %scan3A_490, %add3A_491 : i32
      %min3A_493 = arith.constant 2047 : i32
      %min3A_494 = arith.minsi %add3A_492, %min3A_493 : i32
      %mul3A_495 = arith.constant 16 : i32
      %mul3A_496 = arith.muli %min3A_494, %mul3A_495 : i32
      %get3A_497 = arith.index_cast %mul3A_496 : i32 to index
      %get3A_498 = tpu.vector_load %arg4[%get3A_497] {strides = array<i32>} : memref<32768xf32, #tpu.memory_space<vmem>>, vector<16xf32>,
      %bitcast_convert_type3A_499 = tpu.bitcast %get3A_498 : vector<16xf32> -> vector<16xi32>
      %ge3A_500 = arith.constant 0 : i32
      %ge3A_501 = vector.broadcast %ge3A_500 : i32 to vector<16xi32>
      %ge3A_502 = arith.cmpi sge, %bitcast_convert_type3A_499, %ge3A_501 : vector<16xi32>
      %not3A_503 = arith.constant dense<-1> : vector<16xi32>
      %not3A_504 = arith.xori %bitcast_convert_type3A_499, %not3A_503 : vector<16xi32>
      %and3A_505 = arith.constant 2147483647 : i32
      %and3A_506 = vector.broadcast %and3A_505 : i32 to vector<16xi32>
      %and3A_507 = arith.andi %not3A_504, %and3A_506 : vector<16xi32>
      %select_n3A_508 = arith.select %ge3A_502, %and3A_507, %bitcast_convert_type3A_499 : vector<16xi1>, vector<16xi32>
      %and3A_509 = arith.constant 32767 : i32
      %and3A_510 = vector.broadcast %and3A_509 : i32 to vector<16xi32>
      %and3A_511 = arith.andi %select_n3A_508, %and3A_510 : vector<16xi32>
      %broadcast_in_dim3A_512 = arith.constant true
      %broadcast_in_dim3A_513 = vector.broadcast %broadcast_in_dim3A_512 : i1 to vector<16xi1>
      %unique3A_514, %unique3A_515 = tpu.scan_count mask(%broadcast_in_dim3A_513 : vector<16xi1>) value(%and3A_511 : vector<16xi32>) : vector<16xi1>, vector<16xi32>
      %and3A_516 = arith.constant -32768 : i32
      %and3A_517 = vector.broadcast %and3A_516 : i32 to vector<16xi32>
      %and3A_518 = arith.andi %select_n3A_508, %and3A_517 : vector<16xi32>
      %iota3A_519 = tpu.iota {dimensions = array<i32: 0>} : vector<16xi32>
      %mul3A_520 = arith.constant 16 : i32
      %mul3A_521 = arith.muli %min3A_494, %mul3A_520 : i32
      %add3A_522 = vector.broadcast %mul3A_521 : i32 to vector<16xi32>
      %add3A_523 = arith.addi %iota3A_519, %add3A_522 : vector<16xi32>
      %or3A_524 = arith.ori %and3A_518, %add3A_523 : vector<16xi32>
      %gather3A_525 = tpu.vector_load_idx %arg6[%and3A_464] : memref<32768xi32, #tpu.memory_space<vmem>>[vector<16xi32>], vector<16xi32>,
      %add3A_526 = arith.addi %gather3A_525, %unique3A_468 : vector<16xi32>
      %sub3A_527 = arith.constant 1 : i32
      %sub3A_528 = vector.broadcast %sub3A_527 : i32 to vector<16xi32>
      %sub3A_529 = arith.subi %add3A_526, %sub3A_528 : vector<16xi32>
      tpu.vector_store_idx %arg5[%sub3A_529], %or3A_477 : memref<32768xi32, #tpu.memory_space<vmem>>[vector<16xi32>], vector<16xi32>,
      tpu.vector_store_idx %arg6[%and3A_464], %unique3A_468 masked %unique3A_467 {add = true} : memref<32768xi32, #tpu.memory_space<vmem>>[vector<16xi32>], vector<16xi32>, vector<16xi1>
      %shift_right_logical3A_530 = arith.constant 15 : i32
      %shift_right_logical3A_531 = vector.broadcast %shift_right_logical3A_530 : i32 to vector<16xi32>
      %shift_right_logical3A_532 = arith.shrui %or3A_477, %shift_right_logical3A_531 : vector<16xi32>
      %and3A_533 = arith.constant 63 : i32
      %and3A_534 = vector.broadcast %and3A_533 : i32 to vector<16xi32>
      %and3A_535 = arith.andi %shift_right_logical3A_532, %and3A_534 : vector<16xi32>
      tpu.vector_store_idx %arg7[%and3A_535], %broadcast_in_dim3A_1 {add = true} : memref<2112xi32, #tpu.memory_space<vmem>>[vector<16xi32>], vector<16xi32>,
      %scan3A_536 = arith.constant 3 : i32
      %scan3A_537 = arith.addi %scan3A_394, %scan3A_536 : i32
      %add3A_538 = arith.constant 1 : i32
      %add3A_539 = arith.addi %scan3A_537, %add3A_538 : i32
      %min3A_540 = arith.constant 2047 : i32
      %min3A_541 = arith.minsi %add3A_539, %min3A_540 : i32
      %mul3A_542 = arith.constant 16 : i32
      %mul3A_543 = arith.muli %min3A_541, %mul3A_542 : i32
      %get3A_544 = arith.index_cast %mul3A_543 : i32 to index
      %get3A_545 = tpu.vector_load %arg4[%get3A_544] {strides = array<i32>} : memref<32768xf32, #tpu.memory_space<vmem>>, vector<16xf32>,
      %bitcast_convert_type3A_546 = tpu.bitcast %get3A_545 : vector<16xf32> -> vector<16xi32>
      %ge3A_547 = arith.constant 0 : i32
      %ge3A_548 = vector.broadcast %ge3A_547 : i32 to vector<16xi32>
      %ge3A_549 = arith.cmpi sge, %bitcast_convert_type3A_546, %ge3A_548 : vector<16xi32>
      %not3A_550 = arith.constant dense<-1> : vector<16xi32>
      %not3A_551 = arith.xori %bitcast_convert_type3A_546, %not3A_550 : vector<16xi32>
      %and3A_552 = arith.constant 2147483647 : i32
      %and3A_553 = vector.broadcast %and3A_552 : i32 to vector<16xi32>
      %and3A_554 = arith.andi %not3A_551, %and3A_553 : vector<16xi32>
      %select_n3A_555 = arith.select %ge3A_549, %and3A_554, %bitcast_convert_type3A_546 : vector<16xi1>, vector<16xi32>
      %and3A_556 = arith.constant 32767 : i32
      %and3A_557 = vector.broadcast %and3A_556 : i32 to vector<16xi32>
      %and3A_558 = arith.andi %select_n3A_555, %and3A_557 : vector<16xi32>
      %broadcast_in_dim3A_559 = arith.constant true
      %broadcast_in_dim3A_560 = vector.broadcast %broadcast_in_dim3A_559 : i1 to vector<16xi1>
      %unique3A_561, %unique3A_562 = tpu.scan_count mask(%broadcast_in_dim3A_560 : vector<16xi1>) value(%and3A_558 : vector<16xi32>) : vector<16xi1>, vector<16xi32>
      %and3A_563 = arith.constant -32768 : i32
      %and3A_564 = vector.broadcast %and3A_563 : i32 to vector<16xi32>
      %and3A_565 = arith.andi %select_n3A_555, %and3A_564 : vector<16xi32>
      %iota3A_566 = tpu.iota {dimensions = array<i32: 0>} : vector<16xi32>
      %mul3A_567 = arith.constant 16 : i32
      %mul3A_568 = arith.muli %min3A_541, %mul3A_567 : i32
      %add3A_569 = vector.broadcast %mul3A_568 : i32 to vector<16xi32>
      %add3A_570 = arith.addi %iota3A_566, %add3A_569 : vector<16xi32>
      %or3A_571 = arith.ori %and3A_565, %add3A_570 : vector<16xi32>
      %gather3A_572 = tpu.vector_load_idx %arg6[%and3A_511] : memref<32768xi32, #tpu.memory_space<vmem>>[vector<16xi32>], vector<16xi32>,
      %add3A_573 = arith.addi %gather3A_572, %unique3A_515 : vector<16xi32>
      %sub3A_574 = arith.constant 1 : i32
      %sub3A_575 = vector.broadcast %sub3A_574 : i32 to vector<16xi32>
      %sub3A_576 = arith.subi %add3A_573, %sub3A_575 : vector<16xi32>
      tpu.vector_store_idx %arg5[%sub3A_576], %or3A_524 : memref<32768xi32, #tpu.memory_space<vmem>>[vector<16xi32>], vector<16xi32>,
      tpu.vector_store_idx %arg6[%and3A_511], %unique3A_515 masked %unique3A_514 {add = true} : memref<32768xi32, #tpu.memory_space<vmem>>[vector<16xi32>], vector<16xi32>, vector<16xi1>
      %shift_right_logical3A_577 = arith.constant 15 : i32
      %shift_right_logical3A_578 = vector.broadcast %shift_right_logical3A_577 : i32 to vector<16xi32>
      %shift_right_logical3A_579 = arith.shrui %or3A_524, %shift_right_logical3A_578 : vector<16xi32>
      %and3A_580 = arith.constant 63 : i32
      %and3A_581 = vector.broadcast %and3A_580 : i32 to vector<16xi32>
      %and3A_582 = arith.andi %shift_right_logical3A_579, %and3A_581 : vector<16xi32>
      tpu.vector_store_idx %arg7[%and3A_582], %broadcast_in_dim3A_1 {add = true} : memref<2112xi32, #tpu.memory_space<vmem>>[vector<16xi32>], vector<16xi32>,
      scf.yield %and3A_558, %unique3A_562, %unique3A_561, %or3A_571 : vector<16xi32>, vector<16xi32>, vector<16xi1>, vector<16xi32>
    }
    %scan3A_47 = arith.constant 2048 : i32
    %scan3A_48 = arith.constant 0 : i32
    %scan3A_49 = arith.constant 0 : i32
    %mul3A_50 = arith.constant 16 : i32
    %mul3A_51 = arith.muli %scan3A_49, %mul3A_50 : i32
    %add3A_52 = arith.constant 0 : i32
    %add3A_53 = arith.addi %add3A_52, %mul3A_51 : i32
    %get3A_54 = arith.index_cast %add3A_53 : i32 to index
    %get3A_55 = tpu.vector_load %arg7[%get3A_54] {strides = array<i32>} : memref<2112xi32, #tpu.memory_space<vmem>>, vector<16xi32>,
    %broadcast_in_dim3A_56 = arith.constant true
    %broadcast_in_dim3A_57 = vector.broadcast %broadcast_in_dim3A_56 : i1 to vector<16xi1>
    %masked_cumsum3A = tpu.scan <sum>, %get3A_55 masked %broadcast_in_dim3A_57 : vector<16xi32>, vector<16xi1> -> vector<16xi32>
    %sub3A = arith.subi %masked_cumsum3A, %get3A_55 : vector<16xi32>
    %add3A_58 = vector.broadcast %scan3A_48 : i32 to vector<16xi32>
    %add3A_59 = arith.addi %sub3A, %add3A_58 : vector<16xi32>
    %mul3A_60 = arith.constant 16 : i32
    %mul3A_61 = arith.muli %scan3A_49, %mul3A_60 : i32
    %add3A_62 = arith.constant 0 : i32
    %add3A_63 = arith.addi %add3A_62, %mul3A_61 : i32
    %swap3A = arith.index_cast %add3A_63 : i32 to index
    %swap3A_64 = tpu.vector_load %arg7[%swap3A] {strides = array<i32>} : memref<2112xi32, #tpu.memory_space<vmem>>, vector<16xi32>,
    tpu.vector_store %arg7[%swap3A], %add3A_59 {strides = array<i32>} : memref<2112xi32, #tpu.memory_space<vmem>>, vector<16xi32>,
    %slice3A = vector.extract_strided_slice %masked_cumsum3A {offsets = [15], sizes = [1], strides = [1]} : vector<16xi32> to vector<1xi32>
    %squeeze3A = vector.extract %slice3A[0] : i32 from vector<1xi32>
    %add3A_65 = arith.addi %scan3A_48, %squeeze3A : i32
    %scan3A_66 = arith.constant 1 : i32
    %mul3A_67 = arith.constant 16 : i32
    %mul3A_68 = arith.muli %scan3A_66, %mul3A_67 : i32
    %add3A_69 = arith.constant 0 : i32
    %add3A_70 = arith.addi %add3A_69, %mul3A_68 : i32
    %get3A_71 = arith.index_cast %add3A_70 : i32 to index
    %get3A_72 = tpu.vector_load %arg7[%get3A_71] {strides = array<i32>} : memref<2112xi32, #tpu.memory_space<vmem>>, vector<16xi32>,
    %broadcast_in_dim3A_73 = arith.constant true
    %broadcast_in_dim3A_74 = vector.broadcast %broadcast_in_dim3A_73 : i1 to vector<16xi1>
    %masked_cumsum3A_75 = tpu.scan <sum>, %get3A_72 masked %broadcast_in_dim3A_74 : vector<16xi32>, vector<16xi1> -> vector<16xi32>
    %sub3A_76 = arith.subi %masked_cumsum3A_75, %get3A_72 : vector<16xi32>
    %add3A_77 = vector.broadcast %add3A_65 : i32 to vector<16xi32>
    %add3A_78 = arith.addi %sub3A_76, %add3A_77 : vector<16xi32>
    %mul3A_79 = arith.constant 16 : i32
    %mul3A_80 = arith.muli %scan3A_66, %mul3A_79 : i32
    %add3A_81 = arith.constant 0 : i32
    %add3A_82 = arith.addi %add3A_81, %mul3A_80 : i32
    %swap3A_83 = arith.index_cast %add3A_82 : i32 to index
    %swap3A_84 = tpu.vector_load %arg7[%swap3A_83] {strides = array<i32>} : memref<2112xi32, #tpu.memory_space<vmem>>, vector<16xi32>,
    tpu.vector_store %arg7[%swap3A_83], %add3A_78 {strides = array<i32>} : memref<2112xi32, #tpu.memory_space<vmem>>, vector<16xi32>,
    %slice3A_85 = vector.extract_strided_slice %masked_cumsum3A_75 {offsets = [15], sizes = [1], strides = [1]} : vector<16xi32> to vector<1xi32>
    %squeeze3A_86 = vector.extract %slice3A_85[0] : i32 from vector<1xi32>
    %add3A_87 = arith.addi %add3A_65, %squeeze3A_86 : i32
    %scan3A_88 = arith.constant 2 : i32
    %mul3A_89 = arith.constant 16 : i32
    %mul3A_90 = arith.muli %scan3A_88, %mul3A_89 : i32
    %add3A_91 = arith.constant 0 : i32
    %add3A_92 = arith.addi %add3A_91, %mul3A_90 : i32
    %get3A_93 = arith.index_cast %add3A_92 : i32 to index
    %get3A_94 = tpu.vector_load %arg7[%get3A_93] {strides = array<i32>} : memref<2112xi32, #tpu.memory_space<vmem>>, vector<16xi32>,
    %broadcast_in_dim3A_95 = arith.constant true
    %broadcast_in_dim3A_96 = vector.broadcast %broadcast_in_dim3A_95 : i1 to vector<16xi1>
    %masked_cumsum3A_97 = tpu.scan <sum>, %get3A_94 masked %broadcast_in_dim3A_96 : vector<16xi32>, vector<16xi1> -> vector<16xi32>
    %sub3A_98 = arith.subi %masked_cumsum3A_97, %get3A_94 : vector<16xi32>
    %add3A_99 = vector.broadcast %add3A_87 : i32 to vector<16xi32>
    %add3A_100 = arith.addi %sub3A_98, %add3A_99 : vector<16xi32>
    %mul3A_101 = arith.constant 16 : i32
    %mul3A_102 = arith.muli %scan3A_88, %mul3A_101 : i32
    %add3A_103 = arith.constant 0 : i32
    %add3A_104 = arith.addi %add3A_103, %mul3A_102 : i32
    %swap3A_105 = arith.index_cast %add3A_104 : i32 to index
    %swap3A_106 = tpu.vector_load %arg7[%swap3A_105] {strides = array<i32>} : memref<2112xi32, #tpu.memory_space<vmem>>, vector<16xi32>,
    tpu.vector_store %arg7[%swap3A_105], %add3A_100 {strides = array<i32>} : memref<2112xi32, #tpu.memory_space<vmem>>, vector<16xi32>,
    %slice3A_107 = vector.extract_strided_slice %masked_cumsum3A_97 {offsets = [15], sizes = [1], strides = [1]} : vector<16xi32> to vector<1xi32>
    %squeeze3A_108 = vector.extract %slice3A_107[0] : i32 from vector<1xi32>
    %add3A_109 = arith.addi %add3A_87, %squeeze3A_108 : i32
    %scan3A_110 = arith.constant 3 : i32
    %mul3A_111 = arith.constant 16 : i32
    %mul3A_112 = arith.muli %scan3A_110, %mul3A_111 : i32
    %add3A_113 = arith.constant 0 : i32
    %add3A_114 = arith.addi %add3A_113, %mul3A_112 : i32
    %get3A_115 = arith.index_cast %add3A_114 : i32 to index
    %get3A_116 = tpu.vector_load %arg7[%get3A_115] {strides = array<i32>} : memref<2112xi32, #tpu.memory_space<vmem>>, vector<16xi32>,
    %broadcast_in_dim3A_117 = arith.constant true
    %broadcast_in_dim3A_118 = vector.broadcast %broadcast_in_dim3A_117 : i1 to vector<16xi1>
    %masked_cumsum3A_119 = tpu.scan <sum>, %get3A_116 masked %broadcast_in_dim3A_118 : vector<16xi32>, vector<16xi1> -> vector<16xi32>
    %sub3A_120 = arith.subi %masked_cumsum3A_119, %get3A_116 : vector<16xi32>
    %add3A_121 = vector.broadcast %add3A_109 : i32 to vector<16xi32>
    %add3A_122 = arith.addi %sub3A_120, %add3A_121 : vector<16xi32>
    %mul3A_123 = arith.constant 16 : i32
    %mul3A_124 = arith.muli %scan3A_110, %mul3A_123 : i32
    %add3A_125 = arith.constant 0 : i32
    %add3A_126 = arith.addi %add3A_125, %mul3A_124 : i32
    %swap3A_127 = arith.index_cast %add3A_126 : i32 to index
    %swap3A_128 = tpu.vector_load %arg7[%swap3A_127] {strides = array<i32>} : memref<2112xi32, #tpu.memory_space<vmem>>, vector<16xi32>,
    tpu.vector_store %arg7[%swap3A_127], %add3A_122 {strides = array<i32>} : memref<2112xi32, #tpu.memory_space<vmem>>, vector<16xi32>,
    %slice3A_129 = vector.extract_strided_slice %masked_cumsum3A_119 {offsets = [15], sizes = [1], strides = [1]} : vector<16xi32> to vector<1xi32>
    %squeeze3A_130 = vector.extract %slice3A_129[0] : i32 from vector<1xi32>
    %add3A_131 = arith.addi %add3A_109, %squeeze3A_130 : i32
    %scan3A_132 = arith.constant 4 : i32
    %get3A_133 = arith.constant 0 : index
    %get3A_134 = tpu.vector_load %arg5[%get3A_133] {strides = array<i32>} : memref<32768xi32, #tpu.memory_space<vmem>>, vector<16xi32>,
    %shift_right_logical3A = arith.constant 15 : i32
    %shift_right_logical3A_135 = vector.broadcast %shift_right_logical3A : i32 to vector<16xi32>
    %shift_right_logical3A_136 = arith.shrui %get3A_134, %shift_right_logical3A_135 : vector<16xi32>
    %and3A_137 = arith.constant 63 : i32
    %and3A_138 = vector.broadcast %and3A_137 : i32 to vector<16xi32>
    %and3A_139 = arith.andi %shift_right_logical3A_136, %and3A_138 : vector<16xi32>
    %broadcast_in_dim3A_140 = arith.constant true
    %broadcast_in_dim3A_141 = vector.broadcast %broadcast_in_dim3A_140 : i1 to vector<16xi1>
    %unique3A_142, %unique3A_143 = tpu.scan_count mask(%broadcast_in_dim3A_141 : vector<16xi1>) value(%and3A_139 : vector<16xi32>) : vector<16xi1>, vector<16xi32>
    %shift_right_logical3A_144 = arith.constant 21 : i32
    %shift_right_logical3A_145 = vector.broadcast %shift_right_logical3A_144 : i32 to vector<16xi32>
    %shift_right_logical3A_146 = arith.shrui %get3A_134, %shift_right_logical3A_145 : vector<16xi32>
    %shift_left3A = arith.constant 15 : i32
    %shift_left3A_147 = vector.broadcast %shift_left3A : i32 to vector<16xi32>
    %shift_left3A_148 = arith.shli %shift_right_logical3A_146, %shift_left3A_147 : vector<16xi32>
    %and3A_149 = arith.constant 32767 : i32
    %and3A_150 = vector.broadcast %and3A_149 : i32 to vector<16xi32>
    %and3A_151 = arith.andi %get3A_134, %and3A_150 : vector<16xi32>
    %or3A_152 = arith.ori %shift_left3A_148, %and3A_151 : vector<16xi32>
    %scan3A_153 = arith.constant 0 : i32
    %scan3A_154 = arith.constant 2048 : i32
    %scan3A_155 = arith.addi %scan3A_153, %scan3A_154 : i32
    %scan3A_156 = arith.constant 4 : i32
    %scan3A_157:4 = scf.for %scan3A_394 = %scan3A_153 to %scan3A_155 step %scan3A_156 iter_args(%scan3A_395 = %and3A_139, %scan3A_396 = %unique3A_143, %scan3A_397 = %unique3A_142, %scan3A_398 = %or3A_152) -> (vector<16xi32>, vector<16xi32>, vector<16xi1>, vector<16xi32>)  : i32 {
      %add3A_399 = arith.constant 1 : i32
      %add3A_400 = arith.addi %scan3A_394, %add3A_399 : i32
      %min3A = arith.constant 2047 : i32
      %min3A_401 = arith.minsi %add3A_400, %min3A : i32
      %mul3A_402 = arith.constant 16 : i32
      %mul3A_403 = arith.muli %min3A_401, %mul3A_402 : i32
      %get3A_404 = arith.index_cast %mul3A_403 : i32 to index
      %get3A_405 = tpu.vector_load %arg5[%get3A_404] {strides = array<i32>} : memref<32768xi32, #tpu.memory_space<vmem>>, vector<16xi32>,
      %shift_right_logical3A_406 = arith.constant 15 : i32
      %shift_right_logical3A_407 = vector.broadcast %shift_right_logical3A_406 : i32 to vector<16xi32>
      %shift_right_logical3A_408 = arith.shrui %get3A_405, %shift_right_logical3A_407 : vector<16xi32>
      %and3A_409 = arith.constant 63 : i32
      %and3A_410 = vector.broadcast %and3A_409 : i32 to vector<16xi32>
      %and3A_411 = arith.andi %shift_right_logical3A_408, %and3A_410 : vector<16xi32>
      %broadcast_in_dim3A_412 = arith.constant true
      %broadcast_in_dim3A_413 = vector.broadcast %broadcast_in_dim3A_412 : i1 to vector<16xi1>
      %unique3A_414, %unique3A_415 = tpu.scan_count mask(%broadcast_in_dim3A_413 : vector<16xi1>) value(%and3A_411 : vector<16xi32>) : vector<16xi1>, vector<16xi32>
      %shift_right_logical3A_416 = arith.constant 21 : i32
      %shift_right_logical3A_417 = vector.broadcast %shift_right_logical3A_416 : i32 to vector<16xi32>
      %shift_right_logical3A_418 = arith.shrui %get3A_405, %shift_right_logical3A_417 : vector<16xi32>
      %shift_left3A_419 = arith.constant 15 : i32
      %shift_left3A_420 = vector.broadcast %shift_left3A_419 : i32 to vector<16xi32>
      %shift_left3A_421 = arith.shli %shift_right_logical3A_418, %shift_left3A_420 : vector<16xi32>
      %and3A_422 = arith.constant 32767 : i32
      %and3A_423 = vector.broadcast %and3A_422 : i32 to vector<16xi32>
      %and3A_424 = arith.andi %get3A_405, %and3A_423 : vector<16xi32>
      %or3A_425 = arith.ori %shift_left3A_421, %and3A_424 : vector<16xi32>
      %gather3A = tpu.vector_load_idx %arg7[%scan3A_395] : memref<2112xi32, #tpu.memory_space<vmem>>[vector<16xi32>], vector<16xi32>,
      %add3A_426 = arith.addi %gather3A, %scan3A_396 : vector<16xi32>
      %sub3A_427 = arith.constant 1 : i32
      %sub3A_428 = vector.broadcast %sub3A_427 : i32 to vector<16xi32>
      %sub3A_429 = arith.subi %add3A_426, %sub3A_428 : vector<16xi32>
      tpu.vector_store_idx %arg6[%sub3A_429], %scan3A_398 : memref<32768xi32, #tpu.memory_space<vmem>>[vector<16xi32>], vector<16xi32>,
      tpu.vector_store_idx %arg7[%scan3A_395], %scan3A_396 masked %scan3A_397 {add = true} : memref<2112xi32, #tpu.memory_space<vmem>>[vector<16xi32>], vector<16xi32>, vector<16xi1>
      %shift_right_logical3A_430 = arith.constant 15 : i32
      %shift_right_logical3A_431 = vector.broadcast %shift_right_logical3A_430 : i32 to vector<16xi32>
      %shift_right_logical3A_432 = arith.shrui %scan3A_398, %shift_right_logical3A_431 : vector<16xi32>
      %add3A_433 = arith.constant 64 : i32
      %add3A_434 = vector.broadcast %add3A_433 : i32 to vector<16xi32>
      %add3A_435 = arith.addi %shift_right_logical3A_432, %add3A_434 : vector<16xi32>
      tpu.vector_store_idx %arg7[%add3A_435], %broadcast_in_dim3A_1 {add = true} : memref<2112xi32, #tpu.memory_space<vmem>>[vector<16xi32>], vector<16xi32>,
      %scan3A_436 = arith.constant 1 : i32
      %scan3A_437 = arith.addi %scan3A_394, %scan3A_436 : i32
      %add3A_438 = arith.constant 1 : i32
      %add3A_439 = arith.addi %scan3A_437, %add3A_438 : i32
      %min3A_440 = arith.constant 2047 : i32
      %min3A_441 = arith.minsi %add3A_439, %min3A_440 : i32
      %mul3A_442 = arith.constant 16 : i32
      %mul3A_443 = arith.muli %min3A_441, %mul3A_442 : i32
      %get3A_444 = arith.index_cast %mul3A_443 : i32 to index
      %get3A_445 = tpu.vector_load %arg5[%get3A_444] {strides = array<i32>} : memref<32768xi32, #tpu.memory_space<vmem>>, vector<16xi32>,
      %shift_right_logical3A_446 = arith.constant 15 : i32
      %shift_right_logical3A_447 = vector.broadcast %shift_right_logical3A_446 : i32 to vector<16xi32>
      %shift_right_logical3A_448 = arith.shrui %get3A_445, %shift_right_logical3A_447 : vector<16xi32>
      %and3A_449 = arith.constant 63 : i32
      %and3A_450 = vector.broadcast %and3A_449 : i32 to vector<16xi32>
      %and3A_451 = arith.andi %shift_right_logical3A_448, %and3A_450 : vector<16xi32>
      %broadcast_in_dim3A_452 = arith.constant true
      %broadcast_in_dim3A_453 = vector.broadcast %broadcast_in_dim3A_452 : i1 to vector<16xi1>
      %unique3A_454, %unique3A_455 = tpu.scan_count mask(%broadcast_in_dim3A_453 : vector<16xi1>) value(%and3A_451 : vector<16xi32>) : vector<16xi1>, vector<16xi32>
      %shift_right_logical3A_456 = arith.constant 21 : i32
      %shift_right_logical3A_457 = vector.broadcast %shift_right_logical3A_456 : i32 to vector<16xi32>
      %shift_right_logical3A_458 = arith.shrui %get3A_445, %shift_right_logical3A_457 : vector<16xi32>
      %shift_left3A_459 = arith.constant 15 : i32
      %shift_left3A_460 = vector.broadcast %shift_left3A_459 : i32 to vector<16xi32>
      %shift_left3A_461 = arith.shli %shift_right_logical3A_458, %shift_left3A_460 : vector<16xi32>
      %and3A_462 = arith.constant 32767 : i32
      %and3A_463 = vector.broadcast %and3A_462 : i32 to vector<16xi32>
      %and3A_464 = arith.andi %get3A_445, %and3A_463 : vector<16xi32>
      %or3A_465 = arith.ori %shift_left3A_461, %and3A_464 : vector<16xi32>
      %gather3A_466 = tpu.vector_load_idx %arg7[%and3A_411] : memref<2112xi32, #tpu.memory_space<vmem>>[vector<16xi32>], vector<16xi32>,
      %add3A_467 = arith.addi %gather3A_466, %unique3A_415 : vector<16xi32>
      %sub3A_468 = arith.constant 1 : i32
      %sub3A_469 = vector.broadcast %sub3A_468 : i32 to vector<16xi32>
      %sub3A_470 = arith.subi %add3A_467, %sub3A_469 : vector<16xi32>
      tpu.vector_store_idx %arg6[%sub3A_470], %or3A_425 : memref<32768xi32, #tpu.memory_space<vmem>>[vector<16xi32>], vector<16xi32>,
      tpu.vector_store_idx %arg7[%and3A_411], %unique3A_415 masked %unique3A_414 {add = true} : memref<2112xi32, #tpu.memory_space<vmem>>[vector<16xi32>], vector<16xi32>, vector<16xi1>
      %shift_right_logical3A_471 = arith.constant 15 : i32
      %shift_right_logical3A_472 = vector.broadcast %shift_right_logical3A_471 : i32 to vector<16xi32>
      %shift_right_logical3A_473 = arith.shrui %or3A_425, %shift_right_logical3A_472 : vector<16xi32>
      %add3A_474 = arith.constant 64 : i32
      %add3A_475 = vector.broadcast %add3A_474 : i32 to vector<16xi32>
      %add3A_476 = arith.addi %shift_right_logical3A_473, %add3A_475 : vector<16xi32>
      tpu.vector_store_idx %arg7[%add3A_476], %broadcast_in_dim3A_1 {add = true} : memref<2112xi32, #tpu.memory_space<vmem>>[vector<16xi32>], vector<16xi32>,
      %scan3A_477 = arith.constant 2 : i32
      %scan3A_478 = arith.addi %scan3A_394, %scan3A_477 : i32
      %add3A_479 = arith.constant 1 : i32
      %add3A_480 = arith.addi %scan3A_478, %add3A_479 : i32
      %min3A_481 = arith.constant 2047 : i32
      %min3A_482 = arith.minsi %add3A_480, %min3A_481 : i32
      %mul3A_483 = arith.constant 16 : i32
      %mul3A_484 = arith.muli %min3A_482, %mul3A_483 : i32
      %get3A_485 = arith.index_cast %mul3A_484 : i32 to index
      %get3A_486 = tpu.vector_load %arg5[%get3A_485] {strides = array<i32>} : memref<32768xi32, #tpu.memory_space<vmem>>, vector<16xi32>,
      %shift_right_logical3A_487 = arith.constant 15 : i32
      %shift_right_logical3A_488 = vector.broadcast %shift_right_logical3A_487 : i32 to vector<16xi32>
      %shift_right_logical3A_489 = arith.shrui %get3A_486, %shift_right_logical3A_488 : vector<16xi32>
      %and3A_490 = arith.constant 63 : i32
      %and3A_491 = vector.broadcast %and3A_490 : i32 to vector<16xi32>
      %and3A_492 = arith.andi %shift_right_logical3A_489, %and3A_491 : vector<16xi32>
      %broadcast_in_dim3A_493 = arith.constant true
      %broadcast_in_dim3A_494 = vector.broadcast %broadcast_in_dim3A_493 : i1 to vector<16xi1>
      %unique3A_495, %unique3A_496 = tpu.scan_count mask(%broadcast_in_dim3A_494 : vector<16xi1>) value(%and3A_492 : vector<16xi32>) : vector<16xi1>, vector<16xi32>
      %shift_right_logical3A_497 = arith.constant 21 : i32
      %shift_right_logical3A_498 = vector.broadcast %shift_right_logical3A_497 : i32 to vector<16xi32>
      %shift_right_logical3A_499 = arith.shrui %get3A_486, %shift_right_logical3A_498 : vector<16xi32>
      %shift_left3A_500 = arith.constant 15 : i32
      %shift_left3A_501 = vector.broadcast %shift_left3A_500 : i32 to vector<16xi32>
      %shift_left3A_502 = arith.shli %shift_right_logical3A_499, %shift_left3A_501 : vector<16xi32>
      %and3A_503 = arith.constant 32767 : i32
      %and3A_504 = vector.broadcast %and3A_503 : i32 to vector<16xi32>
      %and3A_505 = arith.andi %get3A_486, %and3A_504 : vector<16xi32>
      %or3A_506 = arith.ori %shift_left3A_502, %and3A_505 : vector<16xi32>
      %gather3A_507 = tpu.vector_load_idx %arg7[%and3A_451] : memref<2112xi32, #tpu.memory_space<vmem>>[vector<16xi32>], vector<16xi32>,
      %add3A_508 = arith.addi %gather3A_507, %unique3A_455 : vector<16xi32>
      %sub3A_509 = arith.constant 1 : i32
      %sub3A_510 = vector.broadcast %sub3A_509 : i32 to vector<16xi32>
      %sub3A_511 = arith.subi %add3A_508, %sub3A_510 : vector<16xi32>
      tpu.vector_store_idx %arg6[%sub3A_511], %or3A_465 : memref<32768xi32, #tpu.memory_space<vmem>>[vector<16xi32>], vector<16xi32>,
      tpu.vector_store_idx %arg7[%and3A_451], %unique3A_455 masked %unique3A_454 {add = true} : memref<2112xi32, #tpu.memory_space<vmem>>[vector<16xi32>], vector<16xi32>, vector<16xi1>
      %shift_right_logical3A_512 = arith.constant 15 : i32
      %shift_right_logical3A_513 = vector.broadcast %shift_right_logical3A_512 : i32 to vector<16xi32>
      %shift_right_logical3A_514 = arith.shrui %or3A_465, %shift_right_logical3A_513 : vector<16xi32>
      %add3A_515 = arith.constant 64 : i32
      %add3A_516 = vector.broadcast %add3A_515 : i32 to vector<16xi32>
      %add3A_517 = arith.addi %shift_right_logical3A_514, %add3A_516 : vector<16xi32>
      tpu.vector_store_idx %arg7[%add3A_517], %broadcast_in_dim3A_1 {add = true} : memref<2112xi32, #tpu.memory_space<vmem>>[vector<16xi32>], vector<16xi32>,
      %scan3A_518 = arith.constant 3 : i32
      %scan3A_519 = arith.addi %scan3A_394, %scan3A_518 : i32
      %add3A_520 = arith.constant 1 : i32
      %add3A_521 = arith.addi %scan3A_519, %add3A_520 : i32
      %min3A_522 = arith.constant 2047 : i32
      %min3A_523 = arith.minsi %add3A_521, %min3A_522 : i32
      %mul3A_524 = arith.constant 16 : i32
      %mul3A_525 = arith.muli %min3A_523, %mul3A_524 : i32
      %get3A_526 = arith.index_cast %mul3A_525 : i32 to index
      %get3A_527 = tpu.vector_load %arg5[%get3A_526] {strides = array<i32>} : memref<32768xi32, #tpu.memory_space<vmem>>, vector<16xi32>,
      %shift_right_logical3A_528 = arith.constant 15 : i32
      %shift_right_logical3A_529 = vector.broadcast %shift_right_logical3A_528 : i32 to vector<16xi32>
      %shift_right_logical3A_530 = arith.shrui %get3A_527, %shift_right_logical3A_529 : vector<16xi32>
      %and3A_531 = arith.constant 63 : i32
      %and3A_532 = vector.broadcast %and3A_531 : i32 to vector<16xi32>
      %and3A_533 = arith.andi %shift_right_logical3A_530, %and3A_532 : vector<16xi32>
      %broadcast_in_dim3A_534 = arith.constant true
      %broadcast_in_dim3A_535 = vector.broadcast %broadcast_in_dim3A_534 : i1 to vector<16xi1>
      %unique3A_536, %unique3A_537 = tpu.scan_count mask(%broadcast_in_dim3A_535 : vector<16xi1>) value(%and3A_533 : vector<16xi32>) : vector<16xi1>, vector<16xi32>
      %shift_right_logical3A_538 = arith.constant 21 : i32
      %shift_right_logical3A_539 = vector.broadcast %shift_right_logical3A_538 : i32 to vector<16xi32>
      %shift_right_logical3A_540 = arith.shrui %get3A_527, %shift_right_logical3A_539 : vector<16xi32>
      %shift_left3A_541 = arith.constant 15 : i32
      %shift_left3A_542 = vector.broadcast %shift_left3A_541 : i32 to vector<16xi32>
      %shift_left3A_543 = arith.shli %shift_right_logical3A_540, %shift_left3A_542 : vector<16xi32>
      %and3A_544 = arith.constant 32767 : i32
      %and3A_545 = vector.broadcast %and3A_544 : i32 to vector<16xi32>
      %and3A_546 = arith.andi %get3A_527, %and3A_545 : vector<16xi32>
      %or3A_547 = arith.ori %shift_left3A_543, %and3A_546 : vector<16xi32>
      %gather3A_548 = tpu.vector_load_idx %arg7[%and3A_492] : memref<2112xi32, #tpu.memory_space<vmem>>[vector<16xi32>], vector<16xi32>,
      %add3A_549 = arith.addi %gather3A_548, %unique3A_496 : vector<16xi32>
      %sub3A_550 = arith.constant 1 : i32
      %sub3A_551 = vector.broadcast %sub3A_550 : i32 to vector<16xi32>
      %sub3A_552 = arith.subi %add3A_549, %sub3A_551 : vector<16xi32>
      tpu.vector_store_idx %arg6[%sub3A_552], %or3A_506 : memref<32768xi32, #tpu.memory_space<vmem>>[vector<16xi32>], vector<16xi32>,
      tpu.vector_store_idx %arg7[%and3A_492], %unique3A_496 masked %unique3A_495 {add = true} : memref<2112xi32, #tpu.memory_space<vmem>>[vector<16xi32>], vector<16xi32>, vector<16xi1>
      %shift_right_logical3A_553 = arith.constant 15 : i32
      %shift_right_logical3A_554 = vector.broadcast %shift_right_logical3A_553 : i32 to vector<16xi32>
      %shift_right_logical3A_555 = arith.shrui %or3A_506, %shift_right_logical3A_554 : vector<16xi32>
      %add3A_556 = arith.constant 64 : i32
      %add3A_557 = vector.broadcast %add3A_556 : i32 to vector<16xi32>
      %add3A_558 = arith.addi %shift_right_logical3A_555, %add3A_557 : vector<16xi32>
      tpu.vector_store_idx %arg7[%add3A_558], %broadcast_in_dim3A_1 {add = true} : memref<2112xi32, #tpu.memory_space<vmem>>[vector<16xi32>], vector<16xi32>,
      scf.yield %and3A_533, %unique3A_537, %unique3A_536, %or3A_547 : vector<16xi32>, vector<16xi32>, vector<16xi1>, vector<16xi32>
    }
    %scan3A_158 = arith.constant 2048 : i32
    %scan3A_159 = arith.constant 0 : i32
    %scan3A_160 = arith.constant 0 : i32
    %scan3A_161 = arith.constant 128 : i32
    %scan3A_162 = arith.addi %scan3A_160, %scan3A_161 : i32
    %scan3A_163 = arith.constant 4 : i32
    %scan3A_164 = scf.for %scan3A_394 = %scan3A_160 to %scan3A_162 step %scan3A_163 iter_args(%scan3A_395 = %scan3A_159) -> (i32)  : i32 {
      %mul3A_396 = arith.constant 16 : i32
      %mul3A_397 = arith.muli %scan3A_394, %mul3A_396 : i32
      %add3A_398 = arith.constant 64 : i32
      %add3A_399 = arith.addi %add3A_398, %mul3A_397 : i32
      %get3A_400 = arith.index_cast %add3A_399 : i32 to index
      %get3A_401 = tpu.vector_load %arg7[%get3A_400] {strides = array<i32>} : memref<2112xi32, #tpu.memory_space<vmem>>, vector<16xi32>,
      %broadcast_in_dim3A_402 = arith.constant true
      %broadcast_in_dim3A_403 = vector.broadcast %broadcast_in_dim3A_402 : i1 to vector<16xi1>
      %masked_cumsum3A_404 = tpu.scan <sum>, %get3A_401 masked %broadcast_in_dim3A_403 : vector<16xi32>, vector<16xi1> -> vector<16xi32>
      %sub3A_405 = arith.subi %masked_cumsum3A_404, %get3A_401 : vector<16xi32>
      %add3A_406 = vector.broadcast %scan3A_395 : i32 to vector<16xi32>
      %add3A_407 = arith.addi %sub3A_405, %add3A_406 : vector<16xi32>
      %mul3A_408 = arith.constant 16 : i32
      %mul3A_409 = arith.muli %scan3A_394, %mul3A_408 : i32
      %add3A_410 = arith.constant 64 : i32
      %add3A_411 = arith.addi %add3A_410, %mul3A_409 : i32
      %swap3A_412 = arith.index_cast %add3A_411 : i32 to index
      %swap3A_413 = tpu.vector_load %arg7[%swap3A_412] {strides = array<i32>} : memref<2112xi32, #tpu.memory_space<vmem>>, vector<16xi32>,
      tpu.vector_store %arg7[%swap3A_412], %add3A_407 {strides = array<i32>} : memref<2112xi32, #tpu.memory_space<vmem>>, vector<16xi32>,
      %slice3A_414 = vector.extract_strided_slice %masked_cumsum3A_404 {offsets = [15], sizes = [1], strides = [1]} : vector<16xi32> to vector<1xi32>
      %squeeze3A_415 = vector.extract %slice3A_414[0] : i32 from vector<1xi32>
      %add3A_416 = arith.addi %scan3A_395, %squeeze3A_415 : i32
      %scan3A_417 = arith.constant 1 : i32
      %scan3A_418 = arith.addi %scan3A_394, %scan3A_417 : i32
      %mul3A_419 = arith.constant 16 : i32
      %mul3A_420 = arith.muli %scan3A_418, %mul3A_419 : i32
      %add3A_421 = arith.constant 64 : i32
      %add3A_422 = arith.addi %add3A_421, %mul3A_420 : i32
      %get3A_423 = arith.index_cast %add3A_422 : i32 to index
      %get3A_424 = tpu.vector_load %arg7[%get3A_423] {strides = array<i32>} : memref<2112xi32, #tpu.memory_space<vmem>>, vector<16xi32>,
      %broadcast_in_dim3A_425 = arith.constant true
      %broadcast_in_dim3A_426 = vector.broadcast %broadcast_in_dim3A_425 : i1 to vector<16xi1>
      %masked_cumsum3A_427 = tpu.scan <sum>, %get3A_424 masked %broadcast_in_dim3A_426 : vector<16xi32>, vector<16xi1> -> vector<16xi32>
      %sub3A_428 = arith.subi %masked_cumsum3A_427, %get3A_424 : vector<16xi32>
      %add3A_429 = vector.broadcast %add3A_416 : i32 to vector<16xi32>
      %add3A_430 = arith.addi %sub3A_428, %add3A_429 : vector<16xi32>
      %mul3A_431 = arith.constant 16 : i32
      %mul3A_432 = arith.muli %scan3A_418, %mul3A_431 : i32
      %add3A_433 = arith.constant 64 : i32
      %add3A_434 = arith.addi %add3A_433, %mul3A_432 : i32
      %swap3A_435 = arith.index_cast %add3A_434 : i32 to index
      %swap3A_436 = tpu.vector_load %arg7[%swap3A_435] {strides = array<i32>} : memref<2112xi32, #tpu.memory_space<vmem>>, vector<16xi32>,
      tpu.vector_store %arg7[%swap3A_435], %add3A_430 {strides = array<i32>} : memref<2112xi32, #tpu.memory_space<vmem>>, vector<16xi32>,
      %slice3A_437 = vector.extract_strided_slice %masked_cumsum3A_427 {offsets = [15], sizes = [1], strides = [1]} : vector<16xi32> to vector<1xi32>
      %squeeze3A_438 = vector.extract %slice3A_437[0] : i32 from vector<1xi32>
      %add3A_439 = arith.addi %add3A_416, %squeeze3A_438 : i32
      %scan3A_440 = arith.constant 2 : i32
      %scan3A_441 = arith.addi %scan3A_394, %scan3A_440 : i32
      %mul3A_442 = arith.constant 16 : i32
      %mul3A_443 = arith.muli %scan3A_441, %mul3A_442 : i32
      %add3A_444 = arith.constant 64 : i32
      %add3A_445 = arith.addi %add3A_444, %mul3A_443 : i32
      %get3A_446 = arith.index_cast %add3A_445 : i32 to index
      %get3A_447 = tpu.vector_load %arg7[%get3A_446] {strides = array<i32>} : memref<2112xi32, #tpu.memory_space<vmem>>, vector<16xi32>,
      %broadcast_in_dim3A_448 = arith.constant true
      %broadcast_in_dim3A_449 = vector.broadcast %broadcast_in_dim3A_448 : i1 to vector<16xi1>
      %masked_cumsum3A_450 = tpu.scan <sum>, %get3A_447 masked %broadcast_in_dim3A_449 : vector<16xi32>, vector<16xi1> -> vector<16xi32>
      %sub3A_451 = arith.subi %masked_cumsum3A_450, %get3A_447 : vector<16xi32>
      %add3A_452 = vector.broadcast %add3A_439 : i32 to vector<16xi32>
      %add3A_453 = arith.addi %sub3A_451, %add3A_452 : vector<16xi32>
      %mul3A_454 = arith.constant 16 : i32
      %mul3A_455 = arith.muli %scan3A_441, %mul3A_454 : i32
      %add3A_456 = arith.constant 64 : i32
      %add3A_457 = arith.addi %add3A_456, %mul3A_455 : i32
      %swap3A_458 = arith.index_cast %add3A_457 : i32 to index
      %swap3A_459 = tpu.vector_load %arg7[%swap3A_458] {strides = array<i32>} : memref<2112xi32, #tpu.memory_space<vmem>>, vector<16xi32>,
      tpu.vector_store %arg7[%swap3A_458], %add3A_453 {strides = array<i32>} : memref<2112xi32, #tpu.memory_space<vmem>>, vector<16xi32>,
      %slice3A_460 = vector.extract_strided_slice %masked_cumsum3A_450 {offsets = [15], sizes = [1], strides = [1]} : vector<16xi32> to vector<1xi32>
      %squeeze3A_461 = vector.extract %slice3A_460[0] : i32 from vector<1xi32>
      %add3A_462 = arith.addi %add3A_439, %squeeze3A_461 : i32
      %scan3A_463 = arith.constant 3 : i32
      %scan3A_464 = arith.addi %scan3A_394, %scan3A_463 : i32
      %mul3A_465 = arith.constant 16 : i32
      %mul3A_466 = arith.muli %scan3A_464, %mul3A_465 : i32
      %add3A_467 = arith.constant 64 : i32
      %add3A_468 = arith.addi %add3A_467, %mul3A_466 : i32
      %get3A_469 = arith.index_cast %add3A_468 : i32 to index
      %get3A_470 = tpu.vector_load %arg7[%get3A_469] {strides = array<i32>} : memref<2112xi32, #tpu.memory_space<vmem>>, vector<16xi32>,
      %broadcast_in_dim3A_471 = arith.constant true
      %broadcast_in_dim3A_472 = vector.broadcast %broadcast_in_dim3A_471 : i1 to vector<16xi1>
      %masked_cumsum3A_473 = tpu.scan <sum>, %get3A_470 masked %broadcast_in_dim3A_472 : vector<16xi32>, vector<16xi1> -> vector<16xi32>
      %sub3A_474 = arith.subi %masked_cumsum3A_473, %get3A_470 : vector<16xi32>
      %add3A_475 = vector.broadcast %add3A_462 : i32 to vector<16xi32>
      %add3A_476 = arith.addi %sub3A_474, %add3A_475 : vector<16xi32>
      %mul3A_477 = arith.constant 16 : i32
      %mul3A_478 = arith.muli %scan3A_464, %mul3A_477 : i32
      %add3A_479 = arith.constant 64 : i32
      %add3A_480 = arith.addi %add3A_479, %mul3A_478 : i32
      %swap3A_481 = arith.index_cast %add3A_480 : i32 to index
      %swap3A_482 = tpu.vector_load %arg7[%swap3A_481] {strides = array<i32>} : memref<2112xi32, #tpu.memory_space<vmem>>, vector<16xi32>,
      tpu.vector_store %arg7[%swap3A_481], %add3A_476 {strides = array<i32>} : memref<2112xi32, #tpu.memory_space<vmem>>, vector<16xi32>,
      %slice3A_483 = vector.extract_strided_slice %masked_cumsum3A_473 {offsets = [15], sizes = [1], strides = [1]} : vector<16xi32> to vector<1xi32>
      %squeeze3A_484 = vector.extract %slice3A_483[0] : i32 from vector<1xi32>
      %add3A_485 = arith.addi %add3A_462, %squeeze3A_484 : i32
      scf.yield %add3A_485 : i32
    }
    %scan3A_165 = arith.constant 128 : i32
    %get3A_166 = arith.constant 0 : index
    %get3A_167 = tpu.vector_load %arg6[%get3A_166] {strides = array<i32>} : memref<32768xi32, #tpu.memory_space<vmem>>, vector<16xi32>,
    %shift_right_logical3A_168 = arith.constant 15 : i32
    %shift_right_logical3A_169 = vector.broadcast %shift_right_logical3A_168 : i32 to vector<16xi32>
    %shift_right_logical3A_170 = arith.shrui %get3A_167, %shift_right_logical3A_169 : vector<16xi32>
    %add3A_171 = arith.constant 64 : i32
    %add3A_172 = vector.broadcast %add3A_171 : i32 to vector<16xi32>
    %add3A_173 = arith.addi %shift_right_logical3A_170, %add3A_172 : vector<16xi32>
    %broadcast_in_dim3A_174 = arith.constant true
    %broadcast_in_dim3A_175 = vector.broadcast %broadcast_in_dim3A_174 : i1 to vector<16xi1>
    %unique3A_176, %unique3A_177 = tpu.scan_count mask(%broadcast_in_dim3A_175 : vector<16xi1>) value(%add3A_173 : vector<16xi32>) : vector<16xi1>, vector<16xi32>
    %and3A_178 = arith.constant 32767 : i32
    %and3A_179 = vector.broadcast %and3A_178 : i32 to vector<16xi32>
    %and3A_180 = arith.andi %get3A_167, %and3A_179 : vector<16xi32>
    %scan3A_181 = arith.constant 0 : i32
    %scan3A_182 = arith.constant 2048 : i32
    %scan3A_183 = arith.addi %scan3A_181, %scan3A_182 : i32
    %scan3A_184 = arith.constant 4 : i32
    %scan3A_185:4 = scf.for %scan3A_394 = %scan3A_181 to %scan3A_183 step %scan3A_184 iter_args(%scan3A_395 = %add3A_173, %scan3A_396 = %unique3A_177, %scan3A_397 = %unique3A_176, %scan3A_398 = %and3A_180) -> (vector<16xi32>, vector<16xi32>, vector<16xi1>, vector<16xi32>)  : i32 {
      %add3A_399 = arith.constant 1 : i32
      %add3A_400 = arith.addi %scan3A_394, %add3A_399 : i32
      %min3A = arith.constant 2047 : i32
      %min3A_401 = arith.minsi %add3A_400, %min3A : i32
      %mul3A_402 = arith.constant 16 : i32
      %mul3A_403 = arith.muli %min3A_401, %mul3A_402 : i32
      %get3A_404 = arith.index_cast %mul3A_403 : i32 to index
      %get3A_405 = tpu.vector_load %arg6[%get3A_404] {strides = array<i32>} : memref<32768xi32, #tpu.memory_space<vmem>>, vector<16xi32>,
      %shift_right_logical3A_406 = arith.constant 15 : i32
      %shift_right_logical3A_407 = vector.broadcast %shift_right_logical3A_406 : i32 to vector<16xi32>
      %shift_right_logical3A_408 = arith.shrui %get3A_405, %shift_right_logical3A_407 : vector<16xi32>
      %add3A_409 = arith.constant 64 : i32
      %add3A_410 = vector.broadcast %add3A_409 : i32 to vector<16xi32>
      %add3A_411 = arith.addi %shift_right_logical3A_408, %add3A_410 : vector<16xi32>
      %broadcast_in_dim3A_412 = arith.constant true
      %broadcast_in_dim3A_413 = vector.broadcast %broadcast_in_dim3A_412 : i1 to vector<16xi1>
      %unique3A_414, %unique3A_415 = tpu.scan_count mask(%broadcast_in_dim3A_413 : vector<16xi1>) value(%add3A_411 : vector<16xi32>) : vector<16xi1>, vector<16xi32>
      %and3A_416 = arith.constant 32767 : i32
      %and3A_417 = vector.broadcast %and3A_416 : i32 to vector<16xi32>
      %and3A_418 = arith.andi %get3A_405, %and3A_417 : vector<16xi32>
      %gather3A = tpu.vector_load_idx %arg7[%scan3A_395] : memref<2112xi32, #tpu.memory_space<vmem>>[vector<16xi32>], vector<16xi32>,
      %add3A_419 = arith.addi %gather3A, %scan3A_396 : vector<16xi32>
      %convert_element_type3A = arith.sitofp %add3A_419 : vector<16xi32> to vector<16xf32>
      %div3A = arith.constant 1.000000e+00 : f32
      %div3A_420 = vector.broadcast %div3A : f32 to vector<16xf32>
      %div3A_421 = arith.divf %div3A_420, %convert_element_type3A : vector<16xf32>
      %sub3A_422 = arith.constant 64 : i32
      %sub3A_423 = vector.broadcast %sub3A_422 : i32 to vector<16xi32>
      %sub3A_424 = arith.subi %scan3A_395, %sub3A_423 : vector<16xi32>
      %eq3A = arith.constant 1023 : i32
      %eq3A_425 = vector.broadcast %eq3A : i32 to vector<16xi32>
      %eq3A_426 = arith.cmpi eq, %sub3A_424, %eq3A_425 : vector<16xi32>
      %eq3A_427 = arith.constant 1024 : i32
      %eq3A_428 = vector.broadcast %eq3A_427 : i32 to vector<16xi32>
      %eq3A_429 = arith.cmpi eq, %sub3A_424, %eq3A_428 : vector<16xi32>
      %or3A_430 = arith.ori %eq3A_426, %eq3A_429 : vector<16xi1>
      %jit3A = arith.constant 0.000000e+00 : f32
      %broadcast_in_dim3A_431 = vector.broadcast %jit3A : f32 to vector<16xf32>
      %select_n3A_432 = arith.select %or3A_430, %broadcast_in_dim3A_431, %div3A_421 : vector<16xi1>, vector<16xf32>
      tpu.vector_store_idx %arg4[%scan3A_398], %select_n3A_432 : memref<32768xf32, #tpu.memory_space<vmem>>[vector<16xi32>], vector<16xf32>,
      tpu.vector_store_idx %arg7[%scan3A_395], %scan3A_396 masked %scan3A_397 {add = true} : memref<2112xi32, #tpu.memory_space<vmem>>[vector<16xi32>], vector<16xi32>, vector<16xi1>
      %scan3A_433 = arith.constant 1 : i32
      %scan3A_434 = arith.addi %scan3A_394, %scan3A_433 : i32
      %add3A_435 = arith.constant 1 : i32
      %add3A_436 = arith.addi %scan3A_434, %add3A_435 : i32
      %min3A_437 = arith.constant 2047 : i32
      %min3A_438 = arith.minsi %add3A_436, %min3A_437 : i32
      %mul3A_439 = arith.constant 16 : i32
      %mul3A_440 = arith.muli %min3A_438, %mul3A_439 : i32
      %get3A_441 = arith.index_cast %mul3A_440 : i32 to index
      %get3A_442 = tpu.vector_load %arg6[%get3A_441] {strides = array<i32>} : memref<32768xi32, #tpu.memory_space<vmem>>, vector<16xi32>,
      %shift_right_logical3A_443 = arith.constant 15 : i32
      %shift_right_logical3A_444 = vector.broadcast %shift_right_logical3A_443 : i32 to vector<16xi32>
      %shift_right_logical3A_445 = arith.shrui %get3A_442, %shift_right_logical3A_444 : vector<16xi32>
      %add3A_446 = arith.constant 64 : i32
      %add3A_447 = vector.broadcast %add3A_446 : i32 to vector<16xi32>
      %add3A_448 = arith.addi %shift_right_logical3A_445, %add3A_447 : vector<16xi32>
      %broadcast_in_dim3A_449 = arith.constant true
      %broadcast_in_dim3A_450 = vector.broadcast %broadcast_in_dim3A_449 : i1 to vector<16xi1>
      %unique3A_451, %unique3A_452 = tpu.scan_count mask(%broadcast_in_dim3A_450 : vector<16xi1>) value(%add3A_448 : vector<16xi32>) : vector<16xi1>, vector<16xi32>
      %and3A_453 = arith.constant 32767 : i32
      %and3A_454 = vector.broadcast %and3A_453 : i32 to vector<16xi32>
      %and3A_455 = arith.andi %get3A_442, %and3A_454 : vector<16xi32>
      %gather3A_456 = tpu.vector_load_idx %arg7[%add3A_411] : memref<2112xi32, #tpu.memory_space<vmem>>[vector<16xi32>], vector<16xi32>,
      %add3A_457 = arith.addi %gather3A_456, %unique3A_415 : vector<16xi32>
      %convert_element_type3A_458 = arith.sitofp %add3A_457 : vector<16xi32> to vector<16xf32>
      %div3A_459 = arith.constant 1.000000e+00 : f32
      %div3A_460 = vector.broadcast %div3A_459 : f32 to vector<16xf32>
      %div3A_461 = arith.divf %div3A_460, %convert_element_type3A_458 : vector<16xf32>
      %sub3A_462 = arith.constant 64 : i32
      %sub3A_463 = vector.broadcast %sub3A_462 : i32 to vector<16xi32>
      %sub3A_464 = arith.subi %add3A_411, %sub3A_463 : vector<16xi32>
      %eq3A_465 = arith.constant 1023 : i32
      %eq3A_466 = vector.broadcast %eq3A_465 : i32 to vector<16xi32>
      %eq3A_467 = arith.cmpi eq, %sub3A_464, %eq3A_466 : vector<16xi32>
      %eq3A_468 = arith.constant 1024 : i32
      %eq3A_469 = vector.broadcast %eq3A_468 : i32 to vector<16xi32>
      %eq3A_470 = arith.cmpi eq, %sub3A_464, %eq3A_469 : vector<16xi32>
      %or3A_471 = arith.ori %eq3A_467, %eq3A_470 : vector<16xi1>
      %jit3A_472 = arith.constant 0.000000e+00 : f32
      %broadcast_in_dim3A_473 = vector.broadcast %jit3A_472 : f32 to vector<16xf32>
      %select_n3A_474 = arith.select %or3A_471, %broadcast_in_dim3A_473, %div3A_461 : vector<16xi1>, vector<16xf32>
      tpu.vector_store_idx %arg4[%and3A_418], %select_n3A_474 : memref<32768xf32, #tpu.memory_space<vmem>>[vector<16xi32>], vector<16xf32>,
      tpu.vector_store_idx %arg7[%add3A_411], %unique3A_415 masked %unique3A_414 {add = true} : memref<2112xi32, #tpu.memory_space<vmem>>[vector<16xi32>], vector<16xi32>, vector<16xi1>
      %scan3A_475 = arith.constant 2 : i32
      %scan3A_476 = arith.addi %scan3A_394, %scan3A_475 : i32
      %add3A_477 = arith.constant 1 : i32
      %add3A_478 = arith.addi %scan3A_476, %add3A_477 : i32
      %min3A_479 = arith.constant 2047 : i32
      %min3A_480 = arith.minsi %add3A_478, %min3A_479 : i32
      %mul3A_481 = arith.constant 16 : i32
      %mul3A_482 = arith.muli %min3A_480, %mul3A_481 : i32
      %get3A_483 = arith.index_cast %mul3A_482 : i32 to index
      %get3A_484 = tpu.vector_load %arg6[%get3A_483] {strides = array<i32>} : memref<32768xi32, #tpu.memory_space<vmem>>, vector<16xi32>,
      %shift_right_logical3A_485 = arith.constant 15 : i32
      %shift_right_logical3A_486 = vector.broadcast %shift_right_logical3A_485 : i32 to vector<16xi32>
      %shift_right_logical3A_487 = arith.shrui %get3A_484, %shift_right_logical3A_486 : vector<16xi32>
      %add3A_488 = arith.constant 64 : i32
      %add3A_489 = vector.broadcast %add3A_488 : i32 to vector<16xi32>
      %add3A_490 = arith.addi %shift_right_logical3A_487, %add3A_489 : vector<16xi32>
      %broadcast_in_dim3A_491 = arith.constant true
      %broadcast_in_dim3A_492 = vector.broadcast %broadcast_in_dim3A_491 : i1 to vector<16xi1>
      %unique3A_493, %unique3A_494 = tpu.scan_count mask(%broadcast_in_dim3A_492 : vector<16xi1>) value(%add3A_490 : vector<16xi32>) : vector<16xi1>, vector<16xi32>
      %and3A_495 = arith.constant 32767 : i32
      %and3A_496 = vector.broadcast %and3A_495 : i32 to vector<16xi32>
      %and3A_497 = arith.andi %get3A_484, %and3A_496 : vector<16xi32>
      %gather3A_498 = tpu.vector_load_idx %arg7[%add3A_448] : memref<2112xi32, #tpu.memory_space<vmem>>[vector<16xi32>], vector<16xi32>,
      %add3A_499 = arith.addi %gather3A_498, %unique3A_452 : vector<16xi32>
      %convert_element_type3A_500 = arith.sitofp %add3A_499 : vector<16xi32> to vector<16xf32>
      %div3A_501 = arith.constant 1.000000e+00 : f32
      %div3A_502 = vector.broadcast %div3A_501 : f32 to vector<16xf32>
      %div3A_503 = arith.divf %div3A_502, %convert_element_type3A_500 : vector<16xf32>
      %sub3A_504 = arith.constant 64 : i32
      %sub3A_505 = vector.broadcast %sub3A_504 : i32 to vector<16xi32>
      %sub3A_506 = arith.subi %add3A_448, %sub3A_505 : vector<16xi32>
      %eq3A_507 = arith.constant 1023 : i32
      %eq3A_508 = vector.broadcast %eq3A_507 : i32 to vector<16xi32>
      %eq3A_509 = arith.cmpi eq, %sub3A_506, %eq3A_508 : vector<16xi32>
      %eq3A_510 = arith.constant 1024 : i32
      %eq3A_511 = vector.broadcast %eq3A_510 : i32 to vector<16xi32>
      %eq3A_512 = arith.cmpi eq, %sub3A_506, %eq3A_511 : vector<16xi32>
      %or3A_513 = arith.ori %eq3A_509, %eq3A_512 : vector<16xi1>
      %jit3A_514 = arith.constant 0.000000e+00 : f32
      %broadcast_in_dim3A_515 = vector.broadcast %jit3A_514 : f32 to vector<16xf32>
      %select_n3A_516 = arith.select %or3A_513, %broadcast_in_dim3A_515, %div3A_503 : vector<16xi1>, vector<16xf32>
      tpu.vector_store_idx %arg4[%and3A_455], %select_n3A_516 : memref<32768xf32, #tpu.memory_space<vmem>>[vector<16xi32>], vector<16xf32>,
      tpu.vector_store_idx %arg7[%add3A_448], %unique3A_452 masked %unique3A_451 {add = true} : memref<2112xi32, #tpu.memory_space<vmem>>[vector<16xi32>], vector<16xi32>, vector<16xi1>
      %scan3A_517 = arith.constant 3 : i32
      %scan3A_518 = arith.addi %scan3A_394, %scan3A_517 : i32
      %add3A_519 = arith.constant 1 : i32
      %add3A_520 = arith.addi %scan3A_518, %add3A_519 : i32
      %min3A_521 = arith.constant 2047 : i32
      %min3A_522 = arith.minsi %add3A_520, %min3A_521 : i32
      %mul3A_523 = arith.constant 16 : i32
      %mul3A_524 = arith.muli %min3A_522, %mul3A_523 : i32
      %get3A_525 = arith.index_cast %mul3A_524 : i32 to index
      %get3A_526 = tpu.vector_load %arg6[%get3A_525] {strides = array<i32>} : memref<32768xi32, #tpu.memory_space<vmem>>, vector<16xi32>,
      %shift_right_logical3A_527 = arith.constant 15 : i32
      %shift_right_logical3A_528 = vector.broadcast %shift_right_logical3A_527 : i32 to vector<16xi32>
      %shift_right_logical3A_529 = arith.shrui %get3A_526, %shift_right_logical3A_528 : vector<16xi32>
      %add3A_530 = arith.constant 64 : i32
      %add3A_531 = vector.broadcast %add3A_530 : i32 to vector<16xi32>
      %add3A_532 = arith.addi %shift_right_logical3A_529, %add3A_531 : vector<16xi32>
      %broadcast_in_dim3A_533 = arith.constant true
      %broadcast_in_dim3A_534 = vector.broadcast %broadcast_in_dim3A_533 : i1 to vector<16xi1>
      %unique3A_535, %unique3A_536 = tpu.scan_count mask(%broadcast_in_dim3A_534 : vector<16xi1>) value(%add3A_532 : vector<16xi32>) : vector<16xi1>, vector<16xi32>
      %and3A_537 = arith.constant 32767 : i32
      %and3A_538 = vector.broadcast %and3A_537 : i32 to vector<16xi32>
      %and3A_539 = arith.andi %get3A_526, %and3A_538 : vector<16xi32>
      %gather3A_540 = tpu.vector_load_idx %arg7[%add3A_490] : memref<2112xi32, #tpu.memory_space<vmem>>[vector<16xi32>], vector<16xi32>,
      %add3A_541 = arith.addi %gather3A_540, %unique3A_494 : vector<16xi32>
      %convert_element_type3A_542 = arith.sitofp %add3A_541 : vector<16xi32> to vector<16xf32>
      %div3A_543 = arith.constant 1.000000e+00 : f32
      %div3A_544 = vector.broadcast %div3A_543 : f32 to vector<16xf32>
      %div3A_545 = arith.divf %div3A_544, %convert_element_type3A_542 : vector<16xf32>
      %sub3A_546 = arith.constant 64 : i32
      %sub3A_547 = vector.broadcast %sub3A_546 : i32 to vector<16xi32>
      %sub3A_548 = arith.subi %add3A_490, %sub3A_547 : vector<16xi32>
      %eq3A_549 = arith.constant 1023 : i32
      %eq3A_550 = vector.broadcast %eq3A_549 : i32 to vector<16xi32>
      %eq3A_551 = arith.cmpi eq, %sub3A_548, %eq3A_550 : vector<16xi32>
      %eq3A_552 = arith.constant 1024 : i32
      %eq3A_553 = vector.broadcast %eq3A_552 : i32 to vector<16xi32>
      %eq3A_554 = arith.cmpi eq, %sub3A_548, %eq3A_553 : vector<16xi32>
      %or3A_555 = arith.ori %eq3A_551, %eq3A_554 : vector<16xi1>
      %jit3A_556 = arith.constant 0.000000e+00 : f32
      %broadcast_in_dim3A_557 = vector.broadcast %jit3A_556 : f32 to vector<16xf32>
      %select_n3A_558 = arith.select %or3A_555, %broadcast_in_dim3A_557, %div3A_545 : vector<16xi1>, vector<16xf32>
      tpu.vector_store_idx %arg4[%and3A_497], %select_n3A_558 : memref<32768xf32, #tpu.memory_space<vmem>>[vector<16xi32>], vector<16xf32>,
      tpu.vector_store_idx %arg7[%add3A_490], %unique3A_494 masked %unique3A_493 {add = true} : memref<2112xi32, #tpu.memory_space<vmem>>[vector<16xi32>], vector<16xi32>, vector<16xi1>
      scf.yield %add3A_532, %unique3A_536, %unique3A_535, %and3A_539 : vector<16xi32>, vector<16xi32>, vector<16xi1>, vector<16xi32>
    }
    %scan3A_186 = arith.constant 2048 : i32
    %mul3A_187 = arith.constant 32768 : i32
    %mul3A_188 = arith.muli %add3A_3, %mul3A_187 : i32
    "tpu.region"() ({
      %run_scoped3A = tpu.sem_alloc : memref<!tpu.dma_semaphore, #tpu.memory_space<semaphore_mem>>
      %dma_start3A = tpu.memref_slice %arg3[%mul3A_188] : memref<2097152xf32, #tpu.memory_space<hbm>> -> memref<32768xf32, #tpu.memory_space<hbm>>
      %dma_start3A_394 = tpu.memref_slice %arg3[%mul3A_188] : memref<2097152xf32, #tpu.memory_space<hbm>> -> memref<32768xf32, #tpu.memory_space<hbm>>
      tpu.enqueue_dma source(%arg4 : memref<32768xf32, #tpu.memory_space<vmem>>) target(%dma_start3A_394 : memref<32768xf32, #tpu.memory_space<hbm>>) target_semaphore(%run_scoped3A : memref<!tpu.dma_semaphore, #tpu.memory_space<semaphore_mem>>)
      %dma_wait3A = tpu.memref_slice %arg3[%mul3A_188] : memref<2097152xf32, #tpu.memory_space<hbm>> -> memref<32768xf32, #tpu.memory_space<hbm>>
      %dma_wait3A_395 = tpu.memref_slice %arg3[%mul3A_188] : memref<2097152xf32, #tpu.memory_space<hbm>> -> memref<32768xf32, #tpu.memory_space<hbm>>
      tpu.wait_dma2 semaphore(%run_scoped3A : memref<!tpu.dma_semaphore, #tpu.memory_space<semaphore_mem>>) src(%arg4 : memref<32768xf32, #tpu.memory_space<vmem>>) dst(%dma_wait3A_395 : memref<32768xf32, #tpu.memory_space<hbm>>)
      tpu.yield
    }) : () -> ()
    %add3A_189 = arith.constant 32 : i32
    %add3A_190 = arith.addi %add3A, %add3A_189 : i32
    %mul3A_191 = arith.constant 32768 : i32
    %mul3A_192 = arith.muli %add3A_190, %mul3A_191 : i32
    "tpu.region"() ({
      %run_scoped3A = tpu.sem_alloc : memref<!tpu.dma_semaphore, #tpu.memory_space<semaphore_mem>>
      %dma_start3A = tpu.memref_slice %arg2[%mul3A_192] : memref<2097152xf32, #tpu.memory_space<hbm>> -> memref<32768xf32, #tpu.memory_space<hbm>>
      %dma_start3A_394 = tpu.memref_slice %arg2[%mul3A_192] : memref<2097152xf32, #tpu.memory_space<hbm>> -> memref<32768xf32, #tpu.memory_space<hbm>>
      tpu.enqueue_dma source(%dma_start3A_394 : memref<32768xf32, #tpu.memory_space<hbm>>) target(%arg4 : memref<32768xf32, #tpu.memory_space<vmem>>) target_semaphore(%run_scoped3A : memref<!tpu.dma_semaphore, #tpu.memory_space<semaphore_mem>>)
      %dma_wait3A = tpu.memref_slice %arg2[%mul3A_192] : memref<2097152xf32, #tpu.memory_space<hbm>> -> memref<32768xf32, #tpu.memory_space<hbm>>
      %dma_wait3A_395 = tpu.memref_slice %arg2[%mul3A_192] : memref<2097152xf32, #tpu.memory_space<hbm>> -> memref<32768xf32, #tpu.memory_space<hbm>>
      tpu.wait_dma2 semaphore(%run_scoped3A : memref<!tpu.dma_semaphore, #tpu.memory_space<semaphore_mem>>) src(%dma_wait3A_395 : memref<32768xf32, #tpu.memory_space<hbm>>) dst(%arg4 : memref<32768xf32, #tpu.memory_space<vmem>>)
      tpu.yield
    }) : () -> ()
    %broadcast_in_dim3A_193 = arith.constant 0 : i32
    %broadcast_in_dim3A_194 = vector.broadcast %broadcast_in_dim3A_193 : i32 to vector<16xi32>
    %parallel_loop3A_195 = arith.constant 0 : i32
    %parallel_loop3A_196 = arith.constant 2048 : i32
    %parallel_loop3A_197 = arith.constant 1 : i32
    scf.for %parallel_loop3A_394 = %parallel_loop3A_195 to %parallel_loop3A_196 step %parallel_loop3A_197  : i32 {
      %parallel_loop3A_395 = arith.constant 16 : i32
      %parallel_loop3A_396 = arith.muli %parallel_loop3A_394, %parallel_loop3A_395 : i32
      %parallel_loop3A_397 = arith.constant 0 : i32
      %parallel_loop3A_398 = arith.addi %parallel_loop3A_397, %parallel_loop3A_396 : i32
      %parallel_loop3A_399 = arith.index_cast %parallel_loop3A_398 : i32 to index
      %parallel_loop3A_400 = tpu.vector_load %arg6[%parallel_loop3A_399] {strides = array<i32>} : memref<32768xi32, #tpu.memory_space<vmem>>, vector<16xi32>,
      tpu.vector_store %arg6[%parallel_loop3A_399], %broadcast_in_dim3A_194 {strides = array<i32>} : memref<32768xi32, #tpu.memory_space<vmem>>, vector<16xi32>,
    } {sc.loop_unroll_factor = 8 : i64, sc.parallel_access}
    %broadcast_in_dim3A_198 = arith.constant 0 : i32
    %broadcast_in_dim3A_199 = vector.broadcast %broadcast_in_dim3A_198 : i32 to vector<16xi32>
    %parallel_loop3A_200 = arith.constant 0 : i32
    %parallel_loop3A_201 = arith.constant 132 : i32
    %parallel_loop3A_202 = arith.constant 1 : i32
    scf.for %parallel_loop3A_394 = %parallel_loop3A_200 to %parallel_loop3A_201 step %parallel_loop3A_202  : i32 {
      %parallel_loop3A_395 = arith.constant 16 : i32
      %parallel_loop3A_396 = arith.muli %parallel_loop3A_394, %parallel_loop3A_395 : i32
      %parallel_loop3A_397 = arith.constant 0 : i32
      %parallel_loop3A_398 = arith.addi %parallel_loop3A_397, %parallel_loop3A_396 : i32
      %parallel_loop3A_399 = arith.index_cast %parallel_loop3A_398 : i32 to index
      %parallel_loop3A_400 = tpu.vector_load %arg7[%parallel_loop3A_399] {strides = array<i32>} : memref<2112xi32, #tpu.memory_space<vmem>>, vector<16xi32>,
      tpu.vector_store %arg7[%parallel_loop3A_399], %broadcast_in_dim3A_199 {strides = array<i32>} : memref<2112xi32, #tpu.memory_space<vmem>>, vector<16xi32>,
    } {sc.loop_unroll_factor = 8 : i64, sc.parallel_access}
    %parallel_loop3A_203 = arith.constant 0 : i32
    %parallel_loop3A_204 = arith.constant 2048 : i32
    %parallel_loop3A_205 = arith.constant 1 : i32
    scf.for %parallel_loop3A_394 = %parallel_loop3A_203 to %parallel_loop3A_204 step %parallel_loop3A_205  : i32 {
      %parallel_loop3A_395 = arith.constant 16 : i32
      %parallel_loop3A_396 = arith.muli %parallel_loop3A_394, %parallel_loop3A_395 : i32
      %parallel_loop3A_397 = arith.index_cast %parallel_loop3A_396 : i32 to index
      %parallel_loop3A_398 = tpu.vector_load %arg4[%parallel_loop3A_397] {strides = array<i32>} : memref<32768xf32, #tpu.memory_space<vmem>>, vector<16xf32>,
      %parallel_loop3A_399 = tpu.bitcast %parallel_loop3A_398 : vector<16xf32> -> vector<16xi32>
      %parallel_loop3A_400 = arith.constant 0 : i32
      %parallel_loop3A_401 = vector.broadcast %parallel_loop3A_400 : i32 to vector<16xi32>
      %parallel_loop3A_402 = arith.cmpi sge, %parallel_loop3A_399, %parallel_loop3A_401 : vector<16xi32>
      %parallel_loop3A_403 = arith.constant dense<-1> : vector<16xi32>
      %parallel_loop3A_404 = arith.xori %parallel_loop3A_399, %parallel_loop3A_403 : vector<16xi32>
      %parallel_loop3A_405 = arith.constant 2147483647 : i32
      %parallel_loop3A_406 = vector.broadcast %parallel_loop3A_405 : i32 to vector<16xi32>
      %parallel_loop3A_407 = arith.andi %parallel_loop3A_404, %parallel_loop3A_406 : vector<16xi32>
      %parallel_loop3A_408 = arith.select %parallel_loop3A_402, %parallel_loop3A_407, %parallel_loop3A_399 : vector<16xi1>, vector<16xi32>
      %parallel_loop3A_409 = arith.constant 32767 : i32
      %parallel_loop3A_410 = vector.broadcast %parallel_loop3A_409 : i32 to vector<16xi32>
      %parallel_loop3A_411 = arith.andi %parallel_loop3A_408, %parallel_loop3A_410 : vector<16xi32>
      tpu.vector_store_idx %arg6[%parallel_loop3A_411], %broadcast_in_dim3A_1 {add = true} : memref<32768xi32, #tpu.memory_space<vmem>>[vector<16xi32>], vector<16xi32>,
    } {sc.loop_unroll_factor = 4 : i64, sc.parallel_access}
    %scan3A_206 = arith.constant 0 : i32
    %scan3A_207 = arith.constant 0 : i32
    %scan3A_208 = arith.constant 2048 : i32
    %scan3A_209 = arith.addi %scan3A_207, %scan3A_208 : i32
    %scan3A_210 = arith.constant 4 : i32
    %scan3A_211 = scf.for %scan3A_394 = %scan3A_207 to %scan3A_209 step %scan3A_210 iter_args(%scan3A_395 = %scan3A_206) -> (i32)  : i32 {
      %mul3A_396 = arith.constant 16 : i32
      %mul3A_397 = arith.muli %scan3A_394, %mul3A_396 : i32
      %add3A_398 = arith.constant 0 : i32
      %add3A_399 = arith.addi %add3A_398, %mul3A_397 : i32
      %get3A_400 = arith.index_cast %add3A_399 : i32 to index
      %get3A_401 = tpu.vector_load %arg6[%get3A_400] {strides = array<i32>} : memref<32768xi32, #tpu.memory_space<vmem>>, vector<16xi32>,
      %broadcast_in_dim3A_402 = arith.constant true
      %broadcast_in_dim3A_403 = vector.broadcast %broadcast_in_dim3A_402 : i1 to vector<16xi1>
      %masked_cumsum3A_404 = tpu.scan <sum>, %get3A_401 masked %broadcast_in_dim3A_403 : vector<16xi32>, vector<16xi1> -> vector<16xi32>
      %sub3A_405 = arith.subi %masked_cumsum3A_404, %get3A_401 : vector<16xi32>
      %add3A_406 = vector.broadcast %scan3A_395 : i32 to vector<16xi32>
      %add3A_407 = arith.addi %sub3A_405, %add3A_406 : vector<16xi32>
      %mul3A_408 = arith.constant 16 : i32
      %mul3A_409 = arith.muli %scan3A_394, %mul3A_408 : i32
      %add3A_410 = arith.constant 0 : i32
      %add3A_411 = arith.addi %add3A_410, %mul3A_409 : i32
      %swap3A_412 = arith.index_cast %add3A_411 : i32 to index
      %swap3A_413 = tpu.vector_load %arg6[%swap3A_412] {strides = array<i32>} : memref<32768xi32, #tpu.memory_space<vmem>>, vector<16xi32>,
      tpu.vector_store %arg6[%swap3A_412], %add3A_407 {strides = array<i32>} : memref<32768xi32, #tpu.memory_space<vmem>>, vector<16xi32>,
      %slice3A_414 = vector.extract_strided_slice %masked_cumsum3A_404 {offsets = [15], sizes = [1], strides = [1]} : vector<16xi32> to vector<1xi32>
      %squeeze3A_415 = vector.extract %slice3A_414[0] : i32 from vector<1xi32>
      %add3A_416 = arith.addi %scan3A_395, %squeeze3A_415 : i32
      %scan3A_417 = arith.constant 1 : i32
      %scan3A_418 = arith.addi %scan3A_394, %scan3A_417 : i32
      %mul3A_419 = arith.constant 16 : i32
      %mul3A_420 = arith.muli %scan3A_418, %mul3A_419 : i32
      %add3A_421 = arith.constant 0 : i32
      %add3A_422 = arith.addi %add3A_421, %mul3A_420 : i32
      %get3A_423 = arith.index_cast %add3A_422 : i32 to index
      %get3A_424 = tpu.vector_load %arg6[%get3A_423] {strides = array<i32>} : memref<32768xi32, #tpu.memory_space<vmem>>, vector<16xi32>,
      %broadcast_in_dim3A_425 = arith.constant true
      %broadcast_in_dim3A_426 = vector.broadcast %broadcast_in_dim3A_425 : i1 to vector<16xi1>
      %masked_cumsum3A_427 = tpu.scan <sum>, %get3A_424 masked %broadcast_in_dim3A_426 : vector<16xi32>, vector<16xi1> -> vector<16xi32>
      %sub3A_428 = arith.subi %masked_cumsum3A_427, %get3A_424 : vector<16xi32>
      %add3A_429 = vector.broadcast %add3A_416 : i32 to vector<16xi32>
      %add3A_430 = arith.addi %sub3A_428, %add3A_429 : vector<16xi32>
      %mul3A_431 = arith.constant 16 : i32
      %mul3A_432 = arith.muli %scan3A_418, %mul3A_431 : i32
      %add3A_433 = arith.constant 0 : i32
      %add3A_434 = arith.addi %add3A_433, %mul3A_432 : i32
      %swap3A_435 = arith.index_cast %add3A_434 : i32 to index
      %swap3A_436 = tpu.vector_load %arg6[%swap3A_435] {strides = array<i32>} : memref<32768xi32, #tpu.memory_space<vmem>>, vector<16xi32>,
      tpu.vector_store %arg6[%swap3A_435], %add3A_430 {strides = array<i32>} : memref<32768xi32, #tpu.memory_space<vmem>>, vector<16xi32>,
      %slice3A_437 = vector.extract_strided_slice %masked_cumsum3A_427 {offsets = [15], sizes = [1], strides = [1]} : vector<16xi32> to vector<1xi32>
      %squeeze3A_438 = vector.extract %slice3A_437[0] : i32 from vector<1xi32>
      %add3A_439 = arith.addi %add3A_416, %squeeze3A_438 : i32
      %scan3A_440 = arith.constant 2 : i32
      %scan3A_441 = arith.addi %scan3A_394, %scan3A_440 : i32
      %mul3A_442 = arith.constant 16 : i32
      %mul3A_443 = arith.muli %scan3A_441, %mul3A_442 : i32
      %add3A_444 = arith.constant 0 : i32
      %add3A_445 = arith.addi %add3A_444, %mul3A_443 : i32
      %get3A_446 = arith.index_cast %add3A_445 : i32 to index
      %get3A_447 = tpu.vector_load %arg6[%get3A_446] {strides = array<i32>} : memref<32768xi32, #tpu.memory_space<vmem>>, vector<16xi32>,
      %broadcast_in_dim3A_448 = arith.constant true
      %broadcast_in_dim3A_449 = vector.broadcast %broadcast_in_dim3A_448 : i1 to vector<16xi1>
      %masked_cumsum3A_450 = tpu.scan <sum>, %get3A_447 masked %broadcast_in_dim3A_449 : vector<16xi32>, vector<16xi1> -> vector<16xi32>
      %sub3A_451 = arith.subi %masked_cumsum3A_450, %get3A_447 : vector<16xi32>
      %add3A_452 = vector.broadcast %add3A_439 : i32 to vector<16xi32>
      %add3A_453 = arith.addi %sub3A_451, %add3A_452 : vector<16xi32>
      %mul3A_454 = arith.constant 16 : i32
      %mul3A_455 = arith.muli %scan3A_441, %mul3A_454 : i32
      %add3A_456 = arith.constant 0 : i32
      %add3A_457 = arith.addi %add3A_456, %mul3A_455 : i32
      %swap3A_458 = arith.index_cast %add3A_457 : i32 to index
      %swap3A_459 = tpu.vector_load %arg6[%swap3A_458] {strides = array<i32>} : memref<32768xi32, #tpu.memory_space<vmem>>, vector<16xi32>,
      tpu.vector_store %arg6[%swap3A_458], %add3A_453 {strides = array<i32>} : memref<32768xi32, #tpu.memory_space<vmem>>, vector<16xi32>,
      %slice3A_460 = vector.extract_strided_slice %masked_cumsum3A_450 {offsets = [15], sizes = [1], strides = [1]} : vector<16xi32> to vector<1xi32>
      %squeeze3A_461 = vector.extract %slice3A_460[0] : i32 from vector<1xi32>
      %add3A_462 = arith.addi %add3A_439, %squeeze3A_461 : i32
      %scan3A_463 = arith.constant 3 : i32
      %scan3A_464 = arith.addi %scan3A_394, %scan3A_463 : i32
      %mul3A_465 = arith.constant 16 : i32
      %mul3A_466 = arith.muli %scan3A_464, %mul3A_465 : i32
      %add3A_467 = arith.constant 0 : i32
      %add3A_468 = arith.addi %add3A_467, %mul3A_466 : i32
      %get3A_469 = arith.index_cast %add3A_468 : i32 to index
      %get3A_470 = tpu.vector_load %arg6[%get3A_469] {strides = array<i32>} : memref<32768xi32, #tpu.memory_space<vmem>>, vector<16xi32>,
      %broadcast_in_dim3A_471 = arith.constant true
      %broadcast_in_dim3A_472 = vector.broadcast %broadcast_in_dim3A_471 : i1 to vector<16xi1>
      %masked_cumsum3A_473 = tpu.scan <sum>, %get3A_470 masked %broadcast_in_dim3A_472 : vector<16xi32>, vector<16xi1> -> vector<16xi32>
      %sub3A_474 = arith.subi %masked_cumsum3A_473, %get3A_470 : vector<16xi32>
      %add3A_475 = vector.broadcast %add3A_462 : i32 to vector<16xi32>
      %add3A_476 = arith.addi %sub3A_474, %add3A_475 : vector<16xi32>
      %mul3A_477 = arith.constant 16 : i32
      %mul3A_478 = arith.muli %scan3A_464, %mul3A_477 : i32
      %add3A_479 = arith.constant 0 : i32
      %add3A_480 = arith.addi %add3A_479, %mul3A_478 : i32
      %swap3A_481 = arith.index_cast %add3A_480 : i32 to index
      %swap3A_482 = tpu.vector_load %arg6[%swap3A_481] {strides = array<i32>} : memref<32768xi32, #tpu.memory_space<vmem>>, vector<16xi32>,
      tpu.vector_store %arg6[%swap3A_481], %add3A_476 {strides = array<i32>} : memref<32768xi32, #tpu.memory_space<vmem>>, vector<16xi32>,
      %slice3A_483 = vector.extract_strided_slice %masked_cumsum3A_473 {offsets = [15], sizes = [1], strides = [1]} : vector<16xi32> to vector<1xi32>
      %squeeze3A_484 = vector.extract %slice3A_483[0] : i32 from vector<1xi32>
      %add3A_485 = arith.addi %add3A_462, %squeeze3A_484 : i32
      scf.yield %add3A_485 : i32
    }
    %scan3A_212 = arith.constant 2048 : i32
    %get3A_213 = arith.constant 0 : index
    %get3A_214 = tpu.vector_load %arg4[%get3A_213] {strides = array<i32>} : memref<32768xf32, #tpu.memory_space<vmem>>, vector<16xf32>,
    %bitcast_convert_type3A_215 = tpu.bitcast %get3A_214 : vector<16xf32> -> vector<16xi32>
    %ge3A_216 = arith.constant 0 : i32
    %ge3A_217 = vector.broadcast %ge3A_216 : i32 to vector<16xi32>
    %ge3A_218 = arith.cmpi sge, %bitcast_convert_type3A_215, %ge3A_217 : vector<16xi32>
    %not3A_219 = arith.constant dense<-1> : vector<16xi32>
    %not3A_220 = arith.xori %bitcast_convert_type3A_215, %not3A_219 : vector<16xi32>
    %and3A_221 = arith.constant 2147483647 : i32
    %and3A_222 = vector.broadcast %and3A_221 : i32 to vector<16xi32>
    %and3A_223 = arith.andi %not3A_220, %and3A_222 : vector<16xi32>
    %select_n3A_224 = arith.select %ge3A_218, %and3A_223, %bitcast_convert_type3A_215 : vector<16xi1>, vector<16xi32>
    %and3A_225 = arith.constant 32767 : i32
    %and3A_226 = vector.broadcast %and3A_225 : i32 to vector<16xi32>
    %and3A_227 = arith.andi %select_n3A_224, %and3A_226 : vector<16xi32>
    %broadcast_in_dim3A_228 = arith.constant true
    %broadcast_in_dim3A_229 = vector.broadcast %broadcast_in_dim3A_228 : i1 to vector<16xi1>
    %unique3A_230, %unique3A_231 = tpu.scan_count mask(%broadcast_in_dim3A_229 : vector<16xi1>) value(%and3A_227 : vector<16xi32>) : vector<16xi1>, vector<16xi32>
    %and3A_232 = arith.constant -32768 : i32
    %and3A_233 = vector.broadcast %and3A_232 : i32 to vector<16xi32>
    %and3A_234 = arith.andi %select_n3A_224, %and3A_233 : vector<16xi32>
    %iota3A_235 = tpu.iota {dimensions = array<i32: 0>} : vector<16xi32>
    %add3A_236 = arith.constant 0 : i32
    %add3A_237 = vector.broadcast %add3A_236 : i32 to vector<16xi32>
    %add3A_238 = arith.addi %iota3A_235, %add3A_237 : vector<16xi32>
    %or3A_239 = arith.ori %and3A_234, %add3A_238 : vector<16xi32>
    %scan3A_240 = arith.constant 0 : i32
    %scan3A_241 = arith.constant 2048 : i32
    %scan3A_242 = arith.addi %scan3A_240, %scan3A_241 : i32
    %scan3A_243 = arith.constant 4 : i32
    %scan3A_244:4 = scf.for %scan3A_394 = %scan3A_240 to %scan3A_242 step %scan3A_243 iter_args(%scan3A_395 = %and3A_227, %scan3A_396 = %unique3A_231, %scan3A_397 = %unique3A_230, %scan3A_398 = %or3A_239) -> (vector<16xi32>, vector<16xi32>, vector<16xi1>, vector<16xi32>)  : i32 {
      %add3A_399 = arith.constant 1 : i32
      %add3A_400 = arith.addi %scan3A_394, %add3A_399 : i32
      %min3A = arith.constant 2047 : i32
      %min3A_401 = arith.minsi %add3A_400, %min3A : i32
      %mul3A_402 = arith.constant 16 : i32
      %mul3A_403 = arith.muli %min3A_401, %mul3A_402 : i32
      %get3A_404 = arith.index_cast %mul3A_403 : i32 to index
      %get3A_405 = tpu.vector_load %arg4[%get3A_404] {strides = array<i32>} : memref<32768xf32, #tpu.memory_space<vmem>>, vector<16xf32>,
      %bitcast_convert_type3A_406 = tpu.bitcast %get3A_405 : vector<16xf32> -> vector<16xi32>
      %ge3A_407 = arith.constant 0 : i32
      %ge3A_408 = vector.broadcast %ge3A_407 : i32 to vector<16xi32>
      %ge3A_409 = arith.cmpi sge, %bitcast_convert_type3A_406, %ge3A_408 : vector<16xi32>
      %not3A_410 = arith.constant dense<-1> : vector<16xi32>
      %not3A_411 = arith.xori %bitcast_convert_type3A_406, %not3A_410 : vector<16xi32>
      %and3A_412 = arith.constant 2147483647 : i32
      %and3A_413 = vector.broadcast %and3A_412 : i32 to vector<16xi32>
      %and3A_414 = arith.andi %not3A_411, %and3A_413 : vector<16xi32>
      %select_n3A_415 = arith.select %ge3A_409, %and3A_414, %bitcast_convert_type3A_406 : vector<16xi1>, vector<16xi32>
      %and3A_416 = arith.constant 32767 : i32
      %and3A_417 = vector.broadcast %and3A_416 : i32 to vector<16xi32>
      %and3A_418 = arith.andi %select_n3A_415, %and3A_417 : vector<16xi32>
      %broadcast_in_dim3A_419 = arith.constant true
      %broadcast_in_dim3A_420 = vector.broadcast %broadcast_in_dim3A_419 : i1 to vector<16xi1>
      %unique3A_421, %unique3A_422 = tpu.scan_count mask(%broadcast_in_dim3A_420 : vector<16xi1>) value(%and3A_418 : vector<16xi32>) : vector<16xi1>, vector<16xi32>
      %and3A_423 = arith.constant -32768 : i32
      %and3A_424 = vector.broadcast %and3A_423 : i32 to vector<16xi32>
      %and3A_425 = arith.andi %select_n3A_415, %and3A_424 : vector<16xi32>
      %iota3A_426 = tpu.iota {dimensions = array<i32: 0>} : vector<16xi32>
      %mul3A_427 = arith.constant 16 : i32
      %mul3A_428 = arith.muli %min3A_401, %mul3A_427 : i32
      %add3A_429 = vector.broadcast %mul3A_428 : i32 to vector<16xi32>
      %add3A_430 = arith.addi %iota3A_426, %add3A_429 : vector<16xi32>
      %or3A_431 = arith.ori %and3A_425, %add3A_430 : vector<16xi32>
      %gather3A = tpu.vector_load_idx %arg6[%scan3A_395] : memref<32768xi32, #tpu.memory_space<vmem>>[vector<16xi32>], vector<16xi32>,
      %add3A_432 = arith.addi %gather3A, %scan3A_396 : vector<16xi32>
      %sub3A_433 = arith.constant 1 : i32
      %sub3A_434 = vector.broadcast %sub3A_433 : i32 to vector<16xi32>
      %sub3A_435 = arith.subi %add3A_432, %sub3A_434 : vector<16xi32>
      tpu.vector_store_idx %arg5[%sub3A_435], %scan3A_398 : memref<32768xi32, #tpu.memory_space<vmem>>[vector<16xi32>], vector<16xi32>,
      tpu.vector_store_idx %arg6[%scan3A_395], %scan3A_396 masked %scan3A_397 {add = true} : memref<32768xi32, #tpu.memory_space<vmem>>[vector<16xi32>], vector<16xi32>, vector<16xi1>
      %shift_right_logical3A_436 = arith.constant 15 : i32
      %shift_right_logical3A_437 = vector.broadcast %shift_right_logical3A_436 : i32 to vector<16xi32>
      %shift_right_logical3A_438 = arith.shrui %scan3A_398, %shift_right_logical3A_437 : vector<16xi32>
      %and3A_439 = arith.constant 63 : i32
      %and3A_440 = vector.broadcast %and3A_439 : i32 to vector<16xi32>
      %and3A_441 = arith.andi %shift_right_logical3A_438, %and3A_440 : vector<16xi32>
      tpu.vector_store_idx %arg7[%and3A_441], %broadcast_in_dim3A_1 {add = true} : memref<2112xi32, #tpu.memory_space<vmem>>[vector<16xi32>], vector<16xi32>,
      %scan3A_442 = arith.constant 1 : i32
      %scan3A_443 = arith.addi %scan3A_394, %scan3A_442 : i32
      %add3A_444 = arith.constant 1 : i32
      %add3A_445 = arith.addi %scan3A_443, %add3A_444 : i32
      %min3A_446 = arith.constant 2047 : i32
      %min3A_447 = arith.minsi %add3A_445, %min3A_446 : i32
      %mul3A_448 = arith.constant 16 : i32
      %mul3A_449 = arith.muli %min3A_447, %mul3A_448 : i32
      %get3A_450 = arith.index_cast %mul3A_449 : i32 to index
      %get3A_451 = tpu.vector_load %arg4[%get3A_450] {strides = array<i32>} : memref<32768xf32, #tpu.memory_space<vmem>>, vector<16xf32>,
      %bitcast_convert_type3A_452 = tpu.bitcast %get3A_451 : vector<16xf32> -> vector<16xi32>
      %ge3A_453 = arith.constant 0 : i32
      %ge3A_454 = vector.broadcast %ge3A_453 : i32 to vector<16xi32>
      %ge3A_455 = arith.cmpi sge, %bitcast_convert_type3A_452, %ge3A_454 : vector<16xi32>
      %not3A_456 = arith.constant dense<-1> : vector<16xi32>
      %not3A_457 = arith.xori %bitcast_convert_type3A_452, %not3A_456 : vector<16xi32>
      %and3A_458 = arith.constant 2147483647 : i32
      %and3A_459 = vector.broadcast %and3A_458 : i32 to vector<16xi32>
      %and3A_460 = arith.andi %not3A_457, %and3A_459 : vector<16xi32>
      %select_n3A_461 = arith.select %ge3A_455, %and3A_460, %bitcast_convert_type3A_452 : vector<16xi1>, vector<16xi32>
      %and3A_462 = arith.constant 32767 : i32
      %and3A_463 = vector.broadcast %and3A_462 : i32 to vector<16xi32>
      %and3A_464 = arith.andi %select_n3A_461, %and3A_463 : vector<16xi32>
      %broadcast_in_dim3A_465 = arith.constant true
      %broadcast_in_dim3A_466 = vector.broadcast %broadcast_in_dim3A_465 : i1 to vector<16xi1>
      %unique3A_467, %unique3A_468 = tpu.scan_count mask(%broadcast_in_dim3A_466 : vector<16xi1>) value(%and3A_464 : vector<16xi32>) : vector<16xi1>, vector<16xi32>
      %and3A_469 = arith.constant -32768 : i32
      %and3A_470 = vector.broadcast %and3A_469 : i32 to vector<16xi32>
      %and3A_471 = arith.andi %select_n3A_461, %and3A_470 : vector<16xi32>
      %iota3A_472 = tpu.iota {dimensions = array<i32: 0>} : vector<16xi32>
      %mul3A_473 = arith.constant 16 : i32
      %mul3A_474 = arith.muli %min3A_447, %mul3A_473 : i32
      %add3A_475 = vector.broadcast %mul3A_474 : i32 to vector<16xi32>
      %add3A_476 = arith.addi %iota3A_472, %add3A_475 : vector<16xi32>
      %or3A_477 = arith.ori %and3A_471, %add3A_476 : vector<16xi32>
      %gather3A_478 = tpu.vector_load_idx %arg6[%and3A_418] : memref<32768xi32, #tpu.memory_space<vmem>>[vector<16xi32>], vector<16xi32>,
      %add3A_479 = arith.addi %gather3A_478, %unique3A_422 : vector<16xi32>
      %sub3A_480 = arith.constant 1 : i32
      %sub3A_481 = vector.broadcast %sub3A_480 : i32 to vector<16xi32>
      %sub3A_482 = arith.subi %add3A_479, %sub3A_481 : vector<16xi32>
      tpu.vector_store_idx %arg5[%sub3A_482], %or3A_431 : memref<32768xi32, #tpu.memory_space<vmem>>[vector<16xi32>], vector<16xi32>,
      tpu.vector_store_idx %arg6[%and3A_418], %unique3A_422 masked %unique3A_421 {add = true} : memref<32768xi32, #tpu.memory_space<vmem>>[vector<16xi32>], vector<16xi32>, vector<16xi1>
      %shift_right_logical3A_483 = arith.constant 15 : i32
      %shift_right_logical3A_484 = vector.broadcast %shift_right_logical3A_483 : i32 to vector<16xi32>
      %shift_right_logical3A_485 = arith.shrui %or3A_431, %shift_right_logical3A_484 : vector<16xi32>
      %and3A_486 = arith.constant 63 : i32
      %and3A_487 = vector.broadcast %and3A_486 : i32 to vector<16xi32>
      %and3A_488 = arith.andi %shift_right_logical3A_485, %and3A_487 : vector<16xi32>
      tpu.vector_store_idx %arg7[%and3A_488], %broadcast_in_dim3A_1 {add = true} : memref<2112xi32, #tpu.memory_space<vmem>>[vector<16xi32>], vector<16xi32>,
      %scan3A_489 = arith.constant 2 : i32
      %scan3A_490 = arith.addi %scan3A_394, %scan3A_489 : i32
      %add3A_491 = arith.constant 1 : i32
      %add3A_492 = arith.addi %scan3A_490, %add3A_491 : i32
      %min3A_493 = arith.constant 2047 : i32
      %min3A_494 = arith.minsi %add3A_492, %min3A_493 : i32
      %mul3A_495 = arith.constant 16 : i32
      %mul3A_496 = arith.muli %min3A_494, %mul3A_495 : i32
      %get3A_497 = arith.index_cast %mul3A_496 : i32 to index
      %get3A_498 = tpu.vector_load %arg4[%get3A_497] {strides = array<i32>} : memref<32768xf32, #tpu.memory_space<vmem>>, vector<16xf32>,
      %bitcast_convert_type3A_499 = tpu.bitcast %get3A_498 : vector<16xf32> -> vector<16xi32>
      %ge3A_500 = arith.constant 0 : i32
      %ge3A_501 = vector.broadcast %ge3A_500 : i32 to vector<16xi32>
      %ge3A_502 = arith.cmpi sge, %bitcast_convert_type3A_499, %ge3A_501 : vector<16xi32>
      %not3A_503 = arith.constant dense<-1> : vector<16xi32>
      %not3A_504 = arith.xori %bitcast_convert_type3A_499, %not3A_503 : vector<16xi32>
      %and3A_505 = arith.constant 2147483647 : i32
      %and3A_506 = vector.broadcast %and3A_505 : i32 to vector<16xi32>
      %and3A_507 = arith.andi %not3A_504, %and3A_506 : vector<16xi32>
      %select_n3A_508 = arith.select %ge3A_502, %and3A_507, %bitcast_convert_type3A_499 : vector<16xi1>, vector<16xi32>
      %and3A_509 = arith.constant 32767 : i32
      %and3A_510 = vector.broadcast %and3A_509 : i32 to vector<16xi32>
      %and3A_511 = arith.andi %select_n3A_508, %and3A_510 : vector<16xi32>
      %broadcast_in_dim3A_512 = arith.constant true
      %broadcast_in_dim3A_513 = vector.broadcast %broadcast_in_dim3A_512 : i1 to vector<16xi1>
      %unique3A_514, %unique3A_515 = tpu.scan_count mask(%broadcast_in_dim3A_513 : vector<16xi1>) value(%and3A_511 : vector<16xi32>) : vector<16xi1>, vector<16xi32>
      %and3A_516 = arith.constant -32768 : i32
      %and3A_517 = vector.broadcast %and3A_516 : i32 to vector<16xi32>
      %and3A_518 = arith.andi %select_n3A_508, %and3A_517 : vector<16xi32>
      %iota3A_519 = tpu.iota {dimensions = array<i32: 0>} : vector<16xi32>
      %mul3A_520 = arith.constant 16 : i32
      %mul3A_521 = arith.muli %min3A_494, %mul3A_520 : i32
      %add3A_522 = vector.broadcast %mul3A_521 : i32 to vector<16xi32>
      %add3A_523 = arith.addi %iota3A_519, %add3A_522 : vector<16xi32>
      %or3A_524 = arith.ori %and3A_518, %add3A_523 : vector<16xi32>
      %gather3A_525 = tpu.vector_load_idx %arg6[%and3A_464] : memref<32768xi32, #tpu.memory_space<vmem>>[vector<16xi32>], vector<16xi32>,
      %add3A_526 = arith.addi %gather3A_525, %unique3A_468 : vector<16xi32>
      %sub3A_527 = arith.constant 1 : i32
      %sub3A_528 = vector.broadcast %sub3A_527 : i32 to vector<16xi32>
      %sub3A_529 = arith.subi %add3A_526, %sub3A_528 : vector<16xi32>
      tpu.vector_store_idx %arg5[%sub3A_529], %or3A_477 : memref<32768xi32, #tpu.memory_space<vmem>>[vector<16xi32>], vector<16xi32>,
      tpu.vector_store_idx %arg6[%and3A_464], %unique3A_468 masked %unique3A_467 {add = true} : memref<32768xi32, #tpu.memory_space<vmem>>[vector<16xi32>], vector<16xi32>, vector<16xi1>
      %shift_right_logical3A_530 = arith.constant 15 : i32
      %shift_right_logical3A_531 = vector.broadcast %shift_right_logical3A_530 : i32 to vector<16xi32>
      %shift_right_logical3A_532 = arith.shrui %or3A_477, %shift_right_logical3A_531 : vector<16xi32>
      %and3A_533 = arith.constant 63 : i32
      %and3A_534 = vector.broadcast %and3A_533 : i32 to vector<16xi32>
      %and3A_535 = arith.andi %shift_right_logical3A_532, %and3A_534 : vector<16xi32>
      tpu.vector_store_idx %arg7[%and3A_535], %broadcast_in_dim3A_1 {add = true} : memref<2112xi32, #tpu.memory_space<vmem>>[vector<16xi32>], vector<16xi32>,
      %scan3A_536 = arith.constant 3 : i32
      %scan3A_537 = arith.addi %scan3A_394, %scan3A_536 : i32
      %add3A_538 = arith.constant 1 : i32
      %add3A_539 = arith.addi %scan3A_537, %add3A_538 : i32
      %min3A_540 = arith.constant 2047 : i32
      %min3A_541 = arith.minsi %add3A_539, %min3A_540 : i32
      %mul3A_542 = arith.constant 16 : i32
      %mul3A_543 = arith.muli %min3A_541, %mul3A_542 : i32
      %get3A_544 = arith.index_cast %mul3A_543 : i32 to index
      %get3A_545 = tpu.vector_load %arg4[%get3A_544] {strides = array<i32>} : memref<32768xf32, #tpu.memory_space<vmem>>, vector<16xf32>,
      %bitcast_convert_type3A_546 = tpu.bitcast %get3A_545 : vector<16xf32> -> vector<16xi32>
      %ge3A_547 = arith.constant 0 : i32
      %ge3A_548 = vector.broadcast %ge3A_547 : i32 to vector<16xi32>
      %ge3A_549 = arith.cmpi sge, %bitcast_convert_type3A_546, %ge3A_548 : vector<16xi32>
      %not3A_550 = arith.constant dense<-1> : vector<16xi32>
      %not3A_551 = arith.xori %bitcast_convert_type3A_546, %not3A_550 : vector<16xi32>
      %and3A_552 = arith.constant 2147483647 : i32
      %and3A_553 = vector.broadcast %and3A_552 : i32 to vector<16xi32>
      %and3A_554 = arith.andi %not3A_551, %and3A_553 : vector<16xi32>
      %select_n3A_555 = arith.select %ge3A_549, %and3A_554, %bitcast_convert_type3A_546 : vector<16xi1>, vector<16xi32>
      %and3A_556 = arith.constant 32767 : i32
      %and3A_557 = vector.broadcast %and3A_556 : i32 to vector<16xi32>
      %and3A_558 = arith.andi %select_n3A_555, %and3A_557 : vector<16xi32>
      %broadcast_in_dim3A_559 = arith.constant true
      %broadcast_in_dim3A_560 = vector.broadcast %broadcast_in_dim3A_559 : i1 to vector<16xi1>
      %unique3A_561, %unique3A_562 = tpu.scan_count mask(%broadcast_in_dim3A_560 : vector<16xi1>) value(%and3A_558 : vector<16xi32>) : vector<16xi1>, vector<16xi32>
      %and3A_563 = arith.constant -32768 : i32
      %and3A_564 = vector.broadcast %and3A_563 : i32 to vector<16xi32>
      %and3A_565 = arith.andi %select_n3A_555, %and3A_564 : vector<16xi32>
      %iota3A_566 = tpu.iota {dimensions = array<i32: 0>} : vector<16xi32>
      %mul3A_567 = arith.constant 16 : i32
      %mul3A_568 = arith.muli %min3A_541, %mul3A_567 : i32
      %add3A_569 = vector.broadcast %mul3A_568 : i32 to vector<16xi32>
      %add3A_570 = arith.addi %iota3A_566, %add3A_569 : vector<16xi32>
      %or3A_571 = arith.ori %and3A_565, %add3A_570 : vector<16xi32>
      %gather3A_572 = tpu.vector_load_idx %arg6[%and3A_511] : memref<32768xi32, #tpu.memory_space<vmem>>[vector<16xi32>], vector<16xi32>,
      %add3A_573 = arith.addi %gather3A_572, %unique3A_515 : vector<16xi32>
      %sub3A_574 = arith.constant 1 : i32
      %sub3A_575 = vector.broadcast %sub3A_574 : i32 to vector<16xi32>
      %sub3A_576 = arith.subi %add3A_573, %sub3A_575 : vector<16xi32>
      tpu.vector_store_idx %arg5[%sub3A_576], %or3A_524 : memref<32768xi32, #tpu.memory_space<vmem>>[vector<16xi32>], vector<16xi32>,
      tpu.vector_store_idx %arg6[%and3A_511], %unique3A_515 masked %unique3A_514 {add = true} : memref<32768xi32, #tpu.memory_space<vmem>>[vector<16xi32>], vector<16xi32>, vector<16xi1>
      %shift_right_logical3A_577 = arith.constant 15 : i32
      %shift_right_logical3A_578 = vector.broadcast %shift_right_logical3A_577 : i32 to vector<16xi32>
      %shift_right_logical3A_579 = arith.shrui %or3A_524, %shift_right_logical3A_578 : vector<16xi32>
      %and3A_580 = arith.constant 63 : i32
      %and3A_581 = vector.broadcast %and3A_580 : i32 to vector<16xi32>
      %and3A_582 = arith.andi %shift_right_logical3A_579, %and3A_581 : vector<16xi32>
      tpu.vector_store_idx %arg7[%and3A_582], %broadcast_in_dim3A_1 {add = true} : memref<2112xi32, #tpu.memory_space<vmem>>[vector<16xi32>], vector<16xi32>,
      scf.yield %and3A_558, %unique3A_562, %unique3A_561, %or3A_571 : vector<16xi32>, vector<16xi32>, vector<16xi1>, vector<16xi32>
    }
    %scan3A_245 = arith.constant 2048 : i32
    %scan3A_246 = arith.constant 0 : i32
    %scan3A_247 = arith.constant 0 : i32
    %mul3A_248 = arith.constant 16 : i32
    %mul3A_249 = arith.muli %scan3A_247, %mul3A_248 : i32
    %add3A_250 = arith.constant 0 : i32
    %add3A_251 = arith.addi %add3A_250, %mul3A_249 : i32
    %get3A_252 = arith.index_cast %add3A_251 : i32 to index
    %get3A_253 = tpu.vector_load %arg7[%get3A_252] {strides = array<i32>} : memref<2112xi32, #tpu.memory_space<vmem>>, vector<16xi32>,
    %broadcast_in_dim3A_254 = arith.constant true
    %broadcast_in_dim3A_255 = vector.broadcast %broadcast_in_dim3A_254 : i1 to vector<16xi1>
    %masked_cumsum3A_256 = tpu.scan <sum>, %get3A_253 masked %broadcast_in_dim3A_255 : vector<16xi32>, vector<16xi1> -> vector<16xi32>
    %sub3A_257 = arith.subi %masked_cumsum3A_256, %get3A_253 : vector<16xi32>
    %add3A_258 = vector.broadcast %scan3A_246 : i32 to vector<16xi32>
    %add3A_259 = arith.addi %sub3A_257, %add3A_258 : vector<16xi32>
    %mul3A_260 = arith.constant 16 : i32
    %mul3A_261 = arith.muli %scan3A_247, %mul3A_260 : i32
    %add3A_262 = arith.constant 0 : i32
    %add3A_263 = arith.addi %add3A_262, %mul3A_261 : i32
    %swap3A_264 = arith.index_cast %add3A_263 : i32 to index
    %swap3A_265 = tpu.vector_load %arg7[%swap3A_264] {strides = array<i32>} : memref<2112xi32, #tpu.memory_space<vmem>>, vector<16xi32>,
    tpu.vector_store %arg7[%swap3A_264], %add3A_259 {strides = array<i32>} : memref<2112xi32, #tpu.memory_space<vmem>>, vector<16xi32>,
    %slice3A_266 = vector.extract_strided_slice %masked_cumsum3A_256 {offsets = [15], sizes = [1], strides = [1]} : vector<16xi32> to vector<1xi32>
    %squeeze3A_267 = vector.extract %slice3A_266[0] : i32 from vector<1xi32>
    %add3A_268 = arith.addi %scan3A_246, %squeeze3A_267 : i32
    %scan3A_269 = arith.constant 1 : i32
    %mul3A_270 = arith.constant 16 : i32
    %mul3A_271 = arith.muli %scan3A_269, %mul3A_270 : i32
    %add3A_272 = arith.constant 0 : i32
    %add3A_273 = arith.addi %add3A_272, %mul3A_271 : i32
    %get3A_274 = arith.index_cast %add3A_273 : i32 to index
    %get3A_275 = tpu.vector_load %arg7[%get3A_274] {strides = array<i32>} : memref<2112xi32, #tpu.memory_space<vmem>>, vector<16xi32>,
    %broadcast_in_dim3A_276 = arith.constant true
    %broadcast_in_dim3A_277 = vector.broadcast %broadcast_in_dim3A_276 : i1 to vector<16xi1>
    %masked_cumsum3A_278 = tpu.scan <sum>, %get3A_275 masked %broadcast_in_dim3A_277 : vector<16xi32>, vector<16xi1> -> vector<16xi32>
    %sub3A_279 = arith.subi %masked_cumsum3A_278, %get3A_275 : vector<16xi32>
    %add3A_280 = vector.broadcast %add3A_268 : i32 to vector<16xi32>
    %add3A_281 = arith.addi %sub3A_279, %add3A_280 : vector<16xi32>
    %mul3A_282 = arith.constant 16 : i32
    %mul3A_283 = arith.muli %scan3A_269, %mul3A_282 : i32
    %add3A_284 = arith.constant 0 : i32
    %add3A_285 = arith.addi %add3A_284, %mul3A_283 : i32
    %swap3A_286 = arith.index_cast %add3A_285 : i32 to index
    %swap3A_287 = tpu.vector_load %arg7[%swap3A_286] {strides = array<i32>} : memref<2112xi32, #tpu.memory_space<vmem>>, vector<16xi32>,
    tpu.vector_store %arg7[%swap3A_286], %add3A_281 {strides = array<i32>} : memref<2112xi32, #tpu.memory_space<vmem>>, vector<16xi32>,
    %slice3A_288 = vector.extract_strided_slice %masked_cumsum3A_278 {offsets = [15], sizes = [1], strides = [1]} : vector<16xi32> to vector<1xi32>
    %squeeze3A_289 = vector.extract %slice3A_288[0] : i32 from vector<1xi32>
    %add3A_290 = arith.addi %add3A_268, %squeeze3A_289 : i32
    %scan3A_291 = arith.constant 2 : i32
    %mul3A_292 = arith.constant 16 : i32
    %mul3A_293 = arith.muli %scan3A_291, %mul3A_292 : i32
    %add3A_294 = arith.constant 0 : i32
    %add3A_295 = arith.addi %add3A_294, %mul3A_293 : i32
    %get3A_296 = arith.index_cast %add3A_295 : i32 to index
    %get3A_297 = tpu.vector_load %arg7[%get3A_296] {strides = array<i32>} : memref<2112xi32, #tpu.memory_space<vmem>>, vector<16xi32>,
    %broadcast_in_dim3A_298 = arith.constant true
    %broadcast_in_dim3A_299 = vector.broadcast %broadcast_in_dim3A_298 : i1 to vector<16xi1>
    %masked_cumsum3A_300 = tpu.scan <sum>, %get3A_297 masked %broadcast_in_dim3A_299 : vector<16xi32>, vector<16xi1> -> vector<16xi32>
    %sub3A_301 = arith.subi %masked_cumsum3A_300, %get3A_297 : vector<16xi32>
    %add3A_302 = vector.broadcast %add3A_290 : i32 to vector<16xi32>
    %add3A_303 = arith.addi %sub3A_301, %add3A_302 : vector<16xi32>
    %mul3A_304 = arith.constant 16 : i32
    %mul3A_305 = arith.muli %scan3A_291, %mul3A_304 : i32
    %add3A_306 = arith.constant 0 : i32
    %add3A_307 = arith.addi %add3A_306, %mul3A_305 : i32
    %swap3A_308 = arith.index_cast %add3A_307 : i32 to index
    %swap3A_309 = tpu.vector_load %arg7[%swap3A_308] {strides = array<i32>} : memref<2112xi32, #tpu.memory_space<vmem>>, vector<16xi32>,
    tpu.vector_store %arg7[%swap3A_308], %add3A_303 {strides = array<i32>} : memref<2112xi32, #tpu.memory_space<vmem>>, vector<16xi32>,
    %slice3A_310 = vector.extract_strided_slice %masked_cumsum3A_300 {offsets = [15], sizes = [1], strides = [1]} : vector<16xi32> to vector<1xi32>
    %squeeze3A_311 = vector.extract %slice3A_310[0] : i32 from vector<1xi32>
    %add3A_312 = arith.addi %add3A_290, %squeeze3A_311 : i32
    %scan3A_313 = arith.constant 3 : i32
    %mul3A_314 = arith.constant 16 : i32
    %mul3A_315 = arith.muli %scan3A_313, %mul3A_314 : i32
    %add3A_316 = arith.constant 0 : i32
    %add3A_317 = arith.addi %add3A_316, %mul3A_315 : i32
    %get3A_318 = arith.index_cast %add3A_317 : i32 to index
    %get3A_319 = tpu.vector_load %arg7[%get3A_318] {strides = array<i32>} : memref<2112xi32, #tpu.memory_space<vmem>>, vector<16xi32>,
    %broadcast_in_dim3A_320 = arith.constant true
    %broadcast_in_dim3A_321 = vector.broadcast %broadcast_in_dim3A_320 : i1 to vector<16xi1>
    %masked_cumsum3A_322 = tpu.scan <sum>, %get3A_319 masked %broadcast_in_dim3A_321 : vector<16xi32>, vector<16xi1> -> vector<16xi32>
    %sub3A_323 = arith.subi %masked_cumsum3A_322, %get3A_319 : vector<16xi32>
    %add3A_324 = vector.broadcast %add3A_312 : i32 to vector<16xi32>
    %add3A_325 = arith.addi %sub3A_323, %add3A_324 : vector<16xi32>
    %mul3A_326 = arith.constant 16 : i32
    %mul3A_327 = arith.muli %scan3A_313, %mul3A_326 : i32
    %add3A_328 = arith.constant 0 : i32
    %add3A_329 = arith.addi %add3A_328, %mul3A_327 : i32
    %swap3A_330 = arith.index_cast %add3A_329 : i32 to index
    %swap3A_331 = tpu.vector_load %arg7[%swap3A_330] {strides = array<i32>} : memref<2112xi32, #tpu.memory_space<vmem>>, vector<16xi32>,
    tpu.vector_store %arg7[%swap3A_330], %add3A_325 {strides = array<i32>} : memref<2112xi32, #tpu.memory_space<vmem>>, vector<16xi32>,
    %slice3A_332 = vector.extract_strided_slice %masked_cumsum3A_322 {offsets = [15], sizes = [1], strides = [1]} : vector<16xi32> to vector<1xi32>
    %squeeze3A_333 = vector.extract %slice3A_332[0] : i32 from vector<1xi32>
    %add3A_334 = arith.addi %add3A_312, %squeeze3A_333 : i32
    %scan3A_335 = arith.constant 4 : i32
    %get3A_336 = arith.constant 0 : index
    %get3A_337 = tpu.vector_load %arg5[%get3A_336] {strides = array<i32>} : memref<32768xi32, #tpu.memory_space<vmem>>, vector<16xi32>,
    %shift_right_logical3A_338 = arith.constant 15 : i32
    %shift_right_logical3A_339 = vector.broadcast %shift_right_logical3A_338 : i32 to vector<16xi32>
    %shift_right_logical3A_340 = arith.shrui %get3A_337, %shift_right_logical3A_339 : vector<16xi32>
    %and3A_341 = arith.constant 63 : i32
    %and3A_342 = vector.broadcast %and3A_341 : i32 to vector<16xi32>
    %and3A_343 = arith.andi %shift_right_logical3A_340, %and3A_342 : vector<16xi32>
    %broadcast_in_dim3A_344 = arith.constant true
    %broadcast_in_dim3A_345 = vector.broadcast %broadcast_in_dim3A_344 : i1 to vector<16xi1>
    %unique3A_346, %unique3A_347 = tpu.scan_count mask(%broadcast_in_dim3A_345 : vector<16xi1>) value(%and3A_343 : vector<16xi32>) : vector<16xi1>, vector<16xi32>
    %shift_right_logical3A_348 = arith.constant 21 : i32
    %shift_right_logical3A_349 = vector.broadcast %shift_right_logical3A_348 : i32 to vector<16xi32>
    %shift_right_logical3A_350 = arith.shrui %get3A_337, %shift_right_logical3A_349 : vector<16xi32>
    %shift_left3A_351 = arith.constant 15 : i32
    %shift_left3A_352 = vector.broadcast %shift_left3A_351 : i32 to vector<16xi32>
    %shift_left3A_353 = arith.shli %shift_right_logical3A_350, %shift_left3A_352 : vector<16xi32>
    %and3A_354 = arith.constant 32767 : i32
    %and3A_355 = vector.broadcast %and3A_354 : i32 to vector<16xi32>
    %and3A_356 = arith.andi %get3A_337, %and3A_355 : vector<16xi32>
    %or3A_357 = arith.ori %shift_left3A_353, %and3A_356 : vector<16xi32>
    %scan3A_358 = arith.constant 0 : i32
    %scan3A_359 = arith.constant 2048 : i32
    %scan3A_360 = arith.addi %scan3A_358, %scan3A_359 : i32
    %scan3A_361 = arith.constant 4 : i32
    %scan3A_362:4 = scf.for %scan3A_394 = %scan3A_358 to %scan3A_360 step %scan3A_361 iter_args(%scan3A_395 = %and3A_343, %scan3A_396 = %unique3A_347, %scan3A_397 = %unique3A_346, %scan3A_398 = %or3A_357) -> (vector<16xi32>, vector<16xi32>, vector<16xi1>, vector<16xi32>)  : i32 {
      %add3A_399 = arith.constant 1 : i32
      %add3A_400 = arith.addi %scan3A_394, %add3A_399 : i32
      %min3A = arith.constant 2047 : i32
      %min3A_401 = arith.minsi %add3A_400, %min3A : i32
      %mul3A_402 = arith.constant 16 : i32
      %mul3A_403 = arith.muli %min3A_401, %mul3A_402 : i32
      %get3A_404 = arith.index_cast %mul3A_403 : i32 to index
      %get3A_405 = tpu.vector_load %arg5[%get3A_404] {strides = array<i32>} : memref<32768xi32, #tpu.memory_space<vmem>>, vector<16xi32>,
      %shift_right_logical3A_406 = arith.constant 15 : i32
      %shift_right_logical3A_407 = vector.broadcast %shift_right_logical3A_406 : i32 to vector<16xi32>
      %shift_right_logical3A_408 = arith.shrui %get3A_405, %shift_right_logical3A_407 : vector<16xi32>
      %and3A_409 = arith.constant 63 : i32
      %and3A_410 = vector.broadcast %and3A_409 : i32 to vector<16xi32>
      %and3A_411 = arith.andi %shift_right_logical3A_408, %and3A_410 : vector<16xi32>
      %broadcast_in_dim3A_412 = arith.constant true
      %broadcast_in_dim3A_413 = vector.broadcast %broadcast_in_dim3A_412 : i1 to vector<16xi1>
      %unique3A_414, %unique3A_415 = tpu.scan_count mask(%broadcast_in_dim3A_413 : vector<16xi1>) value(%and3A_411 : vector<16xi32>) : vector<16xi1>, vector<16xi32>
      %shift_right_logical3A_416 = arith.constant 21 : i32
      %shift_right_logical3A_417 = vector.broadcast %shift_right_logical3A_416 : i32 to vector<16xi32>
      %shift_right_logical3A_418 = arith.shrui %get3A_405, %shift_right_logical3A_417 : vector<16xi32>
      %shift_left3A_419 = arith.constant 15 : i32
      %shift_left3A_420 = vector.broadcast %shift_left3A_419 : i32 to vector<16xi32>
      %shift_left3A_421 = arith.shli %shift_right_logical3A_418, %shift_left3A_420 : vector<16xi32>
      %and3A_422 = arith.constant 32767 : i32
      %and3A_423 = vector.broadcast %and3A_422 : i32 to vector<16xi32>
      %and3A_424 = arith.andi %get3A_405, %and3A_423 : vector<16xi32>
      %or3A_425 = arith.ori %shift_left3A_421, %and3A_424 : vector<16xi32>
      %gather3A = tpu.vector_load_idx %arg7[%scan3A_395] : memref<2112xi32, #tpu.memory_space<vmem>>[vector<16xi32>], vector<16xi32>,
      %add3A_426 = arith.addi %gather3A, %scan3A_396 : vector<16xi32>
      %sub3A_427 = arith.constant 1 : i32
      %sub3A_428 = vector.broadcast %sub3A_427 : i32 to vector<16xi32>
      %sub3A_429 = arith.subi %add3A_426, %sub3A_428 : vector<16xi32>
      tpu.vector_store_idx %arg6[%sub3A_429], %scan3A_398 : memref<32768xi32, #tpu.memory_space<vmem>>[vector<16xi32>], vector<16xi32>,
      tpu.vector_store_idx %arg7[%scan3A_395], %scan3A_396 masked %scan3A_397 {add = true} : memref<2112xi32, #tpu.memory_space<vmem>>[vector<16xi32>], vector<16xi32>, vector<16xi1>
      %shift_right_logical3A_430 = arith.constant 15 : i32
      %shift_right_logical3A_431 = vector.broadcast %shift_right_logical3A_430 : i32 to vector<16xi32>
      %shift_right_logical3A_432 = arith.shrui %scan3A_398, %shift_right_logical3A_431 : vector<16xi32>
      %add3A_433 = arith.constant 64 : i32
      %add3A_434 = vector.broadcast %add3A_433 : i32 to vector<16xi32>
      %add3A_435 = arith.addi %shift_right_logical3A_432, %add3A_434 : vector<16xi32>
      tpu.vector_store_idx %arg7[%add3A_435], %broadcast_in_dim3A_1 {add = true} : memref<2112xi32, #tpu.memory_space<vmem>>[vector<16xi32>], vector<16xi32>,
      %scan3A_436 = arith.constant 1 : i32
      %scan3A_437 = arith.addi %scan3A_394, %scan3A_436 : i32
      %add3A_438 = arith.constant 1 : i32
      %add3A_439 = arith.addi %scan3A_437, %add3A_438 : i32
      %min3A_440 = arith.constant 2047 : i32
      %min3A_441 = arith.minsi %add3A_439, %min3A_440 : i32
      %mul3A_442 = arith.constant 16 : i32
      %mul3A_443 = arith.muli %min3A_441, %mul3A_442 : i32
      %get3A_444 = arith.index_cast %mul3A_443 : i32 to index
      %get3A_445 = tpu.vector_load %arg5[%get3A_444] {strides = array<i32>} : memref<32768xi32, #tpu.memory_space<vmem>>, vector<16xi32>,
      %shift_right_logical3A_446 = arith.constant 15 : i32
      %shift_right_logical3A_447 = vector.broadcast %shift_right_logical3A_446 : i32 to vector<16xi32>
      %shift_right_logical3A_448 = arith.shrui %get3A_445, %shift_right_logical3A_447 : vector<16xi32>
      %and3A_449 = arith.constant 63 : i32
      %and3A_450 = vector.broadcast %and3A_449 : i32 to vector<16xi32>
      %and3A_451 = arith.andi %shift_right_logical3A_448, %and3A_450 : vector<16xi32>
      %broadcast_in_dim3A_452 = arith.constant true
      %broadcast_in_dim3A_453 = vector.broadcast %broadcast_in_dim3A_452 : i1 to vector<16xi1>
      %unique3A_454, %unique3A_455 = tpu.scan_count mask(%broadcast_in_dim3A_453 : vector<16xi1>) value(%and3A_451 : vector<16xi32>) : vector<16xi1>, vector<16xi32>
      %shift_right_logical3A_456 = arith.constant 21 : i32
      %shift_right_logical3A_457 = vector.broadcast %shift_right_logical3A_456 : i32 to vector<16xi32>
      %shift_right_logical3A_458 = arith.shrui %get3A_445, %shift_right_logical3A_457 : vector<16xi32>
      %shift_left3A_459 = arith.constant 15 : i32
      %shift_left3A_460 = vector.broadcast %shift_left3A_459 : i32 to vector<16xi32>
      %shift_left3A_461 = arith.shli %shift_right_logical3A_458, %shift_left3A_460 : vector<16xi32>
      %and3A_462 = arith.constant 32767 : i32
      %and3A_463 = vector.broadcast %and3A_462 : i32 to vector<16xi32>
      %and3A_464 = arith.andi %get3A_445, %and3A_463 : vector<16xi32>
      %or3A_465 = arith.ori %shift_left3A_461, %and3A_464 : vector<16xi32>
      %gather3A_466 = tpu.vector_load_idx %arg7[%and3A_411] : memref<2112xi32, #tpu.memory_space<vmem>>[vector<16xi32>], vector<16xi32>,
      %add3A_467 = arith.addi %gather3A_466, %unique3A_415 : vector<16xi32>
      %sub3A_468 = arith.constant 1 : i32
      %sub3A_469 = vector.broadcast %sub3A_468 : i32 to vector<16xi32>
      %sub3A_470 = arith.subi %add3A_467, %sub3A_469 : vector<16xi32>
      tpu.vector_store_idx %arg6[%sub3A_470], %or3A_425 : memref<32768xi32, #tpu.memory_space<vmem>>[vector<16xi32>], vector<16xi32>,
      tpu.vector_store_idx %arg7[%and3A_411], %unique3A_415 masked %unique3A_414 {add = true} : memref<2112xi32, #tpu.memory_space<vmem>>[vector<16xi32>], vector<16xi32>, vector<16xi1>
      %shift_right_logical3A_471 = arith.constant 15 : i32
      %shift_right_logical3A_472 = vector.broadcast %shift_right_logical3A_471 : i32 to vector<16xi32>
      %shift_right_logical3A_473 = arith.shrui %or3A_425, %shift_right_logical3A_472 : vector<16xi32>
      %add3A_474 = arith.constant 64 : i32
      %add3A_475 = vector.broadcast %add3A_474 : i32 to vector<16xi32>
      %add3A_476 = arith.addi %shift_right_logical3A_473, %add3A_475 : vector<16xi32>
      tpu.vector_store_idx %arg7[%add3A_476], %broadcast_in_dim3A_1 {add = true} : memref<2112xi32, #tpu.memory_space<vmem>>[vector<16xi32>], vector<16xi32>,
      %scan3A_477 = arith.constant 2 : i32
      %scan3A_478 = arith.addi %scan3A_394, %scan3A_477 : i32
      %add3A_479 = arith.constant 1 : i32
      %add3A_480 = arith.addi %scan3A_478, %add3A_479 : i32
      %min3A_481 = arith.constant 2047 : i32
      %min3A_482 = arith.minsi %add3A_480, %min3A_481 : i32
      %mul3A_483 = arith.constant 16 : i32
      %mul3A_484 = arith.muli %min3A_482, %mul3A_483 : i32
      %get3A_485 = arith.index_cast %mul3A_484 : i32 to index
      %get3A_486 = tpu.vector_load %arg5[%get3A_485] {strides = array<i32>} : memref<32768xi32, #tpu.memory_space<vmem>>, vector<16xi32>,
      %shift_right_logical3A_487 = arith.constant 15 : i32
      %shift_right_logical3A_488 = vector.broadcast %shift_right_logical3A_487 : i32 to vector<16xi32>
      %shift_right_logical3A_489 = arith.shrui %get3A_486, %shift_right_logical3A_488 : vector<16xi32>
      %and3A_490 = arith.constant 63 : i32
      %and3A_491 = vector.broadcast %and3A_490 : i32 to vector<16xi32>
      %and3A_492 = arith.andi %shift_right_logical3A_489, %and3A_491 : vector<16xi32>
      %broadcast_in_dim3A_493 = arith.constant true
      %broadcast_in_dim3A_494 = vector.broadcast %broadcast_in_dim3A_493 : i1 to vector<16xi1>
      %unique3A_495, %unique3A_496 = tpu.scan_count mask(%broadcast_in_dim3A_494 : vector<16xi1>) value(%and3A_492 : vector<16xi32>) : vector<16xi1>, vector<16xi32>
      %shift_right_logical3A_497 = arith.constant 21 : i32
      %shift_right_logical3A_498 = vector.broadcast %shift_right_logical3A_497 : i32 to vector<16xi32>
      %shift_right_logical3A_499 = arith.shrui %get3A_486, %shift_right_logical3A_498 : vector<16xi32>
      %shift_left3A_500 = arith.constant 15 : i32
      %shift_left3A_501 = vector.broadcast %shift_left3A_500 : i32 to vector<16xi32>
      %shift_left3A_502 = arith.shli %shift_right_logical3A_499, %shift_left3A_501 : vector<16xi32>
      %and3A_503 = arith.constant 32767 : i32
      %and3A_504 = vector.broadcast %and3A_503 : i32 to vector<16xi32>
      %and3A_505 = arith.andi %get3A_486, %and3A_504 : vector<16xi32>
      %or3A_506 = arith.ori %shift_left3A_502, %and3A_505 : vector<16xi32>
      %gather3A_507 = tpu.vector_load_idx %arg7[%and3A_451] : memref<2112xi32, #tpu.memory_space<vmem>>[vector<16xi32>], vector<16xi32>,
      %add3A_508 = arith.addi %gather3A_507, %unique3A_455 : vector<16xi32>
      %sub3A_509 = arith.constant 1 : i32
      %sub3A_510 = vector.broadcast %sub3A_509 : i32 to vector<16xi32>
      %sub3A_511 = arith.subi %add3A_508, %sub3A_510 : vector<16xi32>
      tpu.vector_store_idx %arg6[%sub3A_511], %or3A_465 : memref<32768xi32, #tpu.memory_space<vmem>>[vector<16xi32>], vector<16xi32>,
      tpu.vector_store_idx %arg7[%and3A_451], %unique3A_455 masked %unique3A_454 {add = true} : memref<2112xi32, #tpu.memory_space<vmem>>[vector<16xi32>], vector<16xi32>, vector<16xi1>
      %shift_right_logical3A_512 = arith.constant 15 : i32
      %shift_right_logical3A_513 = vector.broadcast %shift_right_logical3A_512 : i32 to vector<16xi32>
      %shift_right_logical3A_514 = arith.shrui %or3A_465, %shift_right_logical3A_513 : vector<16xi32>
      %add3A_515 = arith.constant 64 : i32
      %add3A_516 = vector.broadcast %add3A_515 : i32 to vector<16xi32>
      %add3A_517 = arith.addi %shift_right_logical3A_514, %add3A_516 : vector<16xi32>
      tpu.vector_store_idx %arg7[%add3A_517], %broadcast_in_dim3A_1 {add = true} : memref<2112xi32, #tpu.memory_space<vmem>>[vector<16xi32>], vector<16xi32>,
      %scan3A_518 = arith.constant 3 : i32
      %scan3A_519 = arith.addi %scan3A_394, %scan3A_518 : i32
      %add3A_520 = arith.constant 1 : i32
      %add3A_521 = arith.addi %scan3A_519, %add3A_520 : i32
      %min3A_522 = arith.constant 2047 : i32
      %min3A_523 = arith.minsi %add3A_521, %min3A_522 : i32
      %mul3A_524 = arith.constant 16 : i32
      %mul3A_525 = arith.muli %min3A_523, %mul3A_524 : i32
      %get3A_526 = arith.index_cast %mul3A_525 : i32 to index
      %get3A_527 = tpu.vector_load %arg5[%get3A_526] {strides = array<i32>} : memref<32768xi32, #tpu.memory_space<vmem>>, vector<16xi32>,
      %shift_right_logical3A_528 = arith.constant 15 : i32
      %shift_right_logical3A_529 = vector.broadcast %shift_right_logical3A_528 : i32 to vector<16xi32>
      %shift_right_logical3A_530 = arith.shrui %get3A_527, %shift_right_logical3A_529 : vector<16xi32>
      %and3A_531 = arith.constant 63 : i32
      %and3A_532 = vector.broadcast %and3A_531 : i32 to vector<16xi32>
      %and3A_533 = arith.andi %shift_right_logical3A_530, %and3A_532 : vector<16xi32>
      %broadcast_in_dim3A_534 = arith.constant true
      %broadcast_in_dim3A_535 = vector.broadcast %broadcast_in_dim3A_534 : i1 to vector<16xi1>
      %unique3A_536, %unique3A_537 = tpu.scan_count mask(%broadcast_in_dim3A_535 : vector<16xi1>) value(%and3A_533 : vector<16xi32>) : vector<16xi1>, vector<16xi32>
      %shift_right_logical3A_538 = arith.constant 21 : i32
      %shift_right_logical3A_539 = vector.broadcast %shift_right_logical3A_538 : i32 to vector<16xi32>
      %shift_right_logical3A_540 = arith.shrui %get3A_527, %shift_right_logical3A_539 : vector<16xi32>
      %shift_left3A_541 = arith.constant 15 : i32
      %shift_left3A_542 = vector.broadcast %shift_left3A_541 : i32 to vector<16xi32>
      %shift_left3A_543 = arith.shli %shift_right_logical3A_540, %shift_left3A_542 : vector<16xi32>
      %and3A_544 = arith.constant 32767 : i32
      %and3A_545 = vector.broadcast %and3A_544 : i32 to vector<16xi32>
      %and3A_546 = arith.andi %get3A_527, %and3A_545 : vector<16xi32>
      %or3A_547 = arith.ori %shift_left3A_543, %and3A_546 : vector<16xi32>
      %gather3A_548 = tpu.vector_load_idx %arg7[%and3A_492] : memref<2112xi32, #tpu.memory_space<vmem>>[vector<16xi32>], vector<16xi32>,
      %add3A_549 = arith.addi %gather3A_548, %unique3A_496 : vector<16xi32>
      %sub3A_550 = arith.constant 1 : i32
      %sub3A_551 = vector.broadcast %sub3A_550 : i32 to vector<16xi32>
      %sub3A_552 = arith.subi %add3A_549, %sub3A_551 : vector<16xi32>
      tpu.vector_store_idx %arg6[%sub3A_552], %or3A_506 : memref<32768xi32, #tpu.memory_space<vmem>>[vector<16xi32>], vector<16xi32>,
      tpu.vector_store_idx %arg7[%and3A_492], %unique3A_496 masked %unique3A_495 {add = true} : memref<2112xi32, #tpu.memory_space<vmem>>[vector<16xi32>], vector<16xi32>, vector<16xi1>
      %shift_right_logical3A_553 = arith.constant 15 : i32
      %shift_right_logical3A_554 = vector.broadcast %shift_right_logical3A_553 : i32 to vector<16xi32>
      %shift_right_logical3A_555 = arith.shrui %or3A_506, %shift_right_logical3A_554 : vector<16xi32>
      %add3A_556 = arith.constant 64 : i32
      %add3A_557 = vector.broadcast %add3A_556 : i32 to vector<16xi32>
      %add3A_558 = arith.addi %shift_right_logical3A_555, %add3A_557 : vector<16xi32>
      tpu.vector_store_idx %arg7[%add3A_558], %broadcast_in_dim3A_1 {add = true} : memref<2112xi32, #tpu.memory_space<vmem>>[vector<16xi32>], vector<16xi32>,
      scf.yield %and3A_533, %unique3A_537, %unique3A_536, %or3A_547 : vector<16xi32>, vector<16xi32>, vector<16xi1>, vector<16xi32>
    }
    %scan3A_363 = arith.constant 2048 : i32
    %scan3A_364 = arith.constant 0 : i32
    %scan3A_365 = arith.constant 0 : i32
    %scan3A_366 = arith.constant 128 : i32
    %scan3A_367 = arith.addi %scan3A_365, %scan3A_366 : i32
    %scan3A_368 = arith.constant 4 : i32
    %scan3A_369 = scf.for %scan3A_394 = %scan3A_365 to %scan3A_367 step %scan3A_368 iter_args(%scan3A_395 = %scan3A_364) -> (i32)  : i32 {
      %mul3A_396 = arith.constant 16 : i32
      %mul3A_397 = arith.muli %scan3A_394, %mul3A_396 : i32
      %add3A_398 = arith.constant 64 : i32
      %add3A_399 = arith.addi %add3A_398, %mul3A_397 : i32
      %get3A_400 = arith.index_cast %add3A_399 : i32 to index
      %get3A_401 = tpu.vector_load %arg7[%get3A_400] {strides = array<i32>} : memref<2112xi32, #tpu.memory_space<vmem>>, vector<16xi32>,
      %broadcast_in_dim3A_402 = arith.constant true
      %broadcast_in_dim3A_403 = vector.broadcast %broadcast_in_dim3A_402 : i1 to vector<16xi1>
      %masked_cumsum3A_404 = tpu.scan <sum>, %get3A_401 masked %broadcast_in_dim3A_403 : vector<16xi32>, vector<16xi1> -> vector<16xi32>
      %sub3A_405 = arith.subi %masked_cumsum3A_404, %get3A_401 : vector<16xi32>
      %add3A_406 = vector.broadcast %scan3A_395 : i32 to vector<16xi32>
      %add3A_407 = arith.addi %sub3A_405, %add3A_406 : vector<16xi32>
      %mul3A_408 = arith.constant 16 : i32
      %mul3A_409 = arith.muli %scan3A_394, %mul3A_408 : i32
      %add3A_410 = arith.constant 64 : i32
      %add3A_411 = arith.addi %add3A_410, %mul3A_409 : i32
      %swap3A_412 = arith.index_cast %add3A_411 : i32 to index
      %swap3A_413 = tpu.vector_load %arg7[%swap3A_412] {strides = array<i32>} : memref<2112xi32, #tpu.memory_space<vmem>>, vector<16xi32>,
      tpu.vector_store %arg7[%swap3A_412], %add3A_407 {strides = array<i32>} : memref<2112xi32, #tpu.memory_space<vmem>>, vector<16xi32>,
      %slice3A_414 = vector.extract_strided_slice %masked_cumsum3A_404 {offsets = [15], sizes = [1], strides = [1]} : vector<16xi32> to vector<1xi32>
      %squeeze3A_415 = vector.extract %slice3A_414[0] : i32 from vector<1xi32>
      %add3A_416 = arith.addi %scan3A_395, %squeeze3A_415 : i32
      %scan3A_417 = arith.constant 1 : i32
      %scan3A_418 = arith.addi %scan3A_394, %scan3A_417 : i32
      %mul3A_419 = arith.constant 16 : i32
      %mul3A_420 = arith.muli %scan3A_418, %mul3A_419 : i32
      %add3A_421 = arith.constant 64 : i32
      %add3A_422 = arith.addi %add3A_421, %mul3A_420 : i32
      %get3A_423 = arith.index_cast %add3A_422 : i32 to index
      %get3A_424 = tpu.vector_load %arg7[%get3A_423] {strides = array<i32>} : memref<2112xi32, #tpu.memory_space<vmem>>, vector<16xi32>,
      %broadcast_in_dim3A_425 = arith.constant true
      %broadcast_in_dim3A_426 = vector.broadcast %broadcast_in_dim3A_425 : i1 to vector<16xi1>
      %masked_cumsum3A_427 = tpu.scan <sum>, %get3A_424 masked %broadcast_in_dim3A_426 : vector<16xi32>, vector<16xi1> -> vector<16xi32>
      %sub3A_428 = arith.subi %masked_cumsum3A_427, %get3A_424 : vector<16xi32>
      %add3A_429 = vector.broadcast %add3A_416 : i32 to vector<16xi32>
      %add3A_430 = arith.addi %sub3A_428, %add3A_429 : vector<16xi32>
      %mul3A_431 = arith.constant 16 : i32
      %mul3A_432 = arith.muli %scan3A_418, %mul3A_431 : i32
      %add3A_433 = arith.constant 64 : i32
      %add3A_434 = arith.addi %add3A_433, %mul3A_432 : i32
      %swap3A_435 = arith.index_cast %add3A_434 : i32 to index
      %swap3A_436 = tpu.vector_load %arg7[%swap3A_435] {strides = array<i32>} : memref<2112xi32, #tpu.memory_space<vmem>>, vector<16xi32>,
      tpu.vector_store %arg7[%swap3A_435], %add3A_430 {strides = array<i32>} : memref<2112xi32, #tpu.memory_space<vmem>>, vector<16xi32>,
      %slice3A_437 = vector.extract_strided_slice %masked_cumsum3A_427 {offsets = [15], sizes = [1], strides = [1]} : vector<16xi32> to vector<1xi32>
      %squeeze3A_438 = vector.extract %slice3A_437[0] : i32 from vector<1xi32>
      %add3A_439 = arith.addi %add3A_416, %squeeze3A_438 : i32
      %scan3A_440 = arith.constant 2 : i32
      %scan3A_441 = arith.addi %scan3A_394, %scan3A_440 : i32
      %mul3A_442 = arith.constant 16 : i32
      %mul3A_443 = arith.muli %scan3A_441, %mul3A_442 : i32
      %add3A_444 = arith.constant 64 : i32
      %add3A_445 = arith.addi %add3A_444, %mul3A_443 : i32
      %get3A_446 = arith.index_cast %add3A_445 : i32 to index
      %get3A_447 = tpu.vector_load %arg7[%get3A_446] {strides = array<i32>} : memref<2112xi32, #tpu.memory_space<vmem>>, vector<16xi32>,
      %broadcast_in_dim3A_448 = arith.constant true
      %broadcast_in_dim3A_449 = vector.broadcast %broadcast_in_dim3A_448 : i1 to vector<16xi1>
      %masked_cumsum3A_450 = tpu.scan <sum>, %get3A_447 masked %broadcast_in_dim3A_449 : vector<16xi32>, vector<16xi1> -> vector<16xi32>
      %sub3A_451 = arith.subi %masked_cumsum3A_450, %get3A_447 : vector<16xi32>
      %add3A_452 = vector.broadcast %add3A_439 : i32 to vector<16xi32>
      %add3A_453 = arith.addi %sub3A_451, %add3A_452 : vector<16xi32>
      %mul3A_454 = arith.constant 16 : i32
      %mul3A_455 = arith.muli %scan3A_441, %mul3A_454 : i32
      %add3A_456 = arith.constant 64 : i32
      %add3A_457 = arith.addi %add3A_456, %mul3A_455 : i32
      %swap3A_458 = arith.index_cast %add3A_457 : i32 to index
      %swap3A_459 = tpu.vector_load %arg7[%swap3A_458] {strides = array<i32>} : memref<2112xi32, #tpu.memory_space<vmem>>, vector<16xi32>,
      tpu.vector_store %arg7[%swap3A_458], %add3A_453 {strides = array<i32>} : memref<2112xi32, #tpu.memory_space<vmem>>, vector<16xi32>,
      %slice3A_460 = vector.extract_strided_slice %masked_cumsum3A_450 {offsets = [15], sizes = [1], strides = [1]} : vector<16xi32> to vector<1xi32>
      %squeeze3A_461 = vector.extract %slice3A_460[0] : i32 from vector<1xi32>
      %add3A_462 = arith.addi %add3A_439, %squeeze3A_461 : i32
      %scan3A_463 = arith.constant 3 : i32
      %scan3A_464 = arith.addi %scan3A_394, %scan3A_463 : i32
      %mul3A_465 = arith.constant 16 : i32
      %mul3A_466 = arith.muli %scan3A_464, %mul3A_465 : i32
      %add3A_467 = arith.constant 64 : i32
      %add3A_468 = arith.addi %add3A_467, %mul3A_466 : i32
      %get3A_469 = arith.index_cast %add3A_468 : i32 to index
      %get3A_470 = tpu.vector_load %arg7[%get3A_469] {strides = array<i32>} : memref<2112xi32, #tpu.memory_space<vmem>>, vector<16xi32>,
      %broadcast_in_dim3A_471 = arith.constant true
      %broadcast_in_dim3A_472 = vector.broadcast %broadcast_in_dim3A_471 : i1 to vector<16xi1>
      %masked_cumsum3A_473 = tpu.scan <sum>, %get3A_470 masked %broadcast_in_dim3A_472 : vector<16xi32>, vector<16xi1> -> vector<16xi32>
      %sub3A_474 = arith.subi %masked_cumsum3A_473, %get3A_470 : vector<16xi32>
      %add3A_475 = vector.broadcast %add3A_462 : i32 to vector<16xi32>
      %add3A_476 = arith.addi %sub3A_474, %add3A_475 : vector<16xi32>
      %mul3A_477 = arith.constant 16 : i32
      %mul3A_478 = arith.muli %scan3A_464, %mul3A_477 : i32
      %add3A_479 = arith.constant 64 : i32
      %add3A_480 = arith.addi %add3A_479, %mul3A_478 : i32
      %swap3A_481 = arith.index_cast %add3A_480 : i32 to index
      %swap3A_482 = tpu.vector_load %arg7[%swap3A_481] {strides = array<i32>} : memref<2112xi32, #tpu.memory_space<vmem>>, vector<16xi32>,
      tpu.vector_store %arg7[%swap3A_481], %add3A_476 {strides = array<i32>} : memref<2112xi32, #tpu.memory_space<vmem>>, vector<16xi32>,
      %slice3A_483 = vector.extract_strided_slice %masked_cumsum3A_473 {offsets = [15], sizes = [1], strides = [1]} : vector<16xi32> to vector<1xi32>
      %squeeze3A_484 = vector.extract %slice3A_483[0] : i32 from vector<1xi32>
      %add3A_485 = arith.addi %add3A_462, %squeeze3A_484 : i32
      scf.yield %add3A_485 : i32
    }
    %scan3A_370 = arith.constant 128 : i32
    %get3A_371 = arith.constant 0 : index
    %get3A_372 = tpu.vector_load %arg6[%get3A_371] {strides = array<i32>} : memref<32768xi32, #tpu.memory_space<vmem>>, vector<16xi32>,
    %shift_right_logical3A_373 = arith.constant 15 : i32
    %shift_right_logical3A_374 = vector.broadcast %shift_right_logical3A_373 : i32 to vector<16xi32>
    %shift_right_logical3A_375 = arith.shrui %get3A_372, %shift_right_logical3A_374 : vector<16xi32>
    %add3A_376 = arith.constant 64 : i32
    %add3A_377 = vector.broadcast %add3A_376 : i32 to vector<16xi32>
    %add3A_378 = arith.addi %shift_right_logical3A_375, %add3A_377 : vector<16xi32>
    %broadcast_in_dim3A_379 = arith.constant true
    %broadcast_in_dim3A_380 = vector.broadcast %broadcast_in_dim3A_379 : i1 to vector<16xi1>
    %unique3A_381, %unique3A_382 = tpu.scan_count mask(%broadcast_in_dim3A_380 : vector<16xi1>) value(%add3A_378 : vector<16xi32>) : vector<16xi1>, vector<16xi32>
    %and3A_383 = arith.constant 32767 : i32
    %and3A_384 = vector.broadcast %and3A_383 : i32 to vector<16xi32>
    %and3A_385 = arith.andi %get3A_372, %and3A_384 : vector<16xi32>
    %scan3A_386 = arith.constant 0 : i32
    %scan3A_387 = arith.constant 2048 : i32
    %scan3A_388 = arith.addi %scan3A_386, %scan3A_387 : i32
    %scan3A_389 = arith.constant 4 : i32
    %scan3A_390:4 = scf.for %scan3A_394 = %scan3A_386 to %scan3A_388 step %scan3A_389 iter_args(%scan3A_395 = %add3A_378, %scan3A_396 = %unique3A_382, %scan3A_397 = %unique3A_381, %scan3A_398 = %and3A_385) -> (vector<16xi32>, vector<16xi32>, vector<16xi1>, vector<16xi32>)  : i32 {
      %add3A_399 = arith.constant 1 : i32
      %add3A_400 = arith.addi %scan3A_394, %add3A_399 : i32
      %min3A = arith.constant 2047 : i32
      %min3A_401 = arith.minsi %add3A_400, %min3A : i32
      %mul3A_402 = arith.constant 16 : i32
      %mul3A_403 = arith.muli %min3A_401, %mul3A_402 : i32
      %get3A_404 = arith.index_cast %mul3A_403 : i32 to index
      %get3A_405 = tpu.vector_load %arg6[%get3A_404] {strides = array<i32>} : memref<32768xi32, #tpu.memory_space<vmem>>, vector<16xi32>,
      %shift_right_logical3A_406 = arith.constant 15 : i32
      %shift_right_logical3A_407 = vector.broadcast %shift_right_logical3A_406 : i32 to vector<16xi32>
      %shift_right_logical3A_408 = arith.shrui %get3A_405, %shift_right_logical3A_407 : vector<16xi32>
      %add3A_409 = arith.constant 64 : i32
      %add3A_410 = vector.broadcast %add3A_409 : i32 to vector<16xi32>
      %add3A_411 = arith.addi %shift_right_logical3A_408, %add3A_410 : vector<16xi32>
      %broadcast_in_dim3A_412 = arith.constant true
      %broadcast_in_dim3A_413 = vector.broadcast %broadcast_in_dim3A_412 : i1 to vector<16xi1>
      %unique3A_414, %unique3A_415 = tpu.scan_count mask(%broadcast_in_dim3A_413 : vector<16xi1>) value(%add3A_411 : vector<16xi32>) : vector<16xi1>, vector<16xi32>
      %and3A_416 = arith.constant 32767 : i32
      %and3A_417 = vector.broadcast %and3A_416 : i32 to vector<16xi32>
      %and3A_418 = arith.andi %get3A_405, %and3A_417 : vector<16xi32>
      %gather3A = tpu.vector_load_idx %arg7[%scan3A_395] : memref<2112xi32, #tpu.memory_space<vmem>>[vector<16xi32>], vector<16xi32>,
      %add3A_419 = arith.addi %gather3A, %scan3A_396 : vector<16xi32>
      %convert_element_type3A = arith.sitofp %add3A_419 : vector<16xi32> to vector<16xf32>
      %div3A = arith.constant 1.000000e+00 : f32
      %div3A_420 = vector.broadcast %div3A : f32 to vector<16xf32>
      %div3A_421 = arith.divf %div3A_420, %convert_element_type3A : vector<16xf32>
      %sub3A_422 = arith.constant 64 : i32
      %sub3A_423 = vector.broadcast %sub3A_422 : i32 to vector<16xi32>
      %sub3A_424 = arith.subi %scan3A_395, %sub3A_423 : vector<16xi32>
      %eq3A = arith.constant 1023 : i32
      %eq3A_425 = vector.broadcast %eq3A : i32 to vector<16xi32>
      %eq3A_426 = arith.cmpi eq, %sub3A_424, %eq3A_425 : vector<16xi32>
      %eq3A_427 = arith.constant 1024 : i32
      %eq3A_428 = vector.broadcast %eq3A_427 : i32 to vector<16xi32>
      %eq3A_429 = arith.cmpi eq, %sub3A_424, %eq3A_428 : vector<16xi32>
      %or3A_430 = arith.ori %eq3A_426, %eq3A_429 : vector<16xi1>
      %jit3A = arith.constant 0.000000e+00 : f32
      %broadcast_in_dim3A_431 = vector.broadcast %jit3A : f32 to vector<16xf32>
      %select_n3A_432 = arith.select %or3A_430, %broadcast_in_dim3A_431, %div3A_421 : vector<16xi1>, vector<16xf32>
      tpu.vector_store_idx %arg4[%scan3A_398], %select_n3A_432 : memref<32768xf32, #tpu.memory_space<vmem>>[vector<16xi32>], vector<16xf32>,
      tpu.vector_store_idx %arg7[%scan3A_395], %scan3A_396 masked %scan3A_397 {add = true} : memref<2112xi32, #tpu.memory_space<vmem>>[vector<16xi32>], vector<16xi32>, vector<16xi1>
      %scan3A_433 = arith.constant 1 : i32
      %scan3A_434 = arith.addi %scan3A_394, %scan3A_433 : i32
      %add3A_435 = arith.constant 1 : i32
      %add3A_436 = arith.addi %scan3A_434, %add3A_435 : i32
      %min3A_437 = arith.constant 2047 : i32
      %min3A_438 = arith.minsi %add3A_436, %min3A_437 : i32
      %mul3A_439 = arith.constant 16 : i32
      %mul3A_440 = arith.muli %min3A_438, %mul3A_439 : i32
      %get3A_441 = arith.index_cast %mul3A_440 : i32 to index
      %get3A_442 = tpu.vector_load %arg6[%get3A_441] {strides = array<i32>} : memref<32768xi32, #tpu.memory_space<vmem>>, vector<16xi32>,
      %shift_right_logical3A_443 = arith.constant 15 : i32
      %shift_right_logical3A_444 = vector.broadcast %shift_right_logical3A_443 : i32 to vector<16xi32>
      %shift_right_logical3A_445 = arith.shrui %get3A_442, %shift_right_logical3A_444 : vector<16xi32>
      %add3A_446 = arith.constant 64 : i32
      %add3A_447 = vector.broadcast %add3A_446 : i32 to vector<16xi32>
      %add3A_448 = arith.addi %shift_right_logical3A_445, %add3A_447 : vector<16xi32>
      %broadcast_in_dim3A_449 = arith.constant true
      %broadcast_in_dim3A_450 = vector.broadcast %broadcast_in_dim3A_449 : i1 to vector<16xi1>
      %unique3A_451, %unique3A_452 = tpu.scan_count mask(%broadcast_in_dim3A_450 : vector<16xi1>) value(%add3A_448 : vector<16xi32>) : vector<16xi1>, vector<16xi32>
      %and3A_453 = arith.constant 32767 : i32
      %and3A_454 = vector.broadcast %and3A_453 : i32 to vector<16xi32>
      %and3A_455 = arith.andi %get3A_442, %and3A_454 : vector<16xi32>
      %gather3A_456 = tpu.vector_load_idx %arg7[%add3A_411] : memref<2112xi32, #tpu.memory_space<vmem>>[vector<16xi32>], vector<16xi32>,
      %add3A_457 = arith.addi %gather3A_456, %unique3A_415 : vector<16xi32>
      %convert_element_type3A_458 = arith.sitofp %add3A_457 : vector<16xi32> to vector<16xf32>
      %div3A_459 = arith.constant 1.000000e+00 : f32
      %div3A_460 = vector.broadcast %div3A_459 : f32 to vector<16xf32>
      %div3A_461 = arith.divf %div3A_460, %convert_element_type3A_458 : vector<16xf32>
      %sub3A_462 = arith.constant 64 : i32
      %sub3A_463 = vector.broadcast %sub3A_462 : i32 to vector<16xi32>
      %sub3A_464 = arith.subi %add3A_411, %sub3A_463 : vector<16xi32>
      %eq3A_465 = arith.constant 1023 : i32
      %eq3A_466 = vector.broadcast %eq3A_465 : i32 to vector<16xi32>
      %eq3A_467 = arith.cmpi eq, %sub3A_464, %eq3A_466 : vector<16xi32>
      %eq3A_468 = arith.constant 1024 : i32
      %eq3A_469 = vector.broadcast %eq3A_468 : i32 to vector<16xi32>
      %eq3A_470 = arith.cmpi eq, %sub3A_464, %eq3A_469 : vector<16xi32>
      %or3A_471 = arith.ori %eq3A_467, %eq3A_470 : vector<16xi1>
      %jit3A_472 = arith.constant 0.000000e+00 : f32
      %broadcast_in_dim3A_473 = vector.broadcast %jit3A_472 : f32 to vector<16xf32>
      %select_n3A_474 = arith.select %or3A_471, %broadcast_in_dim3A_473, %div3A_461 : vector<16xi1>, vector<16xf32>
      tpu.vector_store_idx %arg4[%and3A_418], %select_n3A_474 : memref<32768xf32, #tpu.memory_space<vmem>>[vector<16xi32>], vector<16xf32>,
      tpu.vector_store_idx %arg7[%add3A_411], %unique3A_415 masked %unique3A_414 {add = true} : memref<2112xi32, #tpu.memory_space<vmem>>[vector<16xi32>], vector<16xi32>, vector<16xi1>
      %scan3A_475 = arith.constant 2 : i32
      %scan3A_476 = arith.addi %scan3A_394, %scan3A_475 : i32
      %add3A_477 = arith.constant 1 : i32
      %add3A_478 = arith.addi %scan3A_476, %add3A_477 : i32
      %min3A_479 = arith.constant 2047 : i32
      %min3A_480 = arith.minsi %add3A_478, %min3A_479 : i32
      %mul3A_481 = arith.constant 16 : i32
      %mul3A_482 = arith.muli %min3A_480, %mul3A_481 : i32
      %get3A_483 = arith.index_cast %mul3A_482 : i32 to index
      %get3A_484 = tpu.vector_load %arg6[%get3A_483] {strides = array<i32>} : memref<32768xi32, #tpu.memory_space<vmem>>, vector<16xi32>,
      %shift_right_logical3A_485 = arith.constant 15 : i32
      %shift_right_logical3A_486 = vector.broadcast %shift_right_logical3A_485 : i32 to vector<16xi32>
      %shift_right_logical3A_487 = arith.shrui %get3A_484, %shift_right_logical3A_486 : vector<16xi32>
      %add3A_488 = arith.constant 64 : i32
      %add3A_489 = vector.broadcast %add3A_488 : i32 to vector<16xi32>
      %add3A_490 = arith.addi %shift_right_logical3A_487, %add3A_489 : vector<16xi32>
      %broadcast_in_dim3A_491 = arith.constant true
      %broadcast_in_dim3A_492 = vector.broadcast %broadcast_in_dim3A_491 : i1 to vector<16xi1>
      %unique3A_493, %unique3A_494 = tpu.scan_count mask(%broadcast_in_dim3A_492 : vector<16xi1>) value(%add3A_490 : vector<16xi32>) : vector<16xi1>, vector<16xi32>
      %and3A_495 = arith.constant 32767 : i32
      %and3A_496 = vector.broadcast %and3A_495 : i32 to vector<16xi32>
      %and3A_497 = arith.andi %get3A_484, %and3A_496 : vector<16xi32>
      %gather3A_498 = tpu.vector_load_idx %arg7[%add3A_448] : memref<2112xi32, #tpu.memory_space<vmem>>[vector<16xi32>], vector<16xi32>,
      %add3A_499 = arith.addi %gather3A_498, %unique3A_452 : vector<16xi32>
      %convert_element_type3A_500 = arith.sitofp %add3A_499 : vector<16xi32> to vector<16xf32>
      %div3A_501 = arith.constant 1.000000e+00 : f32
      %div3A_502 = vector.broadcast %div3A_501 : f32 to vector<16xf32>
      %div3A_503 = arith.divf %div3A_502, %convert_element_type3A_500 : vector<16xf32>
      %sub3A_504 = arith.constant 64 : i32
      %sub3A_505 = vector.broadcast %sub3A_504 : i32 to vector<16xi32>
      %sub3A_506 = arith.subi %add3A_448, %sub3A_505 : vector<16xi32>
      %eq3A_507 = arith.constant 1023 : i32
      %eq3A_508 = vector.broadcast %eq3A_507 : i32 to vector<16xi32>
      %eq3A_509 = arith.cmpi eq, %sub3A_506, %eq3A_508 : vector<16xi32>
      %eq3A_510 = arith.constant 1024 : i32
      %eq3A_511 = vector.broadcast %eq3A_510 : i32 to vector<16xi32>
      %eq3A_512 = arith.cmpi eq, %sub3A_506, %eq3A_511 : vector<16xi32>
      %or3A_513 = arith.ori %eq3A_509, %eq3A_512 : vector<16xi1>
      %jit3A_514 = arith.constant 0.000000e+00 : f32
      %broadcast_in_dim3A_515 = vector.broadcast %jit3A_514 : f32 to vector<16xf32>
      %select_n3A_516 = arith.select %or3A_513, %broadcast_in_dim3A_515, %div3A_503 : vector<16xi1>, vector<16xf32>
      tpu.vector_store_idx %arg4[%and3A_455], %select_n3A_516 : memref<32768xf32, #tpu.memory_space<vmem>>[vector<16xi32>], vector<16xf32>,
      tpu.vector_store_idx %arg7[%add3A_448], %unique3A_452 masked %unique3A_451 {add = true} : memref<2112xi32, #tpu.memory_space<vmem>>[vector<16xi32>], vector<16xi32>, vector<16xi1>
      %scan3A_517 = arith.constant 3 : i32
      %scan3A_518 = arith.addi %scan3A_394, %scan3A_517 : i32
      %add3A_519 = arith.constant 1 : i32
      %add3A_520 = arith.addi %scan3A_518, %add3A_519 : i32
      %min3A_521 = arith.constant 2047 : i32
      %min3A_522 = arith.minsi %add3A_520, %min3A_521 : i32
      %mul3A_523 = arith.constant 16 : i32
      %mul3A_524 = arith.muli %min3A_522, %mul3A_523 : i32
      %get3A_525 = arith.index_cast %mul3A_524 : i32 to index
      %get3A_526 = tpu.vector_load %arg6[%get3A_525] {strides = array<i32>} : memref<32768xi32, #tpu.memory_space<vmem>>, vector<16xi32>,
      %shift_right_logical3A_527 = arith.constant 15 : i32
      %shift_right_logical3A_528 = vector.broadcast %shift_right_logical3A_527 : i32 to vector<16xi32>
      %shift_right_logical3A_529 = arith.shrui %get3A_526, %shift_right_logical3A_528 : vector<16xi32>
      %add3A_530 = arith.constant 64 : i32
      %add3A_531 = vector.broadcast %add3A_530 : i32 to vector<16xi32>
      %add3A_532 = arith.addi %shift_right_logical3A_529, %add3A_531 : vector<16xi32>
      %broadcast_in_dim3A_533 = arith.constant true
      %broadcast_in_dim3A_534 = vector.broadcast %broadcast_in_dim3A_533 : i1 to vector<16xi1>
      %unique3A_535, %unique3A_536 = tpu.scan_count mask(%broadcast_in_dim3A_534 : vector<16xi1>) value(%add3A_532 : vector<16xi32>) : vector<16xi1>, vector<16xi32>
      %and3A_537 = arith.constant 32767 : i32
      %and3A_538 = vector.broadcast %and3A_537 : i32 to vector<16xi32>
      %and3A_539 = arith.andi %get3A_526, %and3A_538 : vector<16xi32>
      %gather3A_540 = tpu.vector_load_idx %arg7[%add3A_490] : memref<2112xi32, #tpu.memory_space<vmem>>[vector<16xi32>], vector<16xi32>,
      %add3A_541 = arith.addi %gather3A_540, %unique3A_494 : vector<16xi32>
      %convert_element_type3A_542 = arith.sitofp %add3A_541 : vector<16xi32> to vector<16xf32>
      %div3A_543 = arith.constant 1.000000e+00 : f32
      %div3A_544 = vector.broadcast %div3A_543 : f32 to vector<16xf32>
      %div3A_545 = arith.divf %div3A_544, %convert_element_type3A_542 : vector<16xf32>
      %sub3A_546 = arith.constant 64 : i32
      %sub3A_547 = vector.broadcast %sub3A_546 : i32 to vector<16xi32>
      %sub3A_548 = arith.subi %add3A_490, %sub3A_547 : vector<16xi32>
      %eq3A_549 = arith.constant 1023 : i32
      %eq3A_550 = vector.broadcast %eq3A_549 : i32 to vector<16xi32>
      %eq3A_551 = arith.cmpi eq, %sub3A_548, %eq3A_550 : vector<16xi32>
      %eq3A_552 = arith.constant 1024 : i32
      %eq3A_553 = vector.broadcast %eq3A_552 : i32 to vector<16xi32>
      %eq3A_554 = arith.cmpi eq, %sub3A_548, %eq3A_553 : vector<16xi32>
      %or3A_555 = arith.ori %eq3A_551, %eq3A_554 : vector<16xi1>
      %jit3A_556 = arith.constant 0.000000e+00 : f32
      %broadcast_in_dim3A_557 = vector.broadcast %jit3A_556 : f32 to vector<16xf32>
      %select_n3A_558 = arith.select %or3A_555, %broadcast_in_dim3A_557, %div3A_545 : vector<16xi1>, vector<16xf32>
      tpu.vector_store_idx %arg4[%and3A_497], %select_n3A_558 : memref<32768xf32, #tpu.memory_space<vmem>>[vector<16xi32>], vector<16xf32>,
      tpu.vector_store_idx %arg7[%add3A_490], %unique3A_494 masked %unique3A_493 {add = true} : memref<2112xi32, #tpu.memory_space<vmem>>[vector<16xi32>], vector<16xi32>, vector<16xi1>
      scf.yield %add3A_532, %unique3A_536, %unique3A_535, %and3A_539 : vector<16xi32>, vector<16xi32>, vector<16xi1>, vector<16xi32>
    }
    %scan3A_391 = arith.constant 2048 : i32
    %mul3A_392 = arith.constant 32768 : i32
    %mul3A_393 = arith.muli %add3A_190, %mul3A_392 : i32
    "tpu.region"() ({
      %run_scoped3A = tpu.sem_alloc : memref<!tpu.dma_semaphore, #tpu.memory_space<semaphore_mem>>
      %dma_start3A = tpu.memref_slice %arg3[%mul3A_393] : memref<2097152xf32, #tpu.memory_space<hbm>> -> memref<32768xf32, #tpu.memory_space<hbm>>
      %dma_start3A_394 = tpu.memref_slice %arg3[%mul3A_393] : memref<2097152xf32, #tpu.memory_space<hbm>> -> memref<32768xf32, #tpu.memory_space<hbm>>
      tpu.enqueue_dma source(%arg4 : memref<32768xf32, #tpu.memory_space<vmem>>) target(%dma_start3A_394 : memref<32768xf32, #tpu.memory_space<hbm>>) target_semaphore(%run_scoped3A : memref<!tpu.dma_semaphore, #tpu.memory_space<semaphore_mem>>)
      %dma_wait3A = tpu.memref_slice %arg3[%mul3A_393] : memref<2097152xf32, #tpu.memory_space<hbm>> -> memref<32768xf32, #tpu.memory_space<hbm>>
      %dma_wait3A_395 = tpu.memref_slice %arg3[%mul3A_393] : memref<2097152xf32, #tpu.memory_space<hbm>> -> memref<32768xf32, #tpu.memory_space<hbm>>
      tpu.wait_dma2 semaphore(%run_scoped3A : memref<!tpu.dma_semaphore, #tpu.memory_space<semaphore_mem>>) src(%arg4 : memref<32768xf32, #tpu.memory_space<vmem>>) dst(%dma_wait3A_395 : memref<32768xf32, #tpu.memory_space<hbm>>)
      tpu.yield
    }) : () -> ()
    return
  }
}

</mosaic_0001>

<sc_bundles>
// kernel: _rr.3.cloned.1.call-start
scs
__scs_entry_jumppad:
0x0: {  	(pc) =	sbr.rel $0x88, $3  }
0x1: {  	(tag) =	ssettag $0x0;
	lr =	simm.s32 $0x1  }
0x2: {  	[smem:$0x3FA0] =	sst lr;
	_ =	strace $0xD0000000  }
0x3: {  	_ = 	snop  }
0x4: {  	_ = 	snop  }
0x5: {  	_ = 	snop  }
0x6: {  	_ = 	snop  }
0x7: {  	_ = 	snop  }
__scs_overlays_trampoline_lowered:
0x8: {  	[smem:$0x3FAF] =	sst s0  }
0x9: {  	[smem:$0x3FB0] =	sst s1  }
0xa: {  	[smem:$0x3FB1] =	sst s2  }
0xb: {  	[smem:$0x3FB2] =	sst s3  }
0xc: {  	[smem:$0x3FB3] =	sst s4  }
0xd: {  	[smem:$0x3FB4] =	sst s5  }
0xe: {  	[smem:$0x3FB5] =	sst s6  }
0xf: {  	[smem:$0x3FB6] =	sst s7  }
0x10: {  	[smem:$0x3FB7] =	sst s8  }
0x11: {  	[smem:$0x3FB8] =	sst s9;
	s0 =	simm.s32 @!p0 $0x0  }
0x12: {  	s1 =	sld [smem:$0x3F9E];
	s0 =	simm.s32 @p0 $0x1  }
0x13: {  	[smem:$0x3FB9] =	sst s0;
	s0 =	simm.s32 @!p1 $0x0  }
0x14: {  	s2 =	sld [smem:$0x3F9D];
	s0 =	simm.s32 @p1 $0x1  }
0x15: {  	[smem:$0x3FBA] =	sst s0;
	s0 =	simm.s32 @!p2 $0x0  }
0x16: {  	s3 =	sld [smem:$0x3FDB];
	s0 =	simm.s32 @p2 $0x1  }
0x17: {  	s4 =	simm.s32 $0x1BF5;
	[smem:$0x3FBC] =	sst s0  }
0x18: {  	s0 =	sld [smem:$0x3F9F];
	_ =	swait.ge [sflag:s4], $0x0  }
0x19: {  	s7 =	sld [smem:$0x3FA0]  }
0x1a: {  	s8 =	sadd.s32 $0xFFFFE003, lr  }
0x1b: {  	s9 =	sadd.s32 $0xFFFFFEF7, lr;
	s5 =	simm.s32 $0xFFFFFFFF;
	p2 =	slt.u32 s8, $0xFFFFF086  }
0x1c: {  	p1 =	slt.u32 s9, $0xF7A;
	s5 =	simm.s32 @!p2 $0x0  }
0x1d: {  	s5 =	simm.s32 @p1 $0x1;
	p0 =	seq.s32 s7, s2  }
0x1e: {  	s7 =	smul.u32 @!p0 $0xF7A, s2;
	p2 =	seq.s32 @!p0 s5, $0x0  }
0x1f: {  	s9 =	smul.u32 $0xF7A, s1;
	s8 =	simm.s32 @!p0 $0x1BF5;
	p2 =	por !p2, p0  }
0x20: {  	[sflag:s8] =	ssyncset.s32 @!p0 $0xFFFFF086;
	s6 =	sadd.s32 @!p0 s3, s7;
	s7 =	simm.s32 @!p0 $0x108  }
0x21: {  	s3 =	sadd.s32 s3, s9;
	s6 =	sadd.s32 @!p0 $0x88, s6;
	s7 =	simm.s32 @p2 $0x1082  }
0x22: {  	[simem:s7], [sflag:s8] =	dma.local @!p0 [hbm:s6], $0xF7A  }
0x23: {  	s9 =	sor.u32 $0xD0000000, s2;
	s6 =	simm.s32 $0x108;
	_ =	swait.ge @!p0 [sflag:s8], $0x0  }
0x24: {  	s3 =	sadd.s32 $0x88, s3;
	s6 =	simm.s32 @!p1 $0x1082;
	[sflag:s4] =	ssyncset.s32 $0xFFFFF086  }
0x25: {  	[simem:s6], [sflag:s4] =	dma.local [hbm:s3], $0xF7A  }
0x26: {  	[smem:$0x3FA0] =	sst s1;
	(tag) =	ssettag s2;
	_ =	strace s9  }
0x27: {  	s1 =	sld [smem:$0x3FB0]  }
0x28: {  	s2 =	sld [smem:$0x3FB1]  }
0x29: {  	s4 =	sld [smem:$0x3FB3]  }
0x2a: {  	p0 =	seq.s32 s5, $0x0;
	s5 =	sld [smem:$0x3FB4]  }
0x2b: {  	s6 =	sld [smem:$0x3FB5]  }
0x2c: {  	s7 =	sld [smem:$0x3FB6]  }
0x2d: {  	s3 =	simm.s32 $0x108;
	s8 =	sld [smem:$0x3FB7]  }
0x2e: {  	s3 =	simm.s32 @!p0 $0x1082;
	s9 =	sld [smem:$0x3FB8]  }
0x2f: {  	lr =	sadd.s32 s0, s3;
	s0 =	sld [smem:$0x3FAF]  }
0x30: {  	s3 =	sld [smem:$0x3FB2]  }
0x31: {  	[smem:$0x3FBB] =	sst s10  }
0x32: {  	s10 =	sld [smem:$0x3FB9];
	_ =	sdelay $0x3  }
0x33: {  	p0 =	seq.s32 s10, $0x1;
	s10 =	sld [smem:$0x3FBB];
	_ =	sdelay $0x3  }
0x34: {  	[smem:$0x3FBB] =	sst s10  }
0x35: {  	s10 =	sld [smem:$0x3FBA];
	_ =	sdelay $0x3  }
0x36: {  	p1 =	seq.s32 s10, $0x1;
	s10 =	sld [smem:$0x3FBB];
	_ =	sdelay $0x3  }
0x37: {  	[smem:$0x3FBB] =	sst s10  }
0x38: {  	s10 =	sld [smem:$0x3FBC]  }
0x39: {  	_ = 	snop;
	(pc) =	sbr.ind lr, $3  }
0x3a: {  	_ = 	snop  }
0x3b: {  	_ = 	snop  }
0x3c: {  	p2 =	seq.s32 s10, $0x1;
	s10 =	sld [smem:$0x3FBB]  }
0x3d: {  	_ =	shalt  }
0x3e: {  	_ =	shalt  }
0x3f: {  	_ =	shalt  }
0x40: {  	_ =	shalt  }
0x41: {  	_ =	shalt  }
0x42: {  	_ =	shalt  }
0x43: {  	_ =	shalt  }
0x44: {  	_ =	shalt  }
0x45: {  	_ =	shalt  }
0x46: {  	_ =	shalt  }
0x47: {  	_ =	shalt  }
0x48: {  	_ =	shalt  }
0x49: {  	_ =	shalt  }
0x4a: {  	_ =	shalt  }
0x4b: {  	_ =	shalt  }
0x4c: {  	_ =	shalt  }
0x4d: {  	_ =	shalt  }
0x4e: {  	_ =	shalt  }
0x4f: {  	_ =	shalt  }
0x50: {  	_ =	shalt  }
0x51: {  	_ =	shalt  }
0x52: {  	_ =	shalt  }
0x53: {  	_ =	shalt  }
0x54: {  	_ =	shalt  }
0x55: {  	_ =	shalt  }
0x56: {  	_ =	shalt  }
0x57: {  	_ =	shalt  }
0x58: {  	_ =	shalt  }
0x59: {  	_ =	shalt  }
0x5a: {  	_ =	shalt  }
0x5b: {  	_ =	shalt  }
0x5c: {  	_ =	shalt  }
0x5d: {  	_ =	shalt  }
0x5e: {  	_ =	shalt  }
0x5f: {  	_ =	shalt  }
0x60: {  	_ =	shalt  }
0x61: {  	_ =	shalt  }
0x62: {  	_ =	shalt  }
0x63: {  	_ =	shalt  }
0x64: {  	_ =	shalt  }
0x65: {  	_ =	shalt  }
0x66: {  	_ =	shalt  }
0x67: {  	_ =	shalt  }
0x68: {  	_ =	shalt  }
0x69: {  	_ =	shalt  }
0x6a: {  	_ =	shalt  }
0x6b: {  	_ =	shalt  }
0x6c: {  	_ =	shalt  }
0x6d: {  	_ =	shalt  }
0x6e: {  	_ =	shalt  }
0x6f: {  	_ =	shalt  }
0x70: {  	_ =	shalt  }
0x71: {  	_ =	shalt  }
0x72: {  	_ =	shalt  }
0x73: {  	_ =	shalt  }
0x74: {  	_ =	shalt  }
0x75: {  	_ =	shalt  }
0x76: {  	_ =	shalt  }
0x77: {  	_ =	shalt  }
0x78: {  	_ =	shalt  }
0x79: {  	_ =	shalt  }
0x7a: {  	_ =	shalt  }
0x7b: {  	_ =	shalt  }
0x7c: {  	_ =	shalt  }
0x7d: {  	_ =	shalt  }
0x7e: {  	_ =	shalt  }
0x7f: {  	_ =	shalt  }
0x80: {  	_ =	shalt  }
0x81: {  	_ =	shalt  }
0x82: {  	_ =	shalt  }
0x83: {  	_ =	shalt  }
0x84: {  	_ =	shalt  }
0x85: {  	_ =	shalt  }
0x86: {  	_ =	shalt  }
0x87: {  	_ =	shalt  }
.Lfunc_end0:
.L_simem_size_0:
called_computation_lowered:
.L_overlay_start_0:
0x88: {  	s2 =	sld [smem:$0x3FD9]  }
0x89: {  	s3 =	sld [smem:$0x3FFE];
	_ =	sdelay $0x1  }
0x8a: {  	s1 =	srdreg.scid  }
0x8b: {  	s0 =	sand.u32 $0x1, s1  }
0x8c: {  	s17 =	sshll.u32 s0, $0xA;
	s2 =	sadd.s32 s3, s2  }
0x8d: {  	s2 =	sadd.s32 s2, s17  }
0x8e: {  	[smem:$0x3FC7] =	sst s2  }
0x8f: {  	_ = 	snop  }
0x90: {  	s2 =	sld [smem:$0x3FD0];
	(tm) =	ssettm $0x1  }
0x91: {  	s18 =	sld [smem:$0x3FFB];
	_ =	sdelay $0x3  }
0x92: {  	_ =	strace s18  }
0x93: {  	s3 =	sld [smem:$0x3FFC];
	_ =	sdelay $0x3  }
0x94: {  	_ =	strace s3  }
0x95: {  	s3 =	sld [smem:$0x3FFD];
	_ =	sdelay $0x3  }
0x96: {  	_ =	strace s3  }
0x97: {  	_ =	strace $0x8FFFFFFF  }
0x98: {  	s19 =	sld [smem:$0x3FDB];
	_ =	sdelay $0x1  }
0x99: {  	s4 =	simm.s32 $_scs_section_size  }
0x9a: {  	s5 =	simm.s32 $_size__tile_overlayer_lowered;
	s6 =	simm.s32 $_tile_overlayer_lowered  }
0x9b: {  	s22 =	simm.s32 $0x1BFF;
	s21 =	sshll.u32 s6, $0x1;
	s3 =	sadd.s32 s4, s19  }
0x9c: {  	s7 =	simm.s32 $0x0;
	s20 =	sshll.u32 s5, $0x1;
	s5 =	sadd.s32 s21, s3  }
0x9d: {  	[timem:s7], [sflag:s22] =	dma.local [hbm:s5], s20  }
0x9e: {  	_ =	swait.ge [sflag:s22], s20  }
0x9f: {  	s4 =	ssub.s32 $0x0, s20;
	[sflag:s22] =	ssyncset.done $0x0  }
0xa0: {  	[sflag:s22] =	ssyncadd.s32 s4;
	_ =	sdelay $0x1  }
0xa1: {  	s23 =	simm.s32 $0x1B8B  }
0xa2: {  	_ =	swait.ge [sflag:s23], $0x1  }
0xa3: {  	[sflag:s23] =	ssyncset.done $0x0  }
0xa4: {  	s25 =	simm.s32 $0x1B8E;
	s24 =	sld [smem:$0x3FFE];
	[sflag:s23] =	ssyncadd.s32 $0xFFFFFFFF  }
0xa5: {  	s26 =	simm.s32 $execute0_lowered;
	[smem:$0x3FD2] =	sst s25  }
0xa6: {  	s5 =	sshll.u32 s26, $0x1;
	_ =	strace $0x80000046;
	[dreg:$0x1] =	wrdreg $0xFFFFFFFF  }
0xa7: {  	s28 =	simm.s32 $_size_execute0_lowered;
	s3 =	sadd.s32 s3, s5;
	[dreg:$0x0] =	wrdreg $0x0  }
0xa8: {  	s5 =	sshll.u32 s28, $0x1;
	[dreg:$0x2] =	wrdreg s3  }
0xa9: {  	[dreg:$0x3] =	wrdreg s5  }
0xaa: {  	[dreg:$0x4] =	wrdreg $0xC0  }
0xab: {  	_ =	task [dreg:s7], $0x5FFFF  }
0xac: {  	[dreg:$0x1] =	wrdreg $0xFFFFFFFF  }
0xad: {  	[dreg:$0x0] =	wrdreg $0x60  }
0xae: {  	[dreg:$0x2] =	wrdreg s2  }
0xaf: {  	[dreg:$0x3] =	wrdreg s24  }
0xb0: {  	[dreg:$0x4] =	wrdreg $0x9  }
0xb1: {  	_ =	task.clear_ibuf [dreg:s7], $0x5FFFF;
	_ =	strace $0x90000046  }
0xb2: {  	s29 =	simm.s32 $0x9;
	_ =	strace $0x80000048  }
0xb3: {  	_ =	swait.ge [sflag:s29], $0x1  }
0xb4: {  	[sflag:s29] =	ssyncadd.s32 $0xFFFFFFFF  }
0xb5: {  	_ =	strace $0x90000048  }
0xb6: {  	_ =	sfence  }
0xb7: {  	s30 =	sld [smem:$0x0];
	_ =	sdelay $0x2  }
0xb8: {  	s31 =	sshll.u32 s1, $0xD;
	s1 =	sshrl.u32 s1, $0x2  }
0xb9: {  	s3 =	sand.u32 $0x4000, s31;
	s1 =	sadd.s32 s1, s30  }
0xba: {  	s0 =	sor.u32 s3, s0;
	s1 =	sshll.u32 s1, $0x11  }
0xbb: {  	s0 =	sor.u32 s1, s0  }
0xbc: {  	s0 =	sadd.s32 $0x8F2B, s0  }
0xbd: {  	[sflag:s0] =	ssyncadd.remote.s32 $0x1  }
0xbe: {  	_ =	sfence.sel $0xFFFF  }
0xbf: {  	[dreg:$0x0] =	wrdreg $0xFFFFFFFF;
	(pc) =	sbr.abs _section_cstart, $3  }
0xc0: {  	[dreg:$0x1] =	wrdreg $0xFFFFFFFF  }
0xc1: {  	_ =	task.clear_ibuf [dreg:s7], $0x2FFFF;
	_ =	strace $0x9FFFFFFF  }
0xc2: {  	(tm) =	ssettm $0x7FFFFFFF  }
0xc3: {  	_ =	shalt  }
tec
execute0_lowered:
.L_overlay_start_1:
0x0: {  	(tag) =	ssettag $0x1  }
0x1: {  	s5 =	rddreg [dreg:$0x0]  }
0x2: {  	s3 =	rddreg [dreg:$0x1]  }
0x3: {  	s0 =	rddreg [dreg:$0x2]  }
0x4: {  	s2 =	simm.s32 $0x0;
	s4 =	srdreg.scid;
	s1 =	stileid.u32  }
0x5: {  	s9 =	simm.s32 $0x10000;
	s10 =	simm.s32 $0x8000;
	s11 =	simm.s32 $0x18000  }
0x6: {  	s12 =	simm.s32 $0x0;
	[smem:$0x7FF] =	sst s2;
	s4 =	sand.u32 $0x1, s4  }
0x7: {  	s7 =	sshll.u32 s1, $0xD;
	s6 =	ssub.s32 $0x2, s4;
	s4 =	sshll.u32 s4, $0xC  }
0x8: {  	s8 =	sadd.s32 $0x400, s3;
	s29 =	sshrl.u32 s6, $0x1;
	s4 =	sor.u32 s4, s7  }
0x9: {  	_ =	strace $0x80000047;
	s30 =	ssub.s32 s6, s29;
	s31 =	sor.u32 $0x20000, s4  }
0xa: {  	s3 =	sadd.s32 s5, s4;
	s4 =	sadd.s32 s8, s4;
	s5 =	sadd.s32 s5, s31  }
0xb: {  	v0 =	vimm.s32 $0x0;
	v1 =	vimm.s32 $0x1;
	v2 =	vlaneseq.u32;
	s6 =	sadd.s32 s8, s31;
	s7 =	smax.u32 s30, $0x1;
	s8 =	simm.s32 $0x1  }
.LBB2_1:
0xc: {  	[tilespmem:s2], [sflag:$0x1] =	stream.linear.gather [hbm4b:s3+s2], $0x8000, $0x38;
	[tilespmem:$0x18880] =	vst v63  }
0xd: {  	_ =	swait.ge [sflag:s8], $0x8000  }
0xe: {  	[sflag:s8] =	ssyncset.done $0x0  }
0xf: {  	s14 =	simm.s32 $0x10040;
	[sflag:s8] =	ssyncadd.s32 $0xFFFF8000  }
0x10: {  	[tilespmem:s14+$0xFFFFFFC0] =	vst v0  }
0x11: {  	[tilespmem:s14+$0x30] =	vst v0  }
0x12: {  	[tilespmem:s14+$0x20] =	vst v0  }
0x13: {  	[tilespmem:s14+$0x10] =	vst v0  }
0x14: {  	[tilespmem:s14+$0x0] =	vst v0  }
0x15: {  	[tilespmem:s14+$0xFFFFFFF0] =	vst v0  }
0x16: {  	s15 =	simm.s32 $0x0;
	[tilespmem:s14+$0xFFFFFFE0] =	vst v0  }
.LBB2_2:
0x17: {  	s15 =	sadd.s32 $0x8, s15;
	[tilespmem:s14+$0xFFFFFFD0] =	vst v0;
	s14 =	sadd.s32 $0x80, s14;
	s13 =	simm.s32 $0x18040  }
0x18: {  	[tilespmem:s14+$0xFFFFFFC0] =	vst v0;
	p0 =	slt.u32 s15, $0x7F8  }
0x19: {  	[tilespmem:s14+$0x30] =	vst v0  }
.Ltmp0:
0x1a: {  	[tilespmem:s14+$0x20] =	vst v0;
	(pc) =	sbr.rel @p0 .LBB2_2-.Ltmp0, $4  }
0x1b: {  	[tilespmem:s14+$0x10] =	vst v0  }
0x1c: {  	[tilespmem:s14+$0x0] =	vst v0  }
0x1d: {  	[tilespmem:s14+$0xFFFFFFF0] =	vst v0  }
0x1e: {  	[tilespmem:s14+$0xFFFFFFE0] =	vst v0  }
0x1f: {  	[tilespmem:s14+$0xFFFFFFD0] =	vst v0  }
0x20: {  	[tilespmem:s13+$0xFFFFFFC0] =	vst v0  }
0x21: {  	[tilespmem:s13+$0x30] =	vst v0  }
0x22: {  	[tilespmem:s13+$0x20] =	vst v0  }
0x23: {  	[tilespmem:s13+$0x10] =	vst v0  }
0x24: {  	[tilespmem:s13+$0x0] =	vst v0  }
0x25: {  	[tilespmem:s13+$0xFFFFFFF0] =	vst v0  }
0x26: {  	s14 =	simm.s32 $0x0;
	[tilespmem:s13+$0xFFFFFFE0] =	vst v0  }
.LBB2_4:
0x27: {  	s14 =	sadd.s32 $0x8, s14;
	[tilespmem:s13+$0xFFFFFFD0] =	vst v0;
	s13 =	sadd.s32 $0x80, s13  }
0x28: {  	[tilespmem:s13+$0xFFFFFFC0] =	vst v0;
	p0 =	slt.u32 s14, $0x78  }
0x29: {  	[tilespmem:s13+$0x30] =	vst v0  }
.Ltmp1:
0x2a: {  	[tilespmem:s13+$0x20] =	vst v0;
	(pc) =	sbr.rel @p0 .LBB2_4-.Ltmp1, $4  }
0x2b: {  	[tilespmem:s13+$0x10] =	vst v0  }
0x2c: {  	[tilespmem:s13+$0x0] =	vst v0  }
0x2d: {  	[tilespmem:s13+$0xFFFFFFF0] =	vst v0  }
0x2e: {  	[tilespmem:s13+$0xFFFFFFE0] =	vst v0  }
0x2f: {  	[tilespmem:s13+$0xFFFFFFD0] =	vst v0;
	s13 =	simm.s32 $0x0  }
.LBB2_6:
0x30: {  	p0 =	sne.s32 s13, $0xC0  }
.Ltmp2:
0x31: {  	_ = 	snop;
	(pc) =	sbr.rel @p0 .LBB2_6-.Ltmp2, $3  }
0x32: {  	_ =	sdelay $0x1  }
0x33: {  	s14 =	sshra.s32 s13, $0x2  }
0x34: {  	s13 =	sadd.s32 $0x40, s13;
	[tilespmem:s14+$0x18800] =	vst v0  }
0x35: {  	s13 =	simm.s32 $0x20  }
0x36: {  	v3 =	vld [tilespmem:s13+$0x10]  }
0x37: {  	v4 =	vld [tilespmem:s13+$0xFFFFFFF0];
	_ =	sdelay $0x1  }
0x38: {  	v5 =	vld [tilespmem:s13+$0x0]  }
0x39: {  	v6 =	vld [tilespmem:s13+$0xFFFFFFE0]  }
0x3a: {  	vm0 =	vgt.s32 v3, $0xFFFFFFFF  }
0x3b: {  	s31 =	simm.s32 $0x60;
	vm1 =	vgt.s32 v4, $0xFFFFFFFF;
	v7 =	vsel vm0, $0xFFFFFFFF, v0  }
0x3c: {  	v9 =	vld [tilespmem:s31+$0x10];
	v8 =	vsel vm1, $0xFFFFFFFF, v0;
	v3 =	vxor.u32 v7, v3  }
0x3d: {  	vm0 =	vgt.s32 v5, $0xFFFFFFFF;
	v7 =	vxor.u32 v8, v4;
	v10 =	vand.u32 $0x7FFF, v3;
	v3 =	vld [tilespmem:s31+$0xFFFFFFF0]  }
0x3e: {  	vm1 =	vgt.s32 v6, $0xFFFFFFFF;
	v4 =	vld [tilespmem:s31+$0x0];
	v11 =	vand.u32 $0x7FFF, v7;
	v7 =	vsel vm0, $0xFFFFFFFF, v0  }
0x3f: {  	v8 =	vsel vm1, $0xFFFFFFFF, v0;
	v5 =	vxor.u32 v7, v5;
	v7 =	vld [tilespmem:s31+$0xFFFFFFE0]  }
0x40: {  	v6 =	vxor.u32 v8, v6  }
0x41: {  	vm0 =	vgt.s32 v9, $0xFFFFFFFF;
	v6 =	vand.u32 $0x7FFF, v6  }
0x42: {  	v5 =	vand.u32 $0x7FFF, v5;
	[tilespmem:v10+s9+$0x0] =	vst.idx.add.s32.msk $0xffff, v1;
	vm1 =	vgt.s32 v3, $0xFFFFFFFF;
	v10 =	vsel vm0, $0xFFFFFFFF, v0  }
0x43: {  	s14 =	simm.s32 $0xA0;
	s13 =	simm.s32 $0x4;
	vm0 =	vgt.s32 v4, $0xFFFFFFFF;
	[tilespmem:v11+s9+$0x0] =	vst.idx.add.s32.msk $0xffff, v1;
	v8 =	vsel vm1, $0xFFFFFFFF, v0;
	v9 =	vxor.u32 v10, v9  }
.LBB2_8:
0x44: {  	v10 =	vld [tilespmem:s14+$0x10];
	s13 =	sadd.s32 $0x4, s13;
	vm1 =	vgt.s32 v7, $0xFFFFFFFF;
	v11 =	vsel vm0, $0xFFFFFFFF, v0;
	v9 =	vand.u32 $0x7FFF, v9  }
0x45: {  	v8 =	vxor.u32 v8, v3;
	p0 =	slt.u32 s13, $0x7FC;
	v12 =	vsel vm1, $0xFFFFFFFF, v0;
	v3 =	vld [tilespmem:s14+$0xFFFFFFF0];
	v11 =	vxor.u32 v11, v4  }
0x46: {  	v13 =	vand.u32 $0x7FFF, v8;
	v4 =	vld [tilespmem:s14+$0x0];
	v12 =	vxor.u32 v12, v7;
	v8 =	vand.u32 $0x7FFF, v11  }
.Ltmp3:
0x47: {  	v7 =	vld [tilespmem:s14+$0xFFFFFFE0];
	v11 =	vand.u32 $0x7FFF, v12;
	(pc) =	sbr.rel @p0 .LBB2_8-.Ltmp3, $4  }
0x48: {  	[tilespmem:v6+s9+$0x0] =	vst.idx.add.s32.msk $0xffff, v1;
	v6 =	vmov v11  }
0x49: {  	vm0 =	vgt.s32 v10, $0xFFFFFFFF;
	[tilespmem:v9+s9+$0x0] =	vst.idx.add.s32.msk $0xffff, v1  }
0x4a: {  	vm1 =	vgt.s32 v3, $0xFFFFFFFF;
	v9 =	vsel vm0, $0xFFFFFFFF, v0;
	[tilespmem:v5+s9+$0x0] =	vst.idx.add.s32.msk $0xffff, v1;
	v5 =	vmov v8  }
0x4b: {  	s14 =	sadd.s32 $0x40, s14;
	v8 =	vsel vm1, $0xFFFFFFFF, v0;
	vm0 =	vgt.s32 v4, $0xFFFFFFFF;
	v9 =	vxor.u32 v9, v10;
	[tilespmem:v13+s9+$0x0] =	vst.idx.add.s32.msk $0xffff, v1  }
0x4c: {  	vm1 =	vgt.s32 v7, $0xFFFFFFFF  }
0x4d: {  	v9 =	vand.u32 $0x7FFF, v9;
	v3 =	vxor.u32 v8, v3;
	v8 =	vsel vm0, $0xFFFFFFFF, v0  }
0x4e: {  	v10 =	vsel vm1, $0xFFFFFFFF, v0;
	v3 =	vand.u32 $0x7FFF, v3;
	v4 =	vxor.u32 v8, v4  }
0x4f: {  	v7 =	vxor.u32 v10, v7;
	v4 =	vand.u32 $0x7FFF, v4  }
0x50: {  	[tilespmem:v6+s9+$0x0] =	vst.idx.add.s32.msk $0xffff, v1;
	v7 =	vand.u32 $0x7FFF, v7  }
0x51: {  	[tilespmem:v5+s9+$0x0] =	vst.idx.add.s32.msk $0xffff, v1  }
0x52: {  	[tilespmem:v9+s9+$0x0] =	vst.idx.add.s32.msk $0xffff, v1  }
0x53: {  	[tilespmem:v3+s9+$0x0] =	vst.idx.add.s32.msk $0xffff, v1  }
0x54: {  	[tilespmem:v4+s9+$0x0] =	vst.idx.add.s32.msk $0xffff, v1  }
0x55: {  	s14 =	simm.s32 $0x10020;
	[tilespmem:v7+s9+$0x0] =	vst.idx.add.s32.msk $0xffff, v1  }
0x56: {  	v3 =	vld [tilespmem:s14+$0xFFFFFFE0]  }
0x57: {  	v4 =	vld [tilespmem:s14+$0xFFFFFFF0];
	_ =	sdelay $0x3  }
0x58: {  	(xrf0) =	vadd.scan.msk.s32 $0xffff, v3  }
0x59: {  	(xrf0) =	vadd.scan.msk.s32 $0xffff, v4;
	_ =	sdelay $0x1  }
0x5a: {  	v5 =	vld [tilespmem:s14+$0x0];
	_ =	sdelay $0x2  }
0x5b: {  	v7, _, _ =	vpop (xrf0)  }
0x5c: {  	(v2sf) =	vpush v7, $0xF;
	v8, _, _ =	vpop (xrf0)  }
0x5d: {  	(xrf0) =	vadd.scan.msk.s32 $0xffff, v5;
	(v2sf) =	vpush v8, $0xF;
	_ =	sdelay $0x1  }
0x5e: {  	v6 =	vld [tilespmem:s14+$0x10];
	_ =	sdelay $0x3  }
0x5f: {  	v62, _, _ =	vpop (xrf0)  }
0x60: {  	s13 =	simm.s32 $0x0;
	(xrf0) =	vadd.scan.msk.s32 $0xffff, v6;
	(v2sf) =	vpush v62, $0xF  }
0x61: {  	v3 =	vsub.s32 s13, v3  }
0x62: {  	v3 =	vadd.s32 v7, v3  }
0x63: {  	s13 =	simm.s32 $0x10060;
	[tilespmem:s14+$0xFFFFFFE0] =	vst v3  }
0x64: {  	v3 =	vld [tilespmem:s13+$0xFFFFFFE0]  }
0x65: {  	v7 =	vld [tilespmem:s13+$0xFFFFFFF0]  }
0x66: {  	v63, _, _ =	vpop (xrf0)  }
0x67: {  	(v2sf) =	vpush v63, $0xF;
	s15 =	spop (v2sf)  }
0x68: {  	v4 =	vsub.s32 v8, v4;
	s15 =	sadd.s32 $0x0, s15;
	s16 =	spop (v2sf)  }
0x69: {  	v5 =	vsub.s32 v62, v5;
	(xrf0) =	vadd.scan.msk.s32 $0xffff, v3;
	v4 =	vadd.s32 s15, v4;
	s15 =	sadd.s32 s15, s16  }
0x6a: {  	(xrf0) =	vadd.scan.msk.s32 $0xffff, v7;
	[tilespmem:s14+$0xFFFFFFF0] =	vst v4;
	v4 =	vadd.s32 s15, v5  }
0x6b: {  	[tilespmem:s14+$0x0] =	vst v4  }
0x6c: {  	v5 =	vld [tilespmem:s13+$0x0];
	_ =	sdelay $0x2  }
0x6d: {  	v4 =	vsub.s32 v63, v6;
	v6, _, _ =	vpop (xrf0);
	s31 =	spop (v2sf)  }
0x6e: {  	(v2sf) =	vpush v6, $0xF;
	v8, _, _ =	vpop (xrf0);
	s16 =	sadd.s32 s15, s31  }
0x6f: {  	(v2sf) =	vpush v8, $0xF;
	v4 =	vadd.s32 s16, v4;
	(xrf0) =	vadd.scan.msk.s32 $0xffff, v5  }
0x70: {  	[tilespmem:s14+$0x10] =	vst v4  }
0x71: {  	v4 =	vsub.s32 v8, v7;
	v7 =	vld [tilespmem:s13+$0x10];
	_ =	sdelay $0x2  }
0x72: {  	s15 =	simm.s32 $0x4;
	s17 =	spop (v2sf);
	s14 =	simm.s32 $0x10060  }
.LBB2_10:
0x73: {  	s15 =	sadd.s32 $0x4, s15;
	v8, _, _ =	vpop (xrf0);
	s16 =	sadd.s32 s16, s17  }
0x74: {  	p0 =	slt.u32 s15, $0x7FC;
	v3 =	vsub.s32 s16, v3;
	v5 =	vsub.s32 v8, v5;
	(v2sf) =	vpush v8, $0xF;
	(xrf0) =	vadd.scan.msk.s32 $0xffff, v7  }
0x75: {  	v3 =	vadd.s32 v6, v3  }
0x76: {  	[tilespmem:s13+$0xFFFFFFE0] =	vst v3  }
0x77: {  	s13 =	sadd.s32 $0x40, s13  }
0x78: {  	v3 =	vld [tilespmem:s13+$0xFFFFFFE0]  }
0x79: {  	v8 =	vld [tilespmem:s13+$0xFFFFFFF0]  }
0x7a: {  	v6, _, _ =	vpop (xrf0)  }
0x7b: {  	v7 =	vsub.s32 v6, v7;
	s17 =	spop (v2sf);
	(v2sf) =	vpush v6, $0xF  }
0x7c: {  	s16 =	sadd.s32 s16, s17;
	s17 =	spop (v2sf)  }
0x7d: {  	(xrf0) =	vadd.scan.msk.s32 $0xffff, v3;
	v4 =	vadd.s32 s16, v4;
	s16 =	sadd.s32 s16, s17  }
0x7e: {  	(xrf0) =	vadd.scan.msk.s32 $0xffff, v8;
	[tilespmem:s14+$0xFFFFFFF0] =	vst v4;
	v4 =	vadd.s32 s16, v5  }
0x7f: {  	[tilespmem:s14+$0x0] =	vst v4  }
0x80: {  	v5 =	vld [tilespmem:s13+$0x0];
	_ =	sdelay $0x2  }
0x81: {  	v6, _, _ =	vpop (xrf0);
	s17 =	spop (v2sf)  }
0x82: {  	(v2sf) =	vpush v6, $0xF;
	v9, _, _ =	vpop (xrf0);
	s16 =	sadd.s32 s16, s17  }
0x83: {  	v4 =	vsub.s32 v9, v8;
	(v2sf) =	vpush v9, $0xF;
	(xrf0) =	vadd.scan.msk.s32 $0xffff, v5;
	v7 =	vadd.s32 s16, v7  }
.Ltmp4:
0x84: {  	[tilespmem:s14+$0x10] =	vst v7;
	s14 =	smov.u32 s13;
	(pc) =	sbr.rel @p0 .LBB2_10-.Ltmp4, $2  }
0x85: {  	v7 =	vld [tilespmem:s13+$0x10];
	_ =	sdelay $0x2  }
0x86: {  	s17 =	spop (v2sf)  }
0x87: {  	v8, _, _ =	vpop (xrf0)  }
0x88: {  	(v2sf) =	vpush v8, $0xF;
	_ =	sdelay $0x8  }
0x89: {  	(xrf0) =	vadd.scan.msk.s32 $0xffff, v7;
	_ =	sdelay $0x2  }
0x8a: {  	s15 =	sadd.s32 s16, s17  }
0x8b: {  	v3 =	vsub.s32 s15, v3;
	s22 =	spop (v2sf)  }
0x8c: {  	v3 =	vadd.s32 v6, v3;
	s15 =	sadd.s32 s15, s22;
	s23 =	spop (v2sf)  }
0x8d: {  	v5 =	vsub.s32 v8, v5;
	[tilespmem:s13+$0xFFFFFFE0] =	vst v3;
	v6, _, _ =	vpop (xrf0);
	v3 =	vadd.s32 s15, v4;
	s24 =	sadd.s32 s15, s23;
	s25 =	spop (v2sf)  }
0x8e: {  	v4 =	vsub.s32 v6, v7;
	[tilespmem:s14+$0xFFFFFFF0] =	vst v3;
	v3 =	vadd.s32 s24, v5;
	s13 =	sadd.s32 s24, s25  }
0x8f: {  	[tilespmem:s14+$0x0] =	vst v3;
	v3 =	vadd.s32 s13, v4  }
0x90: {  	[tilespmem:s14+$0x10] =	vst v3  }
0x91: {  	v3 =	vld [tilespmem:$0x0];
	_ =	sdelay $0x4  }
0x92: {  	v4 =	vandn.u32 $0x7FFFFFFF, v3;
	vm0 =	vlt.s32 v3, $0x0  }
0x93: {  	v3 =	vsel vm0, v3, v4  }
0x94: {  	v4 =	vand.u32 $0x7FFF, v3  }
0x95: {  	(xrf1) =	vunique.msk.u32 $0xffff, v4;
	_ =	sdelay $0x3  }
0x96: {  	s13 =	simm.s32 $0x20  }
0x97: {  	v5 =	vld [tilespmem:s13+$0xFFFFFFF0];
	_ =	sdelay $0x4  }
0x98: {  	v8 =	vandn.u32 $0x7FFFFFFF, v5;
	v7 =	vld.idx.msk [tilespmem:v4+s9+$0x0], $0xffff;
	_ =	sdelay $0x1  }
0x99: {  	vm0 =	vlt.s32 v5, $0x0  }
0x9a: {  	v5 =	vsel vm0, v5, v8  }
0x9b: {  	v9 =	vand.u32 $0x7FFF, v5;
	_, v8, vm0 =	vpop (xrf1)  }
0x9c: {  	v3 =	vand.u32 $0xFFFF8000, v3;
	(xrf1) =	vunique.msk.u32 $0xffff, v9;
	v7 =	vadd.s32 v7, v8  }
0x9d: {  	v3 =	vor.u32 v2, v3;
	v7 =	vadd.s32 $0xFFFFFFFF, v7  }
0x9e: {  	v10 =	vshrl.u32 v3, $0xF  }
0x9f: {  	v10 =	vand.u32 $0x3F, v10;
	_ =	sdelay $0x2  }
0xa0: {  	[tilespmem:v7+s10+$0x0] =	vst.idx.msk $0xffff, v3  }
0xa1: {  	[tilespmem:v4+s9+$0x0] =	vst.idx.add.s32.msk vm0, v8  }
0xa2: {  	[tilespmem:v10+s11+$0x0] =	vst.idx.add.s32.msk $0xffff, v1  }
0xa3: {  	v3 =	vld [tilespmem:s13+$0x0]  }
0xa4: {  	v4 =	vld.idx.msk [tilespmem:v9+s9+$0x0], $0xffff;
	_ =	sdelay $0x3  }
0xa5: {  	_, v7, vm0 =	vpop (xrf1);
	v8 =	vandn.u32 $0x7FFFFFFF, v3;
	vm1 =	vlt.s32 v3, $0x0  }
0xa6: {  	s26 =	simm.s32 $0x10;
	v5 =	vand.u32 $0xFFFF8000, v5;
	v4 =	vadd.s32 v4, v7;
	v8 =	vsel vm1, v3, v8  }
0xa7: {  	v5 =	vor.u32 s26, v5;
	v3 =	vadd.s32 $0xFFFFFFFF, v4;
	v61 =	vand.u32 $0x7FFF, v8  }
0xa8: {  	v4 =	vshrl.u32 v5, $0xF;
	(xrf1) =	vunique.msk.u32 $0xffff, v61  }
0xa9: {  	v4 =	vand.u32 $0x3F, v4;
	_ =	sdelay $0x1  }
0xaa: {  	v5 =	vor.u32 v2, v5  }
0xab: {  	[tilespmem:v3+s10+$0x0] =	vst.idx.msk $0xffff, v5  }
0xac: {  	[tilespmem:v9+s9+$0x0] =	vst.idx.add.s32.msk vm0, v7  }
0xad: {  	[tilespmem:v4+s11+$0x0] =	vst.idx.add.s32.msk $0xffff, v1  }
0xae: {  	v3 =	vld [tilespmem:s13+$0x10];
	_ =	sdelay $0x2  }
0xaf: {  	v4 =	vld.idx.msk [tilespmem:v61+s9+$0x0], $0xffff;
	_ =	sdelay $0x1  }
0xb0: {  	v5 =	vandn.u32 $0x7FFFFFFF, v3;
	vm0 =	vlt.s32 v3, $0x0  }
0xb1: {  	v5 =	vsel vm0, v3, v5  }
0xb2: {  	v3 =	vand.u32 $0x7FFF, v5;
	_, v7, vm0 =	vpop (xrf1)  }
0xb3: {  	s28 =	simm.s32 $0x20;
	v8 =	vand.u32 $0xFFFF8000, v8;
	(xrf1) =	vunique.msk.u32 $0xffff, v3;
	v4 =	vadd.s32 v4, v7  }
0xb4: {  	v8 =	vor.u32 s28, v8;
	v4 =	vadd.s32 $0xFFFFFFFF, v4  }
0xb5: {  	v62 =	vshrl.u32 v8, $0xF  }
0xb6: {  	v9 =	vand.u32 $0x3F, v62;
	_ =	sdelay $0x1  }
0xb7: {  	(v2sf) =	vpush v6, $0xF;
	v6 =	vor.u32 v2, v8  }
0xb8: {  	[tilespmem:v4+s10+$0x0] =	vst.idx.msk $0xffff, v6  }
0xb9: {  	s29 =	simm.s32 $0x4;
	[tilespmem:v61+s9+$0x0] =	vst.idx.add.s32.msk vm0, v7  }
0xba: {  	s14 =	smin.u32 s29, $0x7FF;
	[tilespmem:v9+s11+$0x0] =	vst.idx.add.s32.msk $0xffff, v1  }
0xbb: {  	s30 =	sshll.u32 s14, $0x4;
	v4 =	vld.idx.msk [tilespmem:v3+s9+$0x0], $0xffff  }
0xbc: {  	v7 =	vld [tilespmem:s30+$0x0];
	_ =	sdelay $0x3  }
0xbd: {  	_, v6, vm0 =	vpop (xrf1)  }
0xbe: {  	v4 =	vadd.s32 v4, v6;
	vm1 =	vlt.s32 v7, $0x0  }
0xbf: {  	s14 =	simm.s32 $0x30;
	v8 =	vadd.s32 $0xFFFFFFFF, v4;
	v4 =	vand.u32 $0xFFFF8000, v5;
	v5 =	vandn.u32 $0x7FFFFFFF, v7  }
0xc0: {  	v63 =	vor.u32 s14, v4;
	v4 =	vsel vm1, v7, v5  }
0xc1: {  	v5 =	vand.u32 $0xFFFF8000, v4;
	v4 =	vand.u32 $0x7FFF, v4  }
0xc2: {  	(xrf1) =	vunique.msk.u32 $0xffff, v4  }
0xc3: {  	v7 =	vshrl.u32 v63, $0xF  }
0xc4: {  	v7 =	vand.u32 $0x3F, v7  }
0xc5: {  	v9 =	vor.u32 v2, v63;
	v5 =	vor.u32 s30, v5  }
0xc6: {  	s15 =	simm.s32 $0x0;
	s31 =	spop (v2sf);
	v5 =	vor.u32 v2, v5;
	[tilespmem:v8+s10+$0x0] =	vst.idx.msk $0xffff, v9  }
.LBB2_12:
0xc7: {  	s14 =	sadd.s32 $0x40, s14  }
0xc8: {  	[tilespmem:v3+s9+$0x0] =	vst.idx.add.s32.msk vm0, v6;
	s13 =	sadd.s32 $0x40, s13;
	s16 =	smov.u32 s15;
	s15 =	sadd.s32 $0x4, s15  }
0xc9: {  	p0 =	slt.u32 s15, $0x7FC;
	[tilespmem:v7+s11+$0x0] =	vst.idx.add.s32.msk $0xffff, v1  }
0xca: {  	v3 =	vld [tilespmem:s13+$0xFFFFFFF0]  }
0xcb: {  	v6 =	vld.idx.msk [tilespmem:v4+s9+$0x0], $0xffff;
	_ =	sdelay $0x3  }
0xcc: {  	v8 =	vandn.u32 $0x7FFFFFFF, v3;
	vm0 =	vlt.s32 v3, $0x0  }
0xcd: {  	v3 =	vsel vm0, v3, v8;
	_, v7, vm0 =	vpop (xrf1)  }
0xce: {  	s17 =	sadd.s32 $0xFFFFFFE0, s14;
	v8 =	vand.u32 $0x7FFF, v3;
	v3 =	vand.u32 $0xFFFF8000, v3;
	v6 =	vadd.s32 v6, v7  }
0xcf: {  	v3 =	vor.u32 s17, v3;
	v6 =	vadd.s32 $0xFFFFFFFF, v6;
	(xrf1) =	vunique.msk.u32 $0xffff, v8  }
0xd0: {  	v9 =	vshrl.u32 v5, $0xF;
	v10 =	vshrl.u32 v3, $0xF  }
0xd1: {  	v9 =	vand.u32 $0x3F, v9;
	_ =	sdelay $0x2  }
0xd2: {  	[tilespmem:v6+s10+$0x0] =	vst.idx.msk $0xffff, v5  }
0xd3: {  	[tilespmem:v4+s9+$0x0] =	vst.idx.add.s32.msk vm0, v7  }
0xd4: {  	[tilespmem:v9+s11+$0x0] =	vst.idx.add.s32.msk $0xffff, v1  }
0xd5: {  	v4 =	vld [tilespmem:s13+$0x0]  }
0xd6: {  	v5 =	vld.idx.msk [tilespmem:v8+s9+$0x0], $0xffff;
	_ =	sdelay $0x3  }
0xd7: {  	v7 =	vandn.u32 $0x7FFFFFFF, v4;
	vm0 =	vlt.s32 v4, $0x0  }
0xd8: {  	v4 =	vsel vm0, v4, v7;
	_, v6, vm0 =	vpop (xrf1)  }
0xd9: {  	s17 =	sadd.s32 $0xFFFFFFF0, s14;
	v7 =	vand.u32 $0x7FFF, v4;
	v4 =	vand.u32 $0xFFFF8000, v4;
	v5 =	vadd.s32 v5, v6  }
0xda: {  	v4 =	vor.u32 s17, v4;
	v5 =	vadd.s32 $0xFFFFFFFF, v5;
	(xrf1) =	vunique.msk.u32 $0xffff, v7  }
0xdb: {  	v9 =	vand.u32 $0x3F, v10;
	v10 =	vshrl.u32 v4, $0xF;
	_ =	sdelay $0x1  }
0xdc: {  	v3 =	vor.u32 v2, v3;
	_ =	sdelay $0x1  }
0xdd: {  	[tilespmem:v5+s10+$0x0] =	vst.idx.msk $0xffff, v3  }
0xde: {  	[tilespmem:v8+s9+$0x0] =	vst.idx.add.s32.msk vm0, v6  }
0xdf: {  	[tilespmem:v9+s11+$0x0] =	vst.idx.add.s32.msk $0xffff, v1  }
0xe0: {  	v3 =	vld [tilespmem:s13+$0x10]  }
0xe1: {  	v5 =	vld.idx.msk [tilespmem:v7+s9+$0x0], $0xffff;
	_ =	sdelay $0x3  }
0xe2: {  	v6 =	vandn.u32 $0x7FFFFFFF, v3;
	vm0 =	vlt.s32 v3, $0x0  }
0xe3: {  	v6 =	vsel vm0, v3, v6;
	_, v8, vm0 =	vpop (xrf1)  }
0xe4: {  	v3 =	vand.u32 $0x7FFF, v6;
	v6 =	vand.u32 $0xFFFF8000, v6;
	v5 =	vadd.s32 v5, v8  }
0xe5: {  	v9 =	vor.u32 s14, v6;
	v5 =	vadd.s32 $0xFFFFFFFF, v5;
	(xrf1) =	vunique.msk.u32 $0xffff, v3  }
0xe6: {  	v11 =	vshrl.u32 v9, $0xF  }
0xe7: {  	v6 =	vand.u32 $0x3F, v10;
	_ =	sdelay $0x1  }
0xe8: {  	v4 =	vor.u32 v2, v4  }
0xe9: {  	s16 =	sadd.s32 $0x8, s16;
	[tilespmem:v5+s10+$0x0] =	vst.idx.msk $0xffff, v4  }
0xea: {  	s16 =	smin.u32 s16, $0x7FF;
	[tilespmem:v7+s9+$0x0] =	vst.idx.add.s32.msk vm0, v8  }
0xeb: {  	s16 =	sshll.u32 s16, $0x4;
	[tilespmem:v6+s11+$0x0] =	vst.idx.add.s32.msk $0xffff, v1  }
0xec: {  	v4 =	vld [tilespmem:s16+$0x0]  }
0xed: {  	v5 =	vld.idx.msk [tilespmem:v3+s9+$0x0], $0xffff;
	_ =	sdelay $0x3  }
0xee: {  	v8 =	vandn.u32 $0x7FFFFFFF, v4;
	vm0 =	vlt.s32 v4, $0x0  }
0xef: {  	v7 =	vsel vm0, v4, v8;
	_, v6, vm0 =	vpop (xrf1)  }
0xf0: {  	v4 =	vand.u32 $0x7FFF, v7;
	v7 =	vand.u32 $0xFFFF8000, v7;
	v5 =	vadd.s32 v5, v6  }
0xf1: {  	v7 =	vor.u32 s16, v7;
	v8 =	vadd.s32 $0xFFFFFFFF, v5;
	(xrf1) =	vunique.msk.u32 $0xffff, v4  }
.Ltmp5:
0xf2: {  	v5 =	vor.u32 v2, v7;
	v7 =	vand.u32 $0x3F, v11;
	(pc) =	sbr.rel @p0 .LBB2_12-.Ltmp5, $3  }
0xf3: {  	_ = 	snop  }
0xf4: {  	v9 =	vor.u32 v2, v9;
	_ =	sdelay $0x1  }
0xf5: {  	[tilespmem:v8+s10+$0x0] =	vst.idx.msk $0xffff, v9  }
0xf6: {  	_ =	sdelay $0x4  }
0xf7: {  	[tilespmem:v3+s9+$0x0] =	vst.idx.add.s32.msk vm0, v6  }
0xf8: {  	[tilespmem:v7+s11+$0x0] =	vst.idx.add.s32.msk $0xffff, v1  }
0xf9: {  	v3 =	vld [tilespmem:$0x18000]  }
0xfa: {  	v4 =	vld [tilespmem:$0x18010]  }
0xfb: {  	v5 =	vld [tilespmem:$0x18020];
	_ =	sdelay $0x2  }
0xfc: {  	(xrf0) =	vadd.scan.msk.s32 $0xffff, v3  }
0xfd: {  	(xrf0) =	vadd.scan.msk.s32 $0xffff, v4  }
0xfe: {  	(xrf0) =	vadd.scan.msk.s32 $0xffff, v5;
	_ =	sdelay $0x3  }
0xff: {  	v6, _, _ =	vpop (xrf0)  }
0x100: {  	v7, _, _ =	vpop (xrf0);
	(v2sf) =	vpush v6, $0xF  }
0x101: {  	(v2sf) =	vpush v7, $0xF;
	v8, _, _ =	vpop (xrf0)  }
0x102: {  	(v2sf) =	vpush v8, $0xF;
	_ =	sdelay $0x2  }
0x103: {  	v9 =	vld [tilespmem:$0x18030]  }
0x104: {  	v10 =	vld [tilespmem:$0x8000];
	_ =	sdelay $0x4  }
0x105: {  	v11 =	vshrl.u32 v10, $0xF;
	(xrf0) =	vadd.scan.msk.s32 $0xffff, v9  }
0x106: {  	v11 =	vand.u32 $0x3F, v11  }
0x107: {  	(xrf1) =	vunique.msk.u32 $0xffff, v11  }
0x108: {  	v12 =	vbroadcast v6, $0xF  }
0x109: {  	s13 =	spop (v2sf)  }
0x10a: {  	v3 =	vsub.s32 v6, v3;
	v4 =	vsub.s32 v12, v4;
	s14 =	spop (v2sf)  }
0x10b: {  	[tilespmem:$0x18000] =	vst v3;
	v3 =	vadd.s32 v7, v4;
	v4 =	vsub.s32 v8, v5;
	v5, _, _ =	vpop (xrf0);
	s13 =	sadd.s32 s13, s14;
	s30 =	spop (v2sf)  }
0x10c: {  	[tilespmem:$0x18010] =	vst v3;
	v3 =	vadd.s32 s13, v4;
	s13 =	sadd.s32 s13, s30;
	v4 =	vsub.s32 v5, v9  }
0x10d: {  	[tilespmem:$0x18020] =	vst v3;
	v3 =	vadd.s32 s13, v4  }
0x10e: {  	s13 =	simm.s32 $0x8030;
	[tilespmem:$0x18030] =	vst v3  }
0x10f: {  	v3 =	vld [tilespmem:s13+$0xFFFFFFE0];
	_ =	sdelay $0x1  }
0x110: {  	v4 =	vld.idx.msk [tilespmem:v11+s11+$0x0], $0xffff;
	_ =	sdelay $0x1  }
0x111: {  	_, v5, vm0 =	vpop (xrf1)  }
0x112: {  	v5 =	vshrl.u32 v3, $0xF  }
0x113: {  	v7 =	vshrl.u32 v10, $0x6;
	_, v6, vm0 =	vpop (xrf1);
	v5 =	vand.u32 $0x3F, v5  }
0x114: {  	v8 =	vand.u32 $0x7FFF, v10;
	v7 =	vand.u32 $0x3FF8000, v7;
	v4 =	vadd.s32 v4, v6;
	(xrf1) =	vunique.msk.u32 $0xffff, v5  }
0x115: {  	v7 =	vor.u32 v8, v7;
	v4 =	vadd.s32 $0xFFFFFFFF, v4  }
0x116: {  	v8 =	vshrl.u32 v7, $0xF  }
0x117: {  	v8 =	vadd.s32 $0x40, v8;
	_ =	sdelay $0x2  }
0x118: {  	[tilespmem:v4+s9+$0x0] =	vst.idx.msk $0xffff, v7  }
0x119: {  	[tilespmem:v11+s11+$0x0] =	vst.idx.add.s32.msk vm0, v6  }
0x11a: {  	[tilespmem:v8+s11+$0x0] =	vst.idx.add.s32.msk $0xffff, v1  }
0x11b: {  	v4 =	vld [tilespmem:s13+$0xFFFFFFF0]  }
0x11c: {  	v6 =	vld.idx.msk [tilespmem:v5+s11+$0x0], $0xffff;
	_ =	sdelay $0x3  }
0x11d: {  	_, v7, vm0 =	vpop (xrf1)  }
0x11e: {  	v8 =	vshrl.u32 v4, $0xF;
	v6 =	vadd.s32 v6, v7  }
0x11f: {  	v8 =	vand.u32 $0x3F, v8;
	v6 =	vadd.s32 $0xFFFFFFFF, v6  }
0x120: {  	v57 =	vshrl.u32 v3, $0x15;
	(xrf1) =	vunique.msk.u32 $0xffff, v8  }
0x121: {  	v58 =	vshrl.u32 v3, $0x6;
	v9 =	vadd.s32 $0x40, v57  }
0x122: {  	v3 =	vand.u32 $0x7FFF, v3;
	v10 =	vand.u32 $0x3FF8000, v58  }
0x123: {  	v3 =	vor.u32 v3, v10  }
0x124: {  	[tilespmem:v6+s9+$0x0] =	vst.idx.msk $0xffff, v3  }
0x125: {  	[tilespmem:v5+s11+$0x0] =	vst.idx.add.s32.msk vm0, v7  }
0x126: {  	[tilespmem:v9+s11+$0x0] =	vst.idx.add.s32.msk $0xffff, v1  }
0x127: {  	v5 =	vld [tilespmem:s13+$0x0];
	_ =	sdelay $0x2  }
0x128: {  	v6 =	vld.idx.msk [tilespmem:v8+s11+$0x0], $0xffff;
	_ =	sdelay $0x1  }
0x129: {  	v3 =	vshrl.u32 v5, $0xF  }
0x12a: {  	v3 =	vand.u32 $0x3F, v3  }
0x12b: {  	_, v7, vm0 =	vpop (xrf1);
	(xrf1) =	vunique.msk.u32 $0xffff, v3  }
0x12c: {  	v6 =	vadd.s32 v6, v7  }
0x12d: {  	v6 =	vadd.s32 $0xFFFFFFFF, v6  }
0x12e: {  	v59 =	vshrl.u32 v4, $0x15  }
0x12f: {  	v60 =	vshrl.u32 v4, $0x6;
	v9 =	vadd.s32 $0x40, v59  }
0x130: {  	v4 =	vand.u32 $0x7FFF, v4;
	v10 =	vand.u32 $0x3FF8000, v60  }
0x131: {  	v4 =	vor.u32 v4, v10  }
0x132: {  	[tilespmem:v6+s9+$0x0] =	vst.idx.msk $0xffff, v4  }
0x133: {  	[tilespmem:v8+s11+$0x0] =	vst.idx.add.s32.msk vm0, v7  }
0x134: {  	s31 =	simm.s32 $0x4;
	[tilespmem:v9+s11+$0x0] =	vst.idx.add.s32.msk $0xffff, v1  }
0x135: {  	s14 =	smin.u32 s31, $0x7FF;
	v4 =	vld.idx.msk [tilespmem:v3+s11+$0x0], $0xffff  }
0x136: {  	s14 =	sshll.u32 s14, $0x4  }
0x137: {  	v7 =	vld [tilespmem:s14+$0x8000];
	_ =	sdelay $0x1  }
0x138: {  	_, v6, vm0 =	vpop (xrf1)  }
0x139: {  	v4 =	vadd.s32 v4, v6  }
0x13a: {  	v8 =	vadd.s32 $0xFFFFFFFF, v4;
	v4 =	vshrl.u32 v5, $0x6  }
0x13b: {  	v62 =	vand.u32 $0x3FF8000, v4;
	v4 =	vshrl.u32 v7, $0xF  }
0x13c: {  	v61 =	vshrl.u32 v5, $0x15;
	v63 =	vshrl.u32 v7, $0x6;
	v4 =	vand.u32 $0x3F, v4  }
0x13d: {  	v11 =	vand.u32 $0x3FF8000, v63;
	v5 =	vand.u32 $0x7FFF, v5;
	v7 =	vand.u32 $0x7FFF, v7;
	(xrf1) =	vunique.msk.u32 $0xffff, v4  }
0x13e: {  	v10 =	vor.u32 v5, v62;
	v5 =	vor.u32 v7, v11;
	v7 =	vadd.s32 $0x40, v61;
	_ =	sdelay $0x2  }
0x13f: {  	s15 =	simm.s32 $0x0;
	s14 =	simm.s32 $0x18070;
	[tilespmem:v8+s9+$0x0] =	vst.idx.msk $0xffff, v10  }
.LBB2_14:
0x140: {  	[tilespmem:v3+s11+$0x0] =	vst.idx.add.s32.msk vm0, v6;
	s13 =	sadd.s32 $0x40, s13;
	s16 =	smov.u32 s15;
	s15 =	sadd.s32 $0x4, s15  }
0x141: {  	p0 =	slt.u32 s15, $0x7FC;
	[tilespmem:v7+s11+$0x0] =	vst.idx.add.s32.msk $0xffff, v1;
	_ =	sdelay $0x1  }
0x142: {  	v3 =	vld [tilespmem:s13+$0xFFFFFFE0]  }
0x143: {  	v6 =	vld.idx.msk [tilespmem:v4+s11+$0x0], $0xffff;
	_ =	sdelay $0x3  }
0x144: {  	v7 =	vshrl.u32 v3, $0xF;
	v8 =	vshrl.u32 v3, $0x6;
	v9 =	vshrl.u32 v3, $0x15  }
0x145: {  	v7 =	vand.u32 $0x3F, v7;
	v8 =	vand.u32 $0x3FF8000, v8;
	_, v10, vm0 =	vpop (xrf1)  }
0x146: {  	v6 =	vadd.s32 v6, v10;
	(xrf1) =	vunique.msk.u32 $0xffff, v7  }
0x147: {  	v6 =	vadd.s32 $0xFFFFFFFF, v6  }
0x148: {  	v11 =	vshrl.u32 v5, $0xF  }
0x149: {  	v11 =	vadd.s32 $0x40, v11;
	_ =	sdelay $0x2  }
0x14a: {  	[tilespmem:v6+s9+$0x0] =	vst.idx.msk $0xffff, v5  }
0x14b: {  	[tilespmem:v4+s11+$0x0] =	vst.idx.add.s32.msk vm0, v10  }
0x14c: {  	[tilespmem:v11+s11+$0x0] =	vst.idx.add.s32.msk $0xffff, v1  }
0x14d: {  	v4 =	vld [tilespmem:s13+$0xFFFFFFF0]  }
0x14e: {  	v5 =	vld.idx.msk [tilespmem:v7+s11+$0x0], $0xffff;
	_ =	sdelay $0x3  }
0x14f: {  	v6 =	vshrl.u32 v4, $0xF;
	v10 =	vshrl.u32 v4, $0x6;
	v11 =	vshrl.u32 v4, $0x15;
	_, v12, vm0 =	vpop (xrf1)  }
0x150: {  	v6 =	vand.u32 $0x3F, v6;
	v10 =	vand.u32 $0x3FF8000, v10  }
0x151: {  	v5 =	vadd.s32 v5, v12;
	(xrf1) =	vunique.msk.u32 $0xffff, v6  }
0x152: {  	v5 =	vadd.s32 $0xFFFFFFFF, v5  }
0x153: {  	v9 =	vadd.s32 $0x40, v9  }
0x154: {  	v3 =	vand.u32 $0x7FFF, v3  }
0x155: {  	v3 =	vor.u32 v3, v8;
	_ =	sdelay $0x1  }
0x156: {  	[tilespmem:v5+s9+$0x0] =	vst.idx.msk $0xffff, v3  }
0x157: {  	[tilespmem:v7+s11+$0x0] =	vst.idx.add.s32.msk vm0, v12  }
0x158: {  	[tilespmem:v9+s11+$0x0] =	vst.idx.add.s32.msk $0xffff, v1  }
0x159: {  	v8 =	vld [tilespmem:s13+$0x0]  }
0x15a: {  	v5 =	vld.idx.msk [tilespmem:v6+s11+$0x0], $0xffff;
	_ =	sdelay $0x3  }
0x15b: {  	v3 =	vshrl.u32 v8, $0xF;
	v7 =	vshrl.u32 v8, $0x6;
	v9 =	vshrl.u32 v8, $0x15;
	_, v12, vm0 =	vpop (xrf1)  }
0x15c: {  	v3 =	vand.u32 $0x3F, v3;
	v13 =	vand.u32 $0x3FF8000, v7  }
0x15d: {  	v5 =	vadd.s32 v5, v12;
	(xrf1) =	vunique.msk.u32 $0xffff, v3  }
0x15e: {  	v5 =	vadd.s32 $0xFFFFFFFF, v5;
	_ =	sdelay $0x1  }
0x15f: {  	v7 =	vadd.s32 $0x40, v11  }
0x160: {  	v4 =	vand.u32 $0x7FFF, v4  }
0x161: {  	v4 =	vor.u32 v4, v10  }
0x162: {  	[tilespmem:v5+s9+$0x0] =	vst.idx.msk $0xffff, v4  }
0x163: {  	s16 =	sadd.s32 $0x8, s16;
	[tilespmem:v6+s11+$0x0] =	vst.idx.add.s32.msk vm0, v12  }
0x164: {  	s16 =	smin.u32 s16, $0x7FF;
	[tilespmem:v7+s11+$0x0] =	vst.idx.add.s32.msk $0xffff, v1  }
0x165: {  	s16 =	sshll.u32 s16, $0x4;
	v4 =	vld.idx.msk [tilespmem:v3+s11+$0x0], $0xffff  }
0x166: {  	v5 =	vld [tilespmem:s16+$0x8000];
	_ =	sdelay $0x3  }
0x167: {  	_, v6, vm0 =	vpop (xrf1)  }
0x168: {  	v7 =	vshrl.u32 v5, $0xF;
	v10 =	vshrl.u32 v5, $0x6;
	v11 =	vadd.s32 v4, v6  }
0x169: {  	v4 =	vand.u32 $0x3F, v7;
	v7 =	vand.u32 $0x3FF8000, v10;
	v10 =	vadd.s32 $0xFFFFFFFF, v11  }
.Ltmp6:
0x16a: {  	v5 =	vand.u32 $0x7FFF, v5;
	(xrf1) =	vunique.msk.u32 $0xffff, v4;
	(pc) =	sbr.rel @p0 .LBB2_14-.Ltmp6, $4  }
0x16b: {  	v5 =	vor.u32 v5, v7;
	v7 =	vadd.s32 $0x40, v9  }
0x16c: {  	v8 =	vand.u32 $0x7FFF, v8  }
0x16d: {  	v8 =	vor.u32 v8, v13  }
0x16e: {  	[tilespmem:v10+s9+$0x0] =	vst.idx.msk $0xffff, v8  }
0x16f: {  	_ =	sdelay $0x4  }
0x170: {  	[tilespmem:v3+s11+$0x0] =	vst.idx.add.s32.msk vm0, v6  }
0x171: {  	[tilespmem:v7+s11+$0x0] =	vst.idx.add.s32.msk $0xffff, v1  }
0x172: {  	v3 =	vld [tilespmem:s14+$0xFFFFFFD0];
	_ =	sdelay $0x4  }
0x173: {  	(xrf0) =	vadd.scan.msk.s32 $0xffff, v3  }
0x174: {  	v4 =	vld [tilespmem:s14+$0xFFFFFFE0]  }
0x175: {  	v6 =	vld [tilespmem:s14+$0xFFFFFFF0];
	_ =	sdelay $0x3  }
0x176: {  	v5, _, _ =	vpop (xrf0);
	(xrf0) =	vadd.scan.msk.s32 $0xffff, v4  }
0x177: {  	(xrf0) =	vadd.scan.msk.s32 $0xffff, v6  }
0x178: {  	(v2sf) =	vpush v5, $0xF;
	_ =	sdelay $0x2  }
0x179: {  	v7 =	vld [tilespmem:s14+$0x0]  }
0x17a: {  	v8, _, _ =	vpop (xrf0)  }
0x17b: {  	(v2sf) =	vpush v8, $0xF;
	v9, _, _ =	vpop (xrf0)  }
0x17c: {  	(v2sf) =	vpush v9, $0xF;
	_ =	sdelay $0x1  }
0x17d: {  	s13 =	simm.s32 $0x0;
	(xrf0) =	vadd.scan.msk.s32 $0xffff, v7  }
0x17e: {  	v3 =	vsub.s32 s13, v3  }
0x17f: {  	v3 =	vadd.s32 v5, v3  }
0x180: {  	s13 =	simm.s32 $0x180B0;
	[tilespmem:s14+$0xFFFFFFD0] =	vst v3  }
0x181: {  	v3 =	vsub.s32 v8, v4;
	v4 =	vld [tilespmem:s13+$0xFFFFFFD0];
	_ =	sdelay $0x1  }
0x182: {  	v10, _, _ =	vpop (xrf0)  }
0x183: {  	(v2sf) =	vpush v10, $0xF;
	s15 =	spop (v2sf)  }
0x184: {  	s15 =	sadd.s32 $0x0, s15  }
0x185: {  	(xrf0) =	vadd.scan.msk.s32 $0xffff, v4;
	v3 =	vadd.s32 s15, v3  }
0x186: {  	[tilespmem:s14+$0xFFFFFFE0] =	vst v3  }
0x187: {  	v3 =	vld [tilespmem:s13+$0xFFFFFFE0]  }
0x188: {  	v7 =	vsub.s32 v10, v7;
	v5 =	vld [tilespmem:s13+$0xFFFFFFF0];
	s16 =	spop (v2sf)  }
0x189: {  	v6 =	vsub.s32 v9, v6;
	s15 =	sadd.s32 s15, s16;
	s31 =	spop (v2sf)  }
0x18a: {  	v6 =	vadd.s32 s15, v6;
	s16 =	sadd.s32 s15, s31  }
0x18b: {  	[tilespmem:s14+$0xFFFFFFF0] =	vst v6;
	v6 =	vadd.s32 s16, v7;
	v7, _, _ =	vpop (xrf0)  }
0x18c: {  	(xrf0) =	vadd.scan.msk.s32 $0xffff, v3;
	(v2sf) =	vpush v7, $0xF  }
0x18d: {  	(xrf0) =	vadd.scan.msk.s32 $0xffff, v5  }
0x18e: {  	[tilespmem:s14+$0x0] =	vst v6  }
0x18f: {  	v6 =	vld [tilespmem:s13+$0x0];
	_ =	sdelay $0x1  }
0x190: {  	_, v8, vm15 =	vpop (xrf1)  }
0x191: {  	s15 =	simm.s32 $0x4;
	s17 =	spop (v2sf);
	s14 =	simm.s32 $0x180B0;
	v8, _, _ =	vpop (xrf0)  }
.LBB2_16:
0x192: {  	s15 =	sadd.s32 $0x4, s15;
	(v2sf) =	vpush v8, $0xF;
	v9, _, _ =	vpop (xrf0);
	s16 =	sadd.s32 s16, s17  }
0x193: {  	p0 =	slt.u32 s15, $0x7C;
	v4 =	vsub.s32 s16, v4;
	v10 =	vsub.s32 v9, v5;
	(v2sf) =	vpush v9, $0xF;
	(xrf0) =	vadd.scan.msk.s32 $0xffff, v6  }
0x194: {  	v4 =	vadd.s32 v7, v4  }
0x195: {  	[tilespmem:s13+$0xFFFFFFD0] =	vst v4  }
0x196: {  	s13 =	sadd.s32 $0x40, s13  }
0x197: {  	v4 =	vld [tilespmem:s13+$0xFFFFFFD0];
	_ =	sdelay $0x1  }
0x198: {  	v5, _, _ =	vpop (xrf0)  }
0x199: {  	v6 =	vsub.s32 v5, v6;
	s17 =	spop (v2sf);
	(v2sf) =	vpush v5, $0xF  }
0x19a: {  	v3 =	vsub.s32 v8, v3;
	s16 =	sadd.s32 s16, s17  }
0x19b: {  	(xrf0) =	vadd.scan.msk.s32 $0xffff, v4;
	v3 =	vadd.s32 s16, v3  }
0x19c: {  	[tilespmem:s14+$0xFFFFFFE0] =	vst v3  }
0x19d: {  	v3 =	vld [tilespmem:s13+$0xFFFFFFE0]  }
0x19e: {  	v5 =	vld [tilespmem:s13+$0xFFFFFFF0];
	_ =	sdelay $0x1  }
0x19f: {  	s17 =	spop (v2sf)  }
0x1a0: {  	v7, _, _ =	vpop (xrf0);
	s16 =	sadd.s32 s16, s17;
	s17 =	spop (v2sf)  }
0x1a1: {  	(v2sf) =	vpush v7, $0xF;
	(xrf0) =	vadd.scan.msk.s32 $0xffff, v3;
	v8 =	vadd.s32 s16, v10;
	s16 =	sadd.s32 s16, s17  }
0x1a2: {  	(xrf0) =	vadd.scan.msk.s32 $0xffff, v5;
	[tilespmem:s14+$0xFFFFFFF0] =	vst v8;
	v6 =	vadd.s32 s16, v6  }
.Ltmp7:
0x1a3: {  	[tilespmem:s14+$0x0] =	vst v6;
	s14 =	smov.u32 s13;
	(pc) =	sbr.rel @p0 .LBB2_16-.Ltmp7, $2  }
0x1a4: {  	v6 =	vld [tilespmem:s13+$0x0];
	_ =	sdelay $0x2  }
0x1a5: {  	v8, _, _ =	vpop (xrf0);
	s17 =	spop (v2sf)  }
0x1a6: {  	(v2sf) =	vpush v8, $0xF;
	v9, _, _ =	vpop (xrf0)  }
0x1a7: {  	(v2sf) =	vpush v9, $0xF;
	_ =	sdelay $0x8  }
0x1a8: {  	(xrf0) =	vadd.scan.msk.s32 $0xffff, v6  }
0x1a9: {  	s15 =	sadd.s32 s16, s17  }
0x1aa: {  	v4 =	vsub.s32 s15, v4  }
0x1ab: {  	v4 =	vadd.s32 v7, v4  }
0x1ac: {  	s25 =	spop (v2sf)  }
0x1ad: {  	v3 =	vsub.s32 v8, v3;
	s15 =	sadd.s32 s15, s25;
	s26 =	spop (v2sf)  }
0x1ae: {  	v5 =	vsub.s32 v9, v5;
	[tilespmem:s13+$0xFFFFFFD0] =	vst v4;
	v4, _, _ =	vpop (xrf0);
	v3 =	vadd.s32 s15, v3;
	s28 =	sadd.s32 s15, s26;
	s29 =	spop (v2sf)  }
0x1af: {  	v6 =	vsub.s32 v4, v6;
	[tilespmem:s14+$0xFFFFFFE0] =	vst v3;
	v3 =	vadd.s32 s28, v5;
	s13 =	sadd.s32 s28, s29  }
0x1b0: {  	[tilespmem:s14+$0xFFFFFFF0] =	vst v3;
	v3 =	vadd.s32 s13, v6  }
0x1b1: {  	[tilespmem:s14+$0x0] =	vst v3  }
0x1b2: {  	v3 =	vld [tilespmem:$0x10000];
	_ =	sdelay $0x4  }
0x1b3: {  	v5 =	vshrl.u32 v3, $0xF  }
0x1b4: {  	v5 =	vadd.s32 $0x40, v5  }
0x1b5: {  	(xrf1) =	vunique.msk.u32 $0xffff, v5;
	_ =	sdelay $0x9  }
0x1b6: {  	v6 =	vld.idx.msk [tilespmem:v5+s11+$0x0], $0xffff;
	_ =	sdelay $0x2  }
0x1b7: {  	s13 =	simm.s32 $0x10030  }
0x1b8: {  	v8 =	vld [tilespmem:s13+$0xFFFFFFE0];
	_, v7, vm0 =	vpop (xrf1)  }
0x1b9: {  	v6 =	vadd.s32 v7, v6  }
0x1ba: {  	v6 =	vcvt.s32.f32 v6;
	_ =	sdelay $0x1  }
0x1bb: {  	(erf) = vrcp.f32 v6  }
0x1bc: {  	v6 =	vshrl.u32 v8, $0xF  }
0x1bd: {  	v59 =	vadd.s32 $0x40, v6  }
0x1be: {  	(xrf1) =	vunique.msk.u32 $0xffff, v59;
	_ =	sdelay $0x2  }
0x1bf: {  	v3 =	vand.u32 $0x7FFF, v3;
	_ =	sdelay $0x1  }
0x1c0: {  	v10 =	vadd.s32 $0xFFFFFBC1, v5  }
0x1c1: {  	vm1 =	vlt.u32 v10, $0x2;
	v60 =	vpop (erf)  }
0x1c2: {  	v10 =	vsel vm1, $0x0, v60  }
0x1c3: {  	[tilespmem:v3+s2+$0x0] =	vst.idx.msk $0xffff, v10  }
0x1c4: {  	[tilespmem:v5+s11+$0x0] =	vst.idx.add.s32.msk vm0, v7  }
0x1c5: {  	v3 =	vld.idx.msk [tilespmem:v59+s11+$0x0], $0xffff;
	_ =	sdelay $0x3  }
0x1c6: {  	v7 =	vld [tilespmem:s13+$0xFFFFFFF0];
	_, v5, vm0 =	vpop (xrf1)  }
0x1c7: {  	v3 =	vadd.s32 v5, v3  }
0x1c8: {  	v3 =	vcvt.s32.f32 v3;
	_ =	sdelay $0x1  }
0x1c9: {  	(erf) = vrcp.f32 v3  }
0x1ca: {  	v61 =	vshrl.u32 v7, $0xF  }
0x1cb: {  	v11 =	vadd.s32 $0x40, v61  }
0x1cc: {  	(xrf1) =	vunique.msk.u32 $0xffff, v11;
	_ =	sdelay $0x2  }
0x1cd: {  	v6 =	vadd.s32 $0xFFFFFC01, v6;
	v3 =	vand.u32 $0x7FFF, v8;
	_ =	sdelay $0x2  }
0x1ce: {  	vm1 =	vlt.u32 v6, $0x2;
	v6 =	vpop (erf)  }
0x1cf: {  	v6 =	vsel vm1, $0x0, v6  }
0x1d0: {  	[tilespmem:v3+s2+$0x0] =	vst.idx.msk $0xffff, v6  }
0x1d1: {  	[tilespmem:v59+s11+$0x0] =	vst.idx.add.s32.msk vm0, v5  }
0x1d2: {  	v3 =	vld.idx.msk [tilespmem:v11+s11+$0x0], $0xffff;
	_ =	sdelay $0x3  }
0x1d3: {  	_, v5, vm0 =	vpop (xrf1);
	v8 =	vld [tilespmem:s13+$0x0]  }
0x1d4: {  	v3 =	vadd.s32 v5, v3  }
0x1d5: {  	v3 =	vcvt.s32.f32 v3;
	_ =	sdelay $0x1  }
0x1d6: {  	(erf) = vrcp.f32 v3  }
0x1d7: {  	v62 =	vshrl.u32 v8, $0xF  }
0x1d8: {  	v3 =	vadd.s32 $0x40, v62  }
0x1d9: {  	(xrf1) =	vunique.msk.u32 $0xffff, v3;
	_ =	sdelay $0x2  }
0x1da: {  	v6 =	vand.u32 $0x7FFF, v7;
	v7 =	vadd.s32 $0xFFFFFC01, v61;
	_ =	sdelay $0x2  }
0x1db: {  	vm1 =	vlt.u32 v7, $0x2;
	v7 =	vpop (erf)  }
0x1dc: {  	v7 =	vsel vm1, $0x0, v7  }
0x1dd: {  	[tilespmem:v6+s2+$0x0] =	vst.idx.msk $0xffff, v7  }
0x1de: {  	[tilespmem:v11+s11+$0x0] =	vst.idx.add.s32.msk vm0, v5  }
0x1df: {  	v5 =	vld.idx.msk [tilespmem:v3+s11+$0x0], $0xffff;
	_ =	sdelay $0x3  }
0x1e0: {  	_, v6, vm0 =	vpop (xrf1)  }
0x1e1: {  	s30 =	simm.s32 $0x4;
	(v2sf) =	vpush v4, $0xF;
	v4 =	vadd.s32 v6, v5  }
0x1e2: {  	s14 =	smin.u32 s30, $0x7FF;
	v4 =	vcvt.s32.f32 v4  }
0x1e3: {  	s14 =	sshll.u32 s14, $0x4  }
0x1e4: {  	(erf) = vrcp.f32 v4;
	v4 =	vld [tilespmem:s14+$0x10000];
	_ =	sdelay $0x4  }
0x1e5: {  	v7 =	vand.u32 $0x7FFF, v8;
	v5 =	vadd.s32 $0xFFFFFC01, v62;
	v8 =	vshrl.u32 v4, $0xF  }
0x1e6: {  	vm1 =	vlt.u32 v5, $0x2;
	v5 =	vadd.s32 $0x40, v8  }
0x1e7: {  	(xrf1) =	vunique.msk.u32 $0xffff, v5;
	_ =	sdelay $0x9  }
0x1e8: {  	v63 =	vpop (erf)  }
0x1e9: {  	v8 =	vsel vm1, $0x0, v63  }
0x1ea: {  	s31 =	spop (v2sf);
	s14 =	simm.s32 $0x0;
	[tilespmem:v7+s2+$0x0] =	vst.idx.msk $0xffff, v8  }
.LBB2_18:
0x1eb: {  	[tilespmem:v3+s11+$0x0] =	vst.idx.add.s32.msk vm0, v6;
	s13 =	sadd.s32 $0x40, s13;
	s15 =	smov.u32 s14;
	s14 =	sadd.s32 $0x4, s14  }
0x1ec: {  	v3 =	vld.idx.msk [tilespmem:v5+s11+$0x0], $0xffff;
	p0 =	slt.u32 s14, $0x7FC;
	_, v6, vm0 =	vpop (xrf1);
	_ =	sdelay $0x5  }
0x1ed: {  	v3 =	vadd.s32 v6, v3;
	v7 =	vld [tilespmem:s13+$0xFFFFFFE0]  }
0x1ee: {  	v3 =	vcvt.s32.f32 v3;
	_ =	sdelay $0x1  }
0x1ef: {  	(erf) = vrcp.f32 v3;
	_ =	sdelay $0x1  }
0x1f0: {  	v3 =	vshrl.u32 v7, $0xF  }
0x1f1: {  	v8 =	vadd.s32 $0x40, v3;
	v3 =	vadd.s32 $0xFFFFFC01, v3  }
0x1f2: {  	(xrf1) =	vunique.msk.u32 $0xffff, v8;
	_ =	sdelay $0x1  }
0x1f3: {  	v4 =	vand.u32 $0x7FFF, v4;
	_ =	sdelay $0x1  }
0x1f4: {  	v10 =	vadd.s32 $0xFFFFFBC1, v5  }
0x1f5: {  	vm1 =	vlt.u32 v10, $0x2;
	v9 =	vpop (erf)  }
0x1f6: {  	v9 =	vsel vm1, $0x0, v9  }
0x1f7: {  	[tilespmem:v4+s2+$0x0] =	vst.idx.msk $0xffff, v9  }
0x1f8: {  	[tilespmem:v5+s11+$0x0] =	vst.idx.add.s32.msk vm0, v6  }
0x1f9: {  	v4 =	vld.idx.msk [tilespmem:v8+s11+$0x0], $0xffff;
	_ =	sdelay $0x4  }
0x1fa: {  	_, v5, vm0 =	vpop (xrf1)  }
0x1fb: {  	v6 =	vld [tilespmem:s13+$0xFFFFFFF0];
	v4 =	vadd.s32 v5, v4  }
0x1fc: {  	v4 =	vcvt.s32.f32 v4;
	_ =	sdelay $0x1  }
0x1fd: {  	(erf) = vrcp.f32 v4;
	_ =	sdelay $0x1  }
0x1fe: {  	v4 =	vshrl.u32 v6, $0xF  }
0x1ff: {  	v9 =	vadd.s32 $0x40, v4;
	v4 =	vadd.s32 $0xFFFFFC01, v4  }
0x200: {  	(xrf1) =	vunique.msk.u32 $0xffff, v9;
	_ =	sdelay $0x1  }
0x201: {  	v7 =	vand.u32 $0x7FFF, v7;
	_ =	sdelay $0x2  }
0x202: {  	vm1 =	vlt.u32 v3, $0x2;
	v3 =	vpop (erf)  }
0x203: {  	v3 =	vsel vm1, $0x0, v3  }
0x204: {  	[tilespmem:v7+s2+$0x0] =	vst.idx.msk $0xffff, v3  }
0x205: {  	[tilespmem:v8+s11+$0x0] =	vst.idx.add.s32.msk vm0, v5  }
0x206: {  	v3 =	vld.idx.msk [tilespmem:v9+s11+$0x0], $0xffff;
	_ =	sdelay $0x4  }
0x207: {  	_, v5, vm0 =	vpop (xrf1)  }
0x208: {  	v7 =	vld [tilespmem:s13+$0x0];
	v3 =	vadd.s32 v5, v3  }
0x209: {  	v3 =	vcvt.s32.f32 v3;
	_ =	sdelay $0x1  }
0x20a: {  	(erf) = vrcp.f32 v3;
	_ =	sdelay $0x1  }
0x20b: {  	v8 =	vshrl.u32 v7, $0xF  }
0x20c: {  	v3 =	vadd.s32 $0x40, v8;
	v8 =	vadd.s32 $0xFFFFFC01, v8  }
0x20d: {  	(xrf1) =	vunique.msk.u32 $0xffff, v3;
	_ =	sdelay $0x1  }
0x20e: {  	v6 =	vand.u32 $0x7FFF, v6;
	_ =	sdelay $0x2  }
0x20f: {  	vm1 =	vlt.u32 v4, $0x2;
	v4 =	vpop (erf)  }
0x210: {  	v4 =	vsel vm1, $0x0, v4  }
0x211: {  	s15 =	sadd.s32 $0x8, s15;
	[tilespmem:v6+s2+$0x0] =	vst.idx.msk $0xffff, v4  }
0x212: {  	s15 =	smin.u32 s15, $0x7FF;
	[tilespmem:v9+s11+$0x0] =	vst.idx.add.s32.msk vm0, v5  }
0x213: {  	s15 =	sshll.u32 s15, $0x4;
	v5 =	vld.idx.msk [tilespmem:v3+s11+$0x0], $0xffff  }
0x214: {  	v4 =	vld [tilespmem:s15+$0x10000];
	_ =	sdelay $0x3  }
0x215: {  	_, v6, vm0 =	vpop (xrf1)  }
0x216: {  	v9 =	vshrl.u32 v4, $0xF;
	v10 =	vadd.s32 v6, v5  }
0x217: {  	v5 =	vadd.s32 $0x40, v9;
	v9 =	vcvt.s32.f32 v10  }
0x218: {  	(xrf1) =	vunique.msk.u32 $0xffff, v5  }
0x219: {  	(erf) = vrcp.f32 v9;
	_ =	sdelay $0x5  }
0x21a: {  	v7 =	vand.u32 $0x7FFF, v7  }
.Ltmp8:
0x21b: {  	(pc) =	sbr.rel @p0 .LBB2_18-.Ltmp8, $4  }
0x21c: {  	_ = 	snop  }
0x21d: {  	vm1 =	vlt.u32 v8, $0x2;
	v8 =	vpop (erf)  }
0x21e: {  	v8 =	vsel vm1, $0x0, v8  }
0x21f: {  	[tilespmem:v7+s2+$0x0] =	vst.idx.msk $0xffff, v8  }
0x220: {  	_ =	sdelay $0x4  }
0x221: {  	[tilespmem:v3+s11+$0x0] =	vst.idx.add.s32.msk vm0, v6  }
0x222: {  	_, v3, vm0 =	vpop (xrf1);
	[hbm4b:s4+s2] =	stream.linear.scatter [tilespmem:s2], [sflag:$0x1], $0x8000, $0x38;
	[tilespmem:$0x18880] =	vst v63  }
0x223: {  	_ =	swait.ge [sflag:s8], $0x8000  }
0x224: {  	[sflag:s8] =	ssyncset.done $0x0  }
0x225: {  	[sflag:s8] =	ssyncadd.s32 $0xFFFF8000  }
0x226: {  	[tilespmem:s2], [sflag:$0x1] =	stream.linear.gather [hbm4b:s5+s2], $0x8000, $0x38;
	[tilespmem:$0x18880] =	vst v63  }
0x227: {  	_ =	swait.ge [sflag:s8], $0x8000  }
0x228: {  	[sflag:s8] =	ssyncset.done $0x0  }
0x229: {  	s13 =	simm.s32 $0x10040;
	[sflag:s8] =	ssyncadd.s32 $0xFFFF8000  }
0x22a: {  	[tilespmem:s13+$0xFFFFFFC0] =	vst v0  }
0x22b: {  	[tilespmem:s13+$0x30] =	vst v0  }
0x22c: {  	[tilespmem:s13+$0x20] =	vst v0  }
0x22d: {  	[tilespmem:s13+$0x10] =	vst v0  }
0x22e: {  	[tilespmem:s13+$0x0] =	vst v0  }
0x22f: {  	[tilespmem:s13+$0xFFFFFFF0] =	vst v0  }
0x230: {  	s14 =	simm.s32 $0x0;
	[tilespmem:s13+$0xFFFFFFE0] =	vst v0  }
.LBB2_20:
0x231: {  	s14 =	sadd.s32 $0x8, s14;
	[tilespmem:s13+$0xFFFFFFD0] =	vst v0;
	s13 =	sadd.s32 $0x80, s13  }
0x232: {  	[tilespmem:s13+$0xFFFFFFC0] =	vst v0;
	p0 =	slt.u32 s14, $0x7F8  }
0x233: {  	[tilespmem:s13+$0x30] =	vst v0  }
.Ltmp9:
0x234: {  	[tilespmem:s13+$0x20] =	vst v0;
	(pc) =	sbr.rel @p0 .LBB2_20-.Ltmp9, $4  }
0x235: {  	[tilespmem:s13+$0x10] =	vst v0  }
0x236: {  	[tilespmem:s13+$0x0] =	vst v0  }
0x237: {  	[tilespmem:s13+$0xFFFFFFF0] =	vst v0  }
0x238: {  	[tilespmem:s13+$0xFFFFFFE0] =	vst v0  }
0x239: {  	[tilespmem:s13+$0xFFFFFFD0] =	vst v0;
	s13 =	simm.s32 $0x18040  }
0x23a: {  	[tilespmem:s13+$0xFFFFFFC0] =	vst v0  }
0x23b: {  	[tilespmem:s13+$0x30] =	vst v0  }
0x23c: {  	[tilespmem:s13+$0x20] =	vst v0  }
0x23d: {  	[tilespmem:s13+$0x10] =	vst v0  }
0x23e: {  	[tilespmem:s13+$0x0] =	vst v0  }
0x23f: {  	[tilespmem:s13+$0xFFFFFFF0] =	vst v0  }
0x240: {  	s14 =	simm.s32 $0x0;
	[tilespmem:s13+$0xFFFFFFE0] =	vst v0  }
.LBB2_22:
0x241: {  	s14 =	sadd.s32 $0x8, s14;
	[tilespmem:s13+$0xFFFFFFD0] =	vst v0;
	s13 =	sadd.s32 $0x80, s13  }
0x242: {  	[tilespmem:s13+$0xFFFFFFC0] =	vst v0;
	p0 =	slt.u32 s14, $0x78  }
0x243: {  	[tilespmem:s13+$0x30] =	vst v0  }
.Ltmp10:
0x244: {  	[tilespmem:s13+$0x20] =	vst v0;
	(pc) =	sbr.rel @p0 .LBB2_22-.Ltmp10, $4  }
0x245: {  	[tilespmem:s13+$0x10] =	vst v0  }
0x246: {  	[tilespmem:s13+$0x0] =	vst v0  }
0x247: {  	[tilespmem:s13+$0xFFFFFFF0] =	vst v0  }
0x248: {  	[tilespmem:s13+$0xFFFFFFE0] =	vst v0  }
0x249: {  	[tilespmem:s13+$0xFFFFFFD0] =	vst v0;
	s13 =	simm.s32 $0x0  }
.LBB2_24:
0x24a: {  	p0 =	sne.s32 s13, $0xC0  }
.Ltmp11:
0x24b: {  	_ = 	snop;
	(pc) =	sbr.rel @p0 .LBB2_24-.Ltmp11, $3  }
0x24c: {  	_ =	sdelay $0x1  }
0x24d: {  	s14 =	sshra.s32 s13, $0x2  }
0x24e: {  	s13 =	sadd.s32 $0x40, s13;
	[tilespmem:s14+$0x18800] =	vst v0  }
0x24f: {  	s13 =	simm.s32 $0x20  }
0x250: {  	v3 =	vld [tilespmem:s13+$0x10]  }
0x251: {  	v4 =	vld [tilespmem:s13+$0xFFFFFFF0];
	_ =	sdelay $0x1  }
0x252: {  	v5 =	vld [tilespmem:s13+$0x0]  }
0x253: {  	v6 =	vld [tilespmem:s13+$0xFFFFFFE0]  }
0x254: {  	vm0 =	vgt.s32 v3, $0xFFFFFFFF  }
0x255: {  	s31 =	simm.s32 $0x60;
	vm1 =	vgt.s32 v4, $0xFFFFFFFF;
	v7 =	vsel vm0, $0xFFFFFFFF, v0  }
0x256: {  	v9 =	vld [tilespmem:s31+$0x10];
	v8 =	vsel vm1, $0xFFFFFFFF, v0;
	v3 =	vxor.u32 v7, v3  }
0x257: {  	vm0 =	vgt.s32 v5, $0xFFFFFFFF;
	v7 =	vxor.u32 v8, v4;
	v10 =	vand.u32 $0x7FFF, v3;
	v3 =	vld [tilespmem:s31+$0xFFFFFFF0]  }
0x258: {  	vm1 =	vgt.s32 v6, $0xFFFFFFFF;
	v4 =	vld [tilespmem:s31+$0x0];
	v11 =	vand.u32 $0x7FFF, v7;
	v7 =	vsel vm0, $0xFFFFFFFF, v0  }
0x259: {  	v8 =	vsel vm1, $0xFFFFFFFF, v0;
	v5 =	vxor.u32 v7, v5;
	v7 =	vld [tilespmem:s31+$0xFFFFFFE0]  }
0x25a: {  	v6 =	vxor.u32 v8, v6  }
0x25b: {  	vm0 =	vgt.s32 v9, $0xFFFFFFFF;
	v6 =	vand.u32 $0x7FFF, v6  }
0x25c: {  	v5 =	vand.u32 $0x7FFF, v5;
	[tilespmem:v10+s9+$0x0] =	vst.idx.add.s32.msk $0xffff, v1;
	vm1 =	vgt.s32 v3, $0xFFFFFFFF;
	v10 =	vsel vm0, $0xFFFFFFFF, v0  }
0x25d: {  	s14 =	simm.s32 $0xA0;
	s13 =	simm.s32 $0x4;
	vm0 =	vgt.s32 v4, $0xFFFFFFFF;
	[tilespmem:v11+s9+$0x0] =	vst.idx.add.s32.msk $0xffff, v1;
	v8 =	vsel vm1, $0xFFFFFFFF, v0;
	v9 =	vxor.u32 v10, v9  }
.LBB2_26:
0x25e: {  	v10 =	vld [tilespmem:s14+$0x10];
	s13 =	sadd.s32 $0x4, s13;
	vm1 =	vgt.s32 v7, $0xFFFFFFFF;
	v11 =	vsel vm0, $0xFFFFFFFF, v0;
	v9 =	vand.u32 $0x7FFF, v9  }
0x25f: {  	v8 =	vxor.u32 v8, v3;
	p0 =	slt.u32 s13, $0x7FC;
	v12 =	vsel vm1, $0xFFFFFFFF, v0;
	v3 =	vld [tilespmem:s14+$0xFFFFFFF0];
	v11 =	vxor.u32 v11, v4  }
0x260: {  	v13 =	vand.u32 $0x7FFF, v8;
	v4 =	vld [tilespmem:s14+$0x0];
	v12 =	vxor.u32 v12, v7;
	v8 =	vand.u32 $0x7FFF, v11  }
.Ltmp12:
0x261: {  	v7 =	vld [tilespmem:s14+$0xFFFFFFE0];
	v11 =	vand.u32 $0x7FFF, v12;
	(pc) =	sbr.rel @p0 .LBB2_26-.Ltmp12, $4  }
0x262: {  	[tilespmem:v6+s9+$0x0] =	vst.idx.add.s32.msk $0xffff, v1;
	v6 =	vmov v11  }
0x263: {  	vm0 =	vgt.s32 v10, $0xFFFFFFFF;
	[tilespmem:v9+s9+$0x0] =	vst.idx.add.s32.msk $0xffff, v1  }
0x264: {  	vm1 =	vgt.s32 v3, $0xFFFFFFFF;
	v9 =	vsel vm0, $0xFFFFFFFF, v0;
	[tilespmem:v5+s9+$0x0] =	vst.idx.add.s32.msk $0xffff, v1;
	v5 =	vmov v8  }
0x265: {  	s14 =	sadd.s32 $0x40, s14;
	v8 =	vsel vm1, $0xFFFFFFFF, v0;
	vm0 =	vgt.s32 v4, $0xFFFFFFFF;
	v9 =	vxor.u32 v9, v10;
	[tilespmem:v13+s9+$0x0] =	vst.idx.add.s32.msk $0xffff, v1  }
0x266: {  	vm1 =	vgt.s32 v7, $0xFFFFFFFF  }
0x267: {  	v9 =	vand.u32 $0x7FFF, v9;
	v3 =	vxor.u32 v8, v3;
	v8 =	vsel vm0, $0xFFFFFFFF, v0  }
0x268: {  	v10 =	vsel vm1, $0xFFFFFFFF, v0;
	v3 =	vand.u32 $0x7FFF, v3;
	v4 =	vxor.u32 v8, v4  }
0x269: {  	v7 =	vxor.u32 v10, v7;
	v4 =	vand.u32 $0x7FFF, v4  }
0x26a: {  	[tilespmem:v6+s9+$0x0] =	vst.idx.add.s32.msk $0xffff, v1;
	v7 =	vand.u32 $0x7FFF, v7  }
0x26b: {  	[tilespmem:v5+s9+$0x0] =	vst.idx.add.s32.msk $0xffff, v1  }
0x26c: {  	[tilespmem:v9+s9+$0x0] =	vst.idx.add.s32.msk $0xffff, v1  }
0x26d: {  	[tilespmem:v3+s9+$0x0] =	vst.idx.add.s32.msk $0xffff, v1  }
0x26e: {  	[tilespmem:v4+s9+$0x0] =	vst.idx.add.s32.msk $0xffff, v1  }
0x26f: {  	s14 =	simm.s32 $0x10020;
	[tilespmem:v7+s9+$0x0] =	vst.idx.add.s32.msk $0xffff, v1  }
0x270: {  	v3 =	vld [tilespmem:s14+$0xFFFFFFE0]  }
0x271: {  	v4 =	vld [tilespmem:s14+$0xFFFFFFF0];
	_ =	sdelay $0x3  }
0x272: {  	(xrf0) =	vadd.scan.msk.s32 $0xffff, v3  }
0x273: {  	(xrf0) =	vadd.scan.msk.s32 $0xffff, v4;
	_ =	sdelay $0x1  }
0x274: {  	v5 =	vld [tilespmem:s14+$0x0];
	_ =	sdelay $0x2  }
0x275: {  	v7, _, _ =	vpop (xrf0)  }
0x276: {  	(v2sf) =	vpush v7, $0xF;
	v8, _, _ =	vpop (xrf0)  }
0x277: {  	(xrf0) =	vadd.scan.msk.s32 $0xffff, v5;
	(v2sf) =	vpush v8, $0xF;
	_ =	sdelay $0x1  }
0x278: {  	v6 =	vld [tilespmem:s14+$0x10];
	_ =	sdelay $0x3  }
0x279: {  	v62, _, _ =	vpop (xrf0)  }
0x27a: {  	s13 =	simm.s32 $0x0;
	(xrf0) =	vadd.scan.msk.s32 $0xffff, v6;
	(v2sf) =	vpush v62, $0xF  }
0x27b: {  	v3 =	vsub.s32 s13, v3  }
0x27c: {  	v3 =	vadd.s32 v7, v3  }
0x27d: {  	s13 =	simm.s32 $0x10060;
	[tilespmem:s14+$0xFFFFFFE0] =	vst v3  }
0x27e: {  	v3 =	vld [tilespmem:s13+$0xFFFFFFE0]  }
0x27f: {  	v7 =	vld [tilespmem:s13+$0xFFFFFFF0]  }
0x280: {  	v63, _, _ =	vpop (xrf0)  }
0x281: {  	(v2sf) =	vpush v63, $0xF;
	s15 =	spop (v2sf)  }
0x282: {  	v4 =	vsub.s32 v8, v4;
	s15 =	sadd.s32 $0x0, s15;
	s16 =	spop (v2sf)  }
0x283: {  	v5 =	vsub.s32 v62, v5;
	(xrf0) =	vadd.scan.msk.s32 $0xffff, v3;
	v4 =	vadd.s32 s15, v4;
	s15 =	sadd.s32 s15, s16  }
0x284: {  	(xrf0) =	vadd.scan.msk.s32 $0xffff, v7;
	[tilespmem:s14+$0xFFFFFFF0] =	vst v4;
	v4 =	vadd.s32 s15, v5  }
0x285: {  	[tilespmem:s14+$0x0] =	vst v4  }
0x286: {  	v5 =	vld [tilespmem:s13+$0x0];
	_ =	sdelay $0x2  }
0x287: {  	v4 =	vsub.s32 v63, v6;
	v6, _, _ =	vpop (xrf0);
	s31 =	spop (v2sf)  }
0x288: {  	(v2sf) =	vpush v6, $0xF;
	v8, _, _ =	vpop (xrf0);
	s16 =	sadd.s32 s15, s31  }
0x289: {  	(v2sf) =	vpush v8, $0xF;
	v4 =	vadd.s32 s16, v4;
	(xrf0) =	vadd.scan.msk.s32 $0xffff, v5  }
0x28a: {  	[tilespmem:s14+$0x10] =	vst v4  }
0x28b: {  	v4 =	vsub.s32 v8, v7;
	v7 =	vld [tilespmem:s13+$0x10];
	_ =	sdelay $0x2  }
0x28c: {  	s15 =	simm.s32 $0x4;
	s17 =	spop (v2sf);
	s14 =	simm.s32 $0x10060  }
.LBB2_28:
0x28d: {  	s15 =	sadd.s32 $0x4, s15;
	v8, _, _ =	vpop (xrf0);
	s16 =	sadd.s32 s16, s17  }
0x28e: {  	p0 =	slt.u32 s15, $0x7FC;
	v3 =	vsub.s32 s16, v3;
	v5 =	vsub.s32 v8, v5;
	(v2sf) =	vpush v8, $0xF;
	(xrf0) =	vadd.scan.msk.s32 $0xffff, v7  }
0x28f: {  	v3 =	vadd.s32 v6, v3  }
0x290: {  	[tilespmem:s13+$0xFFFFFFE0] =	vst v3  }
0x291: {  	s13 =	sadd.s32 $0x40, s13  }
0x292: {  	v3 =	vld [tilespmem:s13+$0xFFFFFFE0]  }
0x293: {  	v8 =	vld [tilespmem:s13+$0xFFFFFFF0]  }
0x294: {  	v6, _, _ =	vpop (xrf0)  }
0x295: {  	v7 =	vsub.s32 v6, v7;
	s17 =	spop (v2sf);
	(v2sf) =	vpush v6, $0xF  }
0x296: {  	s16 =	sadd.s32 s16, s17;
	s17 =	spop (v2sf)  }
0x297: {  	(xrf0) =	vadd.scan.msk.s32 $0xffff, v3;
	v4 =	vadd.s32 s16, v4;
	s16 =	sadd.s32 s16, s17  }
0x298: {  	(xrf0) =	vadd.scan.msk.s32 $0xffff, v8;
	[tilespmem:s14+$0xFFFFFFF0] =	vst v4;
	v4 =	vadd.s32 s16, v5  }
0x299: {  	[tilespmem:s14+$0x0] =	vst v4  }
0x29a: {  	v5 =	vld [tilespmem:s13+$0x0];
	_ =	sdelay $0x2  }
0x29b: {  	v6, _, _ =	vpop (xrf0);
	s17 =	spop (v2sf)  }
0x29c: {  	(v2sf) =	vpush v6, $0xF;
	v9, _, _ =	vpop (xrf0);
	s16 =	sadd.s32 s16, s17  }
0x29d: {  	v4 =	vsub.s32 v9, v8;
	(v2sf) =	vpush v9, $0xF;
	(xrf0) =	vadd.scan.msk.s32 $0xffff, v5;
	v7 =	vadd.s32 s16, v7  }
.Ltmp13:
0x29e: {  	[tilespmem:s14+$0x10] =	vst v7;
	s14 =	smov.u32 s13;
	(pc) =	sbr.rel @p0 .LBB2_28-.Ltmp13, $2  }
0x29f: {  	v7 =	vld [tilespmem:s13+$0x10];
	_ =	sdelay $0x2  }
0x2a0: {  	s17 =	spop (v2sf)  }
0x2a1: {  	v8, _, _ =	vpop (xrf0)  }
0x2a2: {  	(v2sf) =	vpush v8, $0xF;
	_ =	sdelay $0x8  }
0x2a3: {  	(xrf0) =	vadd.scan.msk.s32 $0xffff, v7;
	_ =	sdelay $0x2  }
0x2a4: {  	s15 =	sadd.s32 s16, s17  }
0x2a5: {  	v3 =	vsub.s32 s15, v3;
	s22 =	spop (v2sf)  }
0x2a6: {  	v3 =	vadd.s32 v6, v3;
	s15 =	sadd.s32 s15, s22;
	s23 =	spop (v2sf)  }
0x2a7: {  	v5 =	vsub.s32 v8, v5;
	[tilespmem:s13+$0xFFFFFFE0] =	vst v3;
	v6, _, _ =	vpop (xrf0);
	v3 =	vadd.s32 s15, v4;
	s24 =	sadd.s32 s15, s23;
	s25 =	spop (v2sf)  }
0x2a8: {  	v4 =	vsub.s32 v6, v7;
	[tilespmem:s14+$0xFFFFFFF0] =	vst v3;
	v3 =	vadd.s32 s24, v5;
	s13 =	sadd.s32 s24, s25  }
0x2a9: {  	[tilespmem:s14+$0x0] =	vst v3;
	v3 =	vadd.s32 s13, v4  }
0x2aa: {  	[tilespmem:s14+$0x10] =	vst v3  }
0x2ab: {  	v3 =	vld [tilespmem:$0x0];
	_ =	sdelay $0x4  }
0x2ac: {  	v4 =	vandn.u32 $0x7FFFFFFF, v3;
	vm0 =	vlt.s32 v3, $0x0  }
0x2ad: {  	v3 =	vsel vm0, v3, v4  }
0x2ae: {  	v4 =	vand.u32 $0x7FFF, v3  }
0x2af: {  	(xrf1) =	vunique.msk.u32 $0xffff, v4;
	_ =	sdelay $0x3  }
0x2b0: {  	s13 =	simm.s32 $0x20  }
0x2b1: {  	v5 =	vld [tilespmem:s13+$0xFFFFFFF0];
	_ =	sdelay $0x4  }
0x2b2: {  	v8 =	vandn.u32 $0x7FFFFFFF, v5;
	v7 =	vld.idx.msk [tilespmem:v4+s9+$0x0], $0xffff;
	_ =	sdelay $0x1  }
0x2b3: {  	vm0 =	vlt.s32 v5, $0x0  }
0x2b4: {  	v5 =	vsel vm0, v5, v8  }
0x2b5: {  	v9 =	vand.u32 $0x7FFF, v5;
	_, v8, vm0 =	vpop (xrf1)  }
0x2b6: {  	v3 =	vand.u32 $0xFFFF8000, v3;
	(xrf1) =	vunique.msk.u32 $0xffff, v9;
	v7 =	vadd.s32 v7, v8  }
0x2b7: {  	v3 =	vor.u32 v2, v3;
	v7 =	vadd.s32 $0xFFFFFFFF, v7  }
0x2b8: {  	v10 =	vshrl.u32 v3, $0xF  }
0x2b9: {  	v10 =	vand.u32 $0x3F, v10;
	_ =	sdelay $0x2  }
0x2ba: {  	[tilespmem:v7+s10+$0x0] =	vst.idx.msk $0xffff, v3  }
0x2bb: {  	[tilespmem:v4+s9+$0x0] =	vst.idx.add.s32.msk vm0, v8  }
0x2bc: {  	[tilespmem:v10+s11+$0x0] =	vst.idx.add.s32.msk $0xffff, v1  }
0x2bd: {  	v3 =	vld [tilespmem:s13+$0x0]  }
0x2be: {  	v4 =	vld.idx.msk [tilespmem:v9+s9+$0x0], $0xffff;
	_ =	sdelay $0x3  }
0x2bf: {  	_, v7, vm0 =	vpop (xrf1);
	v8 =	vandn.u32 $0x7FFFFFFF, v3;
	vm1 =	vlt.s32 v3, $0x0  }
0x2c0: {  	s26 =	simm.s32 $0x10;
	v5 =	vand.u32 $0xFFFF8000, v5;
	v4 =	vadd.s32 v4, v7;
	v8 =	vsel vm1, v3, v8  }
0x2c1: {  	v5 =	vor.u32 s26, v5;
	v3 =	vadd.s32 $0xFFFFFFFF, v4;
	v61 =	vand.u32 $0x7FFF, v8  }
0x2c2: {  	v4 =	vshrl.u32 v5, $0xF;
	(xrf1) =	vunique.msk.u32 $0xffff, v61  }
0x2c3: {  	v4 =	vand.u32 $0x3F, v4;
	_ =	sdelay $0x1  }
0x2c4: {  	v5 =	vor.u32 v2, v5  }
0x2c5: {  	[tilespmem:v3+s10+$0x0] =	vst.idx.msk $0xffff, v5  }
0x2c6: {  	[tilespmem:v9+s9+$0x0] =	vst.idx.add.s32.msk vm0, v7  }
0x2c7: {  	[tilespmem:v4+s11+$0x0] =	vst.idx.add.s32.msk $0xffff, v1  }
0x2c8: {  	v3 =	vld [tilespmem:s13+$0x10];
	_ =	sdelay $0x2  }
0x2c9: {  	v4 =	vld.idx.msk [tilespmem:v61+s9+$0x0], $0xffff;
	_ =	sdelay $0x1  }
0x2ca: {  	v5 =	vandn.u32 $0x7FFFFFFF, v3;
	vm0 =	vlt.s32 v3, $0x0  }
0x2cb: {  	v5 =	vsel vm0, v3, v5  }
0x2cc: {  	v3 =	vand.u32 $0x7FFF, v5;
	_, v7, vm0 =	vpop (xrf1)  }
0x2cd: {  	s28 =	simm.s32 $0x20;
	v8 =	vand.u32 $0xFFFF8000, v8;
	(xrf1) =	vunique.msk.u32 $0xffff, v3;
	v4 =	vadd.s32 v4, v7  }
0x2ce: {  	v8 =	vor.u32 s28, v8;
	v4 =	vadd.s32 $0xFFFFFFFF, v4  }
0x2cf: {  	v62 =	vshrl.u32 v8, $0xF  }
0x2d0: {  	v9 =	vand.u32 $0x3F, v62;
	_ =	sdelay $0x1  }
0x2d1: {  	(v2sf) =	vpush v6, $0xF;
	v6 =	vor.u32 v2, v8  }
0x2d2: {  	[tilespmem:v4+s10+$0x0] =	vst.idx.msk $0xffff, v6  }
0x2d3: {  	s29 =	simm.s32 $0x4;
	[tilespmem:v61+s9+$0x0] =	vst.idx.add.s32.msk vm0, v7  }
0x2d4: {  	s14 =	smin.u32 s29, $0x7FF;
	[tilespmem:v9+s11+$0x0] =	vst.idx.add.s32.msk $0xffff, v1  }
0x2d5: {  	s30 =	sshll.u32 s14, $0x4;
	v4 =	vld.idx.msk [tilespmem:v3+s9+$0x0], $0xffff  }
0x2d6: {  	v7 =	vld [tilespmem:s30+$0x0];
	_ =	sdelay $0x3  }
0x2d7: {  	_, v6, vm0 =	vpop (xrf1)  }
0x2d8: {  	v4 =	vadd.s32 v4, v6;
	vm1 =	vlt.s32 v7, $0x0  }
0x2d9: {  	s14 =	simm.s32 $0x30;
	v8 =	vadd.s32 $0xFFFFFFFF, v4;
	v4 =	vand.u32 $0xFFFF8000, v5;
	v5 =	vandn.u32 $0x7FFFFFFF, v7  }
0x2da: {  	v63 =	vor.u32 s14, v4;
	v4 =	vsel vm1, v7, v5  }
0x2db: {  	v5 =	vand.u32 $0xFFFF8000, v4;
	v4 =	vand.u32 $0x7FFF, v4  }
0x2dc: {  	(xrf1) =	vunique.msk.u32 $0xffff, v4  }
0x2dd: {  	v7 =	vshrl.u32 v63, $0xF  }
0x2de: {  	v7 =	vand.u32 $0x3F, v7  }
0x2df: {  	v9 =	vor.u32 v2, v63;
	v5 =	vor.u32 s30, v5  }
0x2e0: {  	s15 =	simm.s32 $0x0;
	s31 =	spop (v2sf);
	v5 =	vor.u32 v2, v5;
	[tilespmem:v8+s10+$0x0] =	vst.idx.msk $0xffff, v9  }
.LBB2_30:
0x2e1: {  	s14 =	sadd.s32 $0x40, s14  }
0x2e2: {  	[tilespmem:v3+s9+$0x0] =	vst.idx.add.s32.msk vm0, v6;
	s13 =	sadd.s32 $0x40, s13;
	s16 =	smov.u32 s15;
	s15 =	sadd.s32 $0x4, s15  }
0x2e3: {  	p0 =	slt.u32 s15, $0x7FC;
	[tilespmem:v7+s11+$0x0] =	vst.idx.add.s32.msk $0xffff, v1  }
0x2e4: {  	v3 =	vld [tilespmem:s13+$0xFFFFFFF0]  }
0x2e5: {  	v6 =	vld.idx.msk [tilespmem:v4+s9+$0x0], $0xffff;
	_ =	sdelay $0x3  }
0x2e6: {  	v8 =	vandn.u32 $0x7FFFFFFF, v3;
	vm0 =	vlt.s32 v3, $0x0  }
0x2e7: {  	v3 =	vsel vm0, v3, v8;
	_, v7, vm0 =	vpop (xrf1)  }
0x2e8: {  	s17 =	sadd.s32 $0xFFFFFFE0, s14;
	v8 =	vand.u32 $0x7FFF, v3;
	v3 =	vand.u32 $0xFFFF8000, v3;
	v6 =	vadd.s32 v6, v7  }
0x2e9: {  	v3 =	vor.u32 s17, v3;
	v6 =	vadd.s32 $0xFFFFFFFF, v6;
	(xrf1) =	vunique.msk.u32 $0xffff, v8  }
0x2ea: {  	v9 =	vshrl.u32 v5, $0xF;
	v10 =	vshrl.u32 v3, $0xF  }
0x2eb: {  	v9 =	vand.u32 $0x3F, v9;
	_ =	sdelay $0x2  }
0x2ec: {  	[tilespmem:v6+s10+$0x0] =	vst.idx.msk $0xffff, v5  }
0x2ed: {  	[tilespmem:v4+s9+$0x0] =	vst.idx.add.s32.msk vm0, v7  }
0x2ee: {  	[tilespmem:v9+s11+$0x0] =	vst.idx.add.s32.msk $0xffff, v1  }
0x2ef: {  	v4 =	vld [tilespmem:s13+$0x0]  }
0x2f0: {  	v5 =	vld.idx.msk [tilespmem:v8+s9+$0x0], $0xffff;
	_ =	sdelay $0x3  }
0x2f1: {  	v7 =	vandn.u32 $0x7FFFFFFF, v4;
	vm0 =	vlt.s32 v4, $0x0  }
0x2f2: {  	v4 =	vsel vm0, v4, v7;
	_, v6, vm0 =	vpop (xrf1)  }
0x2f3: {  	s17 =	sadd.s32 $0xFFFFFFF0, s14;
	v7 =	vand.u32 $0x7FFF, v4;
	v4 =	vand.u32 $0xFFFF8000, v4;
	v5 =	vadd.s32 v5, v6  }
0x2f4: {  	v4 =	vor.u32 s17, v4;
	v5 =	vadd.s32 $0xFFFFFFFF, v5;
	(xrf1) =	vunique.msk.u32 $0xffff, v7  }
0x2f5: {  	v9 =	vand.u32 $0x3F, v10;
	v10 =	vshrl.u32 v4, $0xF;
	_ =	sdelay $0x1  }
0x2f6: {  	v3 =	vor.u32 v2, v3;
	_ =	sdelay $0x1  }
0x2f7: {  	[tilespmem:v5+s10+$0x0] =	vst.idx.msk $0xffff, v3  }
0x2f8: {  	[tilespmem:v8+s9+$0x0] =	vst.idx.add.s32.msk vm0, v6  }
0x2f9: {  	[tilespmem:v9+s11+$0x0] =	vst.idx.add.s32.msk $0xffff, v1  }
0x2fa: {  	v3 =	vld [tilespmem:s13+$0x10]  }
0x2fb: {  	v5 =	vld.idx.msk [tilespmem:v7+s9+$0x0], $0xffff;
	_ =	sdelay $0x3  }
0x2fc: {  	v6 =	vandn.u32 $0x7FFFFFFF, v3;
	vm0 =	vlt.s32 v3, $0x0  }
0x2fd: {  	v6 =	vsel vm0, v3, v6;
	_, v8, vm0 =	vpop (xrf1)  }
0x2fe: {  	v3 =	vand.u32 $0x7FFF, v6;
	v6 =	vand.u32 $0xFFFF8000, v6;
	v5 =	vadd.s32 v5, v8  }
0x2ff: {  	v9 =	vor.u32 s14, v6;
	v5 =	vadd.s32 $0xFFFFFFFF, v5;
	(xrf1) =	vunique.msk.u32 $0xffff, v3  }
0x300: {  	v11 =	vshrl.u32 v9, $0xF  }
0x301: {  	v6 =	vand.u32 $0x3F, v10;
	_ =	sdelay $0x1  }
0x302: {  	v4 =	vor.u32 v2, v4  }
0x303: {  	s16 =	sadd.s32 $0x8, s16;
	[tilespmem:v5+s10+$0x0] =	vst.idx.msk $0xffff, v4  }
0x304: {  	s16 =	smin.u32 s16, $0x7FF;
	[tilespmem:v7+s9+$0x0] =	vst.idx.add.s32.msk vm0, v8  }
0x305: {  	s16 =	sshll.u32 s16, $0x4;
	[tilespmem:v6+s11+$0x0] =	vst.idx.add.s32.msk $0xffff, v1  }
0x306: {  	v4 =	vld [tilespmem:s16+$0x0]  }
0x307: {  	v5 =	vld.idx.msk [tilespmem:v3+s9+$0x0], $0xffff;
	_ =	sdelay $0x3  }
0x308: {  	v8 =	vandn.u32 $0x7FFFFFFF, v4;
	vm0 =	vlt.s32 v4, $0x0  }
0x309: {  	v7 =	vsel vm0, v4, v8;
	_, v6, vm0 =	vpop (xrf1)  }
0x30a: {  	v4 =	vand.u32 $0x7FFF, v7;
	v7 =	vand.u32 $0xFFFF8000, v7;
	v5 =	vadd.s32 v5, v6  }
0x30b: {  	v7 =	vor.u32 s16, v7;
	v8 =	vadd.s32 $0xFFFFFFFF, v5;
	(xrf1) =	vunique.msk.u32 $0xffff, v4  }
.Ltmp14:
0x30c: {  	v5 =	vor.u32 v2, v7;
	v7 =	vand.u32 $0x3F, v11;
	(pc) =	sbr.rel @p0 .LBB2_30-.Ltmp14, $3  }
0x30d: {  	_ = 	snop  }
0x30e: {  	v9 =	vor.u32 v2, v9;
	_ =	sdelay $0x1  }
0x30f: {  	[tilespmem:v8+s10+$0x0] =	vst.idx.msk $0xffff, v9  }
0x310: {  	_ =	sdelay $0x4  }
0x311: {  	[tilespmem:v3+s9+$0x0] =	vst.idx.add.s32.msk vm0, v6  }
0x312: {  	[tilespmem:v7+s11+$0x0] =	vst.idx.add.s32.msk $0xffff, v1  }
0x313: {  	v3 =	vld [tilespmem:$0x18000]  }
0x314: {  	v4 =	vld [tilespmem:$0x18010]  }
0x315: {  	v5 =	vld [tilespmem:$0x18020];
	_ =	sdelay $0x2  }
0x316: {  	(xrf0) =	vadd.scan.msk.s32 $0xffff, v3  }
0x317: {  	(xrf0) =	vadd.scan.msk.s32 $0xffff, v4  }
0x318: {  	(xrf0) =	vadd.scan.msk.s32 $0xffff, v5;
	_ =	sdelay $0x3  }
0x319: {  	v6, _, _ =	vpop (xrf0)  }
0x31a: {  	v7, _, _ =	vpop (xrf0);
	(v2sf) =	vpush v6, $0xF  }
0x31b: {  	(v2sf) =	vpush v7, $0xF;
	v8, _, _ =	vpop (xrf0)  }
0x31c: {  	(v2sf) =	vpush v8, $0xF;
	_ =	sdelay $0x2  }
0x31d: {  	v9 =	vld [tilespmem:$0x18030]  }
0x31e: {  	v10 =	vld [tilespmem:$0x8000];
	_ =	sdelay $0x4  }
0x31f: {  	v11 =	vshrl.u32 v10, $0xF;
	(xrf0) =	vadd.scan.msk.s32 $0xffff, v9  }
0x320: {  	v11 =	vand.u32 $0x3F, v11  }
0x321: {  	(xrf1) =	vunique.msk.u32 $0xffff, v11  }
0x322: {  	v12 =	vbroadcast v6, $0xF  }
0x323: {  	s13 =	spop (v2sf)  }
0x324: {  	v3 =	vsub.s32 v6, v3;
	v4 =	vsub.s32 v12, v4;
	s14 =	spop (v2sf)  }
0x325: {  	[tilespmem:$0x18000] =	vst v3;
	v3 =	vadd.s32 v7, v4;
	v4 =	vsub.s32 v8, v5;
	v5, _, _ =	vpop (xrf0);
	s13 =	sadd.s32 s13, s14;
	s30 =	spop (v2sf)  }
0x326: {  	[tilespmem:$0x18010] =	vst v3;
	v3 =	vadd.s32 s13, v4;
	s13 =	sadd.s32 s13, s30;
	v4 =	vsub.s32 v5, v9  }
0x327: {  	[tilespmem:$0x18020] =	vst v3;
	v3 =	vadd.s32 s13, v4  }
0x328: {  	s13 =	simm.s32 $0x8030;
	[tilespmem:$0x18030] =	vst v3  }
0x329: {  	v3 =	vld [tilespmem:s13+$0xFFFFFFE0];
	_ =	sdelay $0x1  }
0x32a: {  	v4 =	vld.idx.msk [tilespmem:v11+s11+$0x0], $0xffff;
	_ =	sdelay $0x1  }
0x32b: {  	_, v5, vm0 =	vpop (xrf1)  }
0x32c: {  	v5 =	vshrl.u32 v3, $0xF  }
0x32d: {  	v7 =	vshrl.u32 v10, $0x6;
	_, v6, vm0 =	vpop (xrf1);
	v5 =	vand.u32 $0x3F, v5  }
0x32e: {  	v8 =	vand.u32 $0x7FFF, v10;
	v7 =	vand.u32 $0x3FF8000, v7;
	v4 =	vadd.s32 v4, v6;
	(xrf1) =	vunique.msk.u32 $0xffff, v5  }
0x32f: {  	v7 =	vor.u32 v8, v7;
	v4 =	vadd.s32 $0xFFFFFFFF, v4  }
0x330: {  	v8 =	vshrl.u32 v7, $0xF  }
0x331: {  	v8 =	vadd.s32 $0x40, v8;
	_ =	sdelay $0x2  }
0x332: {  	[tilespmem:v4+s9+$0x0] =	vst.idx.msk $0xffff, v7  }
0x333: {  	[tilespmem:v11+s11+$0x0] =	vst.idx.add.s32.msk vm0, v6  }
0x334: {  	[tilespmem:v8+s11+$0x0] =	vst.idx.add.s32.msk $0xffff, v1  }
0x335: {  	v4 =	vld [tilespmem:s13+$0xFFFFFFF0]  }
0x336: {  	v6 =	vld.idx.msk [tilespmem:v5+s11+$0x0], $0xffff;
	_ =	sdelay $0x3  }
0x337: {  	_, v7, vm0 =	vpop (xrf1)  }
0x338: {  	v8 =	vshrl.u32 v4, $0xF;
	v6 =	vadd.s32 v6, v7  }
0x339: {  	v8 =	vand.u32 $0x3F, v8;
	v6 =	vadd.s32 $0xFFFFFFFF, v6  }
0x33a: {  	v57 =	vshrl.u32 v3, $0x15;
	(xrf1) =	vunique.msk.u32 $0xffff, v8  }
0x33b: {  	v58 =	vshrl.u32 v3, $0x6;
	v9 =	vadd.s32 $0x40, v57  }
0x33c: {  	v3 =	vand.u32 $0x7FFF, v3;
	v10 =	vand.u32 $0x3FF8000, v58  }
0x33d: {  	v3 =	vor.u32 v3, v10  }
0x33e: {  	[tilespmem:v6+s9+$0x0] =	vst.idx.msk $0xffff, v3  }
0x33f: {  	[tilespmem:v5+s11+$0x0] =	vst.idx.add.s32.msk vm0, v7  }
0x340: {  	[tilespmem:v9+s11+$0x0] =	vst.idx.add.s32.msk $0xffff, v1  }
0x341: {  	v5 =	vld [tilespmem:s13+$0x0];
	_ =	sdelay $0x2  }
0x342: {  	v6 =	vld.idx.msk [tilespmem:v8+s11+$0x0], $0xffff;
	_ =	sdelay $0x1  }
0x343: {  	v3 =	vshrl.u32 v5, $0xF  }
0x344: {  	v3 =	vand.u32 $0x3F, v3  }
0x345: {  	_, v7, vm0 =	vpop (xrf1);
	(xrf1) =	vunique.msk.u32 $0xffff, v3  }
0x346: {  	v6 =	vadd.s32 v6, v7  }
0x347: {  	v6 =	vadd.s32 $0xFFFFFFFF, v6  }
0x348: {  	v59 =	vshrl.u32 v4, $0x15  }
0x349: {  	v60 =	vshrl.u32 v4, $0x6;
	v9 =	vadd.s32 $0x40, v59  }
0x34a: {  	v4 =	vand.u32 $0x7FFF, v4;
	v10 =	vand.u32 $0x3FF8000, v60  }
0x34b: {  	v4 =	vor.u32 v4, v10  }
0x34c: {  	[tilespmem:v6+s9+$0x0] =	vst.idx.msk $0xffff, v4  }
0x34d: {  	[tilespmem:v8+s11+$0x0] =	vst.idx.add.s32.msk vm0, v7  }
0x34e: {  	s31 =	simm.s32 $0x4;
	[tilespmem:v9+s11+$0x0] =	vst.idx.add.s32.msk $0xffff, v1  }
0x34f: {  	s14 =	smin.u32 s31, $0x7FF;
	v4 =	vld.idx.msk [tilespmem:v3+s11+$0x0], $0xffff  }
0x350: {  	s14 =	sshll.u32 s14, $0x4  }
0x351: {  	v7 =	vld [tilespmem:s14+$0x8000];
	_ =	sdelay $0x1  }
0x352: {  	_, v6, vm0 =	vpop (xrf1)  }
0x353: {  	v4 =	vadd.s32 v4, v6  }
0x354: {  	v8 =	vadd.s32 $0xFFFFFFFF, v4;
	v4 =	vshrl.u32 v5, $0x6  }
0x355: {  	v62 =	vand.u32 $0x3FF8000, v4;
	v4 =	vshrl.u32 v7, $0xF  }
0x356: {  	v61 =	vshrl.u32 v5, $0x15;
	v63 =	vshrl.u32 v7, $0x6;
	v4 =	vand.u32 $0x3F, v4  }
0x357: {  	v11 =	vand.u32 $0x3FF8000, v63;
	v5 =	vand.u32 $0x7FFF, v5;
	v7 =	vand.u32 $0x7FFF, v7;
	(xrf1) =	vunique.msk.u32 $0xffff, v4  }
0x358: {  	v10 =	vor.u32 v5, v62;
	v5 =	vor.u32 v7, v11;
	v7 =	vadd.s32 $0x40, v61;
	_ =	sdelay $0x2  }
0x359: {  	s14 =	simm.s32 $0x0;
	[tilespmem:v8+s9+$0x0] =	vst.idx.msk $0xffff, v10  }
.LBB2_32:
0x35a: {  	[tilespmem:v3+s11+$0x0] =	vst.idx.add.s32.msk vm0, v6;
	s13 =	sadd.s32 $0x40, s13;
	s15 =	smov.u32 s14;
	s14 =	sadd.s32 $0x4, s14  }
0x35b: {  	p0 =	slt.u32 s14, $0x7FC;
	[tilespmem:v7+s11+$0x0] =	vst.idx.add.s32.msk $0xffff, v1;
	_ =	sdelay $0x1  }
0x35c: {  	v3 =	vld [tilespmem:s13+$0xFFFFFFE0]  }
0x35d: {  	v6 =	vld.idx.msk [tilespmem:v4+s11+$0x0], $0xffff;
	_ =	sdelay $0x3  }
0x35e: {  	v7 =	vshrl.u32 v3, $0xF;
	v8 =	vshrl.u32 v3, $0x6;
	v9 =	vshrl.u32 v3, $0x15  }
0x35f: {  	v7 =	vand.u32 $0x3F, v7;
	v8 =	vand.u32 $0x3FF8000, v8;
	_, v10, vm0 =	vpop (xrf1)  }
0x360: {  	v6 =	vadd.s32 v6, v10;
	(xrf1) =	vunique.msk.u32 $0xffff, v7  }
0x361: {  	v6 =	vadd.s32 $0xFFFFFFFF, v6  }
0x362: {  	v11 =	vshrl.u32 v5, $0xF  }
0x363: {  	v11 =	vadd.s32 $0x40, v11;
	_ =	sdelay $0x2  }
0x364: {  	[tilespmem:v6+s9+$0x0] =	vst.idx.msk $0xffff, v5  }
0x365: {  	[tilespmem:v4+s11+$0x0] =	vst.idx.add.s32.msk vm0, v10  }
0x366: {  	[tilespmem:v11+s11+$0x0] =	vst.idx.add.s32.msk $0xffff, v1  }
0x367: {  	v4 =	vld [tilespmem:s13+$0xFFFFFFF0]  }
0x368: {  	v5 =	vld.idx.msk [tilespmem:v7+s11+$0x0], $0xffff;
	_ =	sdelay $0x3  }
0x369: {  	v6 =	vshrl.u32 v4, $0xF;
	v10 =	vshrl.u32 v4, $0x6;
	v11 =	vshrl.u32 v4, $0x15;
	_, v12, vm0 =	vpop (xrf1)  }
0x36a: {  	v6 =	vand.u32 $0x3F, v6;
	v10 =	vand.u32 $0x3FF8000, v10  }
0x36b: {  	v5 =	vadd.s32 v5, v12;
	(xrf1) =	vunique.msk.u32 $0xffff, v6  }
0x36c: {  	v5 =	vadd.s32 $0xFFFFFFFF, v5  }
0x36d: {  	v9 =	vadd.s32 $0x40, v9  }
0x36e: {  	v3 =	vand.u32 $0x7FFF, v3  }
0x36f: {  	v3 =	vor.u32 v3, v8;
	_ =	sdelay $0x1  }
0x370: {  	[tilespmem:v5+s9+$0x0] =	vst.idx.msk $0xffff, v3  }
0x371: {  	[tilespmem:v7+s11+$0x0] =	vst.idx.add.s32.msk vm0, v12  }
0x372: {  	[tilespmem:v9+s11+$0x0] =	vst.idx.add.s32.msk $0xffff, v1  }
0x373: {  	v8 =	vld [tilespmem:s13+$0x0]  }
0x374: {  	v5 =	vld.idx.msk [tilespmem:v6+s11+$0x0], $0xffff;
	_ =	sdelay $0x3  }
0x375: {  	v3 =	vshrl.u32 v8, $0xF;
	v7 =	vshrl.u32 v8, $0x6;
	v9 =	vshrl.u32 v8, $0x15;
	_, v12, vm0 =	vpop (xrf1)  }
0x376: {  	v3 =	vand.u32 $0x3F, v3;
	v13 =	vand.u32 $0x3FF8000, v7  }
0x377: {  	v5 =	vadd.s32 v5, v12;
	(xrf1) =	vunique.msk.u32 $0xffff, v3  }
0x378: {  	v5 =	vadd.s32 $0xFFFFFFFF, v5;
	_ =	sdelay $0x1  }
0x379: {  	v7 =	vadd.s32 $0x40, v11  }
0x37a: {  	v4 =	vand.u32 $0x7FFF, v4  }
0x37b: {  	v4 =	vor.u32 v4, v10  }
0x37c: {  	[tilespmem:v5+s9+$0x0] =	vst.idx.msk $0xffff, v4  }
0x37d: {  	s15 =	sadd.s32 $0x8, s15;
	[tilespmem:v6+s11+$0x0] =	vst.idx.add.s32.msk vm0, v12  }
0x37e: {  	s15 =	smin.u32 s15, $0x7FF;
	[tilespmem:v7+s11+$0x0] =	vst.idx.add.s32.msk $0xffff, v1  }
0x37f: {  	s15 =	sshll.u32 s15, $0x4;
	v4 =	vld.idx.msk [tilespmem:v3+s11+$0x0], $0xffff  }
0x380: {  	v5 =	vld [tilespmem:s15+$0x8000];
	_ =	sdelay $0x3  }
0x381: {  	_, v6, vm0 =	vpop (xrf1)  }
0x382: {  	v7 =	vshrl.u32 v5, $0xF;
	v10 =	vshrl.u32 v5, $0x6;
	v11 =	vadd.s32 v4, v6  }
0x383: {  	v4 =	vand.u32 $0x3F, v7;
	v7 =	vand.u32 $0x3FF8000, v10;
	v10 =	vadd.s32 $0xFFFFFFFF, v11  }
.Ltmp15:
0x384: {  	v5 =	vand.u32 $0x7FFF, v5;
	(xrf1) =	vunique.msk.u32 $0xffff, v4;
	(pc) =	sbr.rel @p0 .LBB2_32-.Ltmp15, $4  }
0x385: {  	v5 =	vor.u32 v5, v7;
	v7 =	vadd.s32 $0x40, v9  }
0x386: {  	v8 =	vand.u32 $0x7FFF, v8  }
0x387: {  	v8 =	vor.u32 v8, v13  }
0x388: {  	s15 =	simm.s32 $0x18070;
	[tilespmem:v10+s9+$0x0] =	vst.idx.msk $0xffff, v8  }
0x389: {  	_ =	sdelay $0x4  }
0x38a: {  	[tilespmem:v3+s11+$0x0] =	vst.idx.add.s32.msk vm0, v6  }
0x38b: {  	[tilespmem:v7+s11+$0x0] =	vst.idx.add.s32.msk $0xffff, v1  }
0x38c: {  	v3 =	vld [tilespmem:s15+$0xFFFFFFD0];
	_ =	sdelay $0x4  }
0x38d: {  	(xrf0) =	vadd.scan.msk.s32 $0xffff, v3  }
0x38e: {  	v4 =	vld [tilespmem:s15+$0xFFFFFFE0]  }
0x38f: {  	v6 =	vld [tilespmem:s15+$0xFFFFFFF0];
	_ =	sdelay $0x3  }
0x390: {  	v5, _, _ =	vpop (xrf0);
	(xrf0) =	vadd.scan.msk.s32 $0xffff, v4  }
0x391: {  	(xrf0) =	vadd.scan.msk.s32 $0xffff, v6  }
0x392: {  	(v2sf) =	vpush v5, $0xF;
	_ =	sdelay $0x2  }
0x393: {  	v7 =	vld [tilespmem:s15+$0x0]  }
0x394: {  	v8, _, _ =	vpop (xrf0)  }
0x395: {  	(v2sf) =	vpush v8, $0xF;
	v9, _, _ =	vpop (xrf0)  }
0x396: {  	(v2sf) =	vpush v9, $0xF;
	_ =	sdelay $0x1  }
0x397: {  	s13 =	simm.s32 $0x0;
	(xrf0) =	vadd.scan.msk.s32 $0xffff, v7  }
0x398: {  	v3 =	vsub.s32 s13, v3  }
0x399: {  	v3 =	vadd.s32 v5, v3  }
0x39a: {  	s13 =	simm.s32 $0x180B0;
	[tilespmem:s15+$0xFFFFFFD0] =	vst v3  }
0x39b: {  	v3 =	vsub.s32 v8, v4;
	v4 =	vld [tilespmem:s13+$0xFFFFFFD0];
	_ =	sdelay $0x1  }
0x39c: {  	v10, _, _ =	vpop (xrf0)  }
0x39d: {  	(v2sf) =	vpush v10, $0xF;
	s14 =	spop (v2sf)  }
0x39e: {  	s14 =	sadd.s32 $0x0, s14  }
0x39f: {  	(xrf0) =	vadd.scan.msk.s32 $0xffff, v4;
	v3 =	vadd.s32 s14, v3  }
0x3a0: {  	[tilespmem:s15+$0xFFFFFFE0] =	vst v3  }
0x3a1: {  	v3 =	vld [tilespmem:s13+$0xFFFFFFE0]  }
0x3a2: {  	v7 =	vsub.s32 v10, v7;
	v5 =	vld [tilespmem:s13+$0xFFFFFFF0];
	s16 =	spop (v2sf)  }
0x3a3: {  	v6 =	vsub.s32 v9, v6;
	s14 =	sadd.s32 s14, s16;
	s31 =	spop (v2sf)  }
0x3a4: {  	v6 =	vadd.s32 s14, v6;
	s16 =	sadd.s32 s14, s31  }
0x3a5: {  	[tilespmem:s15+$0xFFFFFFF0] =	vst v6;
	v6 =	vadd.s32 s16, v7;
	v7, _, _ =	vpop (xrf0)  }
0x3a6: {  	(xrf0) =	vadd.scan.msk.s32 $0xffff, v3;
	(v2sf) =	vpush v7, $0xF  }
0x3a7: {  	(xrf0) =	vadd.scan.msk.s32 $0xffff, v5  }
0x3a8: {  	[tilespmem:s15+$0x0] =	vst v6  }
0x3a9: {  	v6 =	vld [tilespmem:s13+$0x0];
	_ =	sdelay $0x1  }
0x3aa: {  	_, v8, vm15 =	vpop (xrf1)  }
0x3ab: {  	s17 =	spop (v2sf);
	s14 =	simm.s32 $0x180B0;
	s15 =	simm.s32 $0x4;
	v8, _, _ =	vpop (xrf0)  }
.LBB2_34:
0x3ac: {  	s15 =	sadd.s32 $0x4, s15;
	(v2sf) =	vpush v8, $0xF;
	v9, _, _ =	vpop (xrf0);
	s16 =	sadd.s32 s16, s17  }
0x3ad: {  	p0 =	slt.u32 s15, $0x7C;
	v4 =	vsub.s32 s16, v4;
	v10 =	vsub.s32 v9, v5;
	(v2sf) =	vpush v9, $0xF;
	(xrf0) =	vadd.scan.msk.s32 $0xffff, v6  }
0x3ae: {  	v4 =	vadd.s32 v7, v4  }
0x3af: {  	[tilespmem:s13+$0xFFFFFFD0] =	vst v4  }
0x3b0: {  	s13 =	sadd.s32 $0x40, s13  }
0x3b1: {  	v4 =	vld [tilespmem:s13+$0xFFFFFFD0];
	_ =	sdelay $0x1  }
0x3b2: {  	v5, _, _ =	vpop (xrf0)  }
0x3b3: {  	v6 =	vsub.s32 v5, v6;
	s17 =	spop (v2sf);
	(v2sf) =	vpush v5, $0xF  }
0x3b4: {  	v3 =	vsub.s32 v8, v3;
	s16 =	sadd.s32 s16, s17  }
0x3b5: {  	(xrf0) =	vadd.scan.msk.s32 $0xffff, v4;
	v3 =	vadd.s32 s16, v3  }
0x3b6: {  	[tilespmem:s14+$0xFFFFFFE0] =	vst v3  }
0x3b7: {  	v3 =	vld [tilespmem:s13+$0xFFFFFFE0]  }
0x3b8: {  	v5 =	vld [tilespmem:s13+$0xFFFFFFF0];
	_ =	sdelay $0x1  }
0x3b9: {  	s17 =	spop (v2sf)  }
0x3ba: {  	v7, _, _ =	vpop (xrf0);
	s16 =	sadd.s32 s16, s17;
	s17 =	spop (v2sf)  }
0x3bb: {  	(v2sf) =	vpush v7, $0xF;
	(xrf0) =	vadd.scan.msk.s32 $0xffff, v3;
	v8 =	vadd.s32 s16, v10;
	s16 =	sadd.s32 s16, s17  }
0x3bc: {  	(xrf0) =	vadd.scan.msk.s32 $0xffff, v5;
	[tilespmem:s14+$0xFFFFFFF0] =	vst v8;
	v6 =	vadd.s32 s16, v6  }
.Ltmp16:
0x3bd: {  	[tilespmem:s14+$0x0] =	vst v6;
	s14 =	smov.u32 s13;
	(pc) =	sbr.rel @p0 .LBB2_34-.Ltmp16, $2  }
0x3be: {  	v6 =	vld [tilespmem:s13+$0x0];
	_ =	sdelay $0x2  }
0x3bf: {  	v8, _, _ =	vpop (xrf0);
	s17 =	spop (v2sf)  }
0x3c0: {  	(v2sf) =	vpush v8, $0xF;
	v9, _, _ =	vpop (xrf0)  }
0x3c1: {  	(v2sf) =	vpush v9, $0xF;
	_ =	sdelay $0x8  }
0x3c2: {  	(xrf0) =	vadd.scan.msk.s32 $0xffff, v6  }
0x3c3: {  	s15 =	sadd.s32 s16, s17  }
0x3c4: {  	v4 =	vsub.s32 s15, v4  }
0x3c5: {  	v4 =	vadd.s32 v7, v4  }
0x3c6: {  	s25 =	spop (v2sf)  }
0x3c7: {  	v3 =	vsub.s32 v8, v3;
	s15 =	sadd.s32 s15, s25;
	s26 =	spop (v2sf)  }
0x3c8: {  	v5 =	vsub.s32 v9, v5;
	[tilespmem:s13+$0xFFFFFFD0] =	vst v4;
	v4, _, _ =	vpop (xrf0);
	v3 =	vadd.s32 s15, v3;
	s28 =	sadd.s32 s15, s26;
	s29 =	spop (v2sf)  }
0x3c9: {  	v6 =	vsub.s32 v4, v6;
	[tilespmem:s14+$0xFFFFFFE0] =	vst v3;
	v3 =	vadd.s32 s28, v5;
	s13 =	sadd.s32 s28, s29  }
0x3ca: {  	[tilespmem:s14+$0xFFFFFFF0] =	vst v3;
	v3 =	vadd.s32 s13, v6  }
0x3cb: {  	[tilespmem:s14+$0x0] =	vst v3  }
0x3cc: {  	v3 =	vld [tilespmem:$0x10000];
	_ =	sdelay $0x4  }
0x3cd: {  	v5 =	vshrl.u32 v3, $0xF  }
0x3ce: {  	v5 =	vadd.s32 $0x40, v5  }
0x3cf: {  	(xrf1) =	vunique.msk.u32 $0xffff, v5;
	_ =	sdelay $0x9  }
0x3d0: {  	v6 =	vld.idx.msk [tilespmem:v5+s11+$0x0], $0xffff;
	_ =	sdelay $0x2  }
0x3d1: {  	s13 =	simm.s32 $0x10030  }
0x3d2: {  	v8 =	vld [tilespmem:s13+$0xFFFFFFE0];
	_, v7, vm0 =	vpop (xrf1)  }
0x3d3: {  	v6 =	vadd.s32 v7, v6  }
0x3d4: {  	v6 =	vcvt.s32.f32 v6;
	_ =	sdelay $0x1  }
0x3d5: {  	(erf) = vrcp.f32 v6  }
0x3d6: {  	v6 =	vshrl.u32 v8, $0xF  }
0x3d7: {  	v59 =	vadd.s32 $0x40, v6  }
0x3d8: {  	(xrf1) =	vunique.msk.u32 $0xffff, v59;
	_ =	sdelay $0x2  }
0x3d9: {  	v3 =	vand.u32 $0x7FFF, v3;
	_ =	sdelay $0x1  }
0x3da: {  	v10 =	vadd.s32 $0xFFFFFBC1, v5  }
0x3db: {  	vm1 =	vlt.u32 v10, $0x2;
	v60 =	vpop (erf)  }
0x3dc: {  	v10 =	vsel vm1, $0x0, v60  }
0x3dd: {  	[tilespmem:v3+s2+$0x0] =	vst.idx.msk $0xffff, v10  }
0x3de: {  	[tilespmem:v5+s11+$0x0] =	vst.idx.add.s32.msk vm0, v7  }
0x3df: {  	v3 =	vld.idx.msk [tilespmem:v59+s11+$0x0], $0xffff;
	_ =	sdelay $0x3  }
0x3e0: {  	v7 =	vld [tilespmem:s13+$0xFFFFFFF0];
	_, v5, vm0 =	vpop (xrf1)  }
0x3e1: {  	v3 =	vadd.s32 v5, v3  }
0x3e2: {  	v3 =	vcvt.s32.f32 v3;
	_ =	sdelay $0x1  }
0x3e3: {  	(erf) = vrcp.f32 v3  }
0x3e4: {  	v61 =	vshrl.u32 v7, $0xF  }
0x3e5: {  	v11 =	vadd.s32 $0x40, v61  }
0x3e6: {  	(xrf1) =	vunique.msk.u32 $0xffff, v11;
	_ =	sdelay $0x2  }
0x3e7: {  	v6 =	vadd.s32 $0xFFFFFC01, v6;
	v3 =	vand.u32 $0x7FFF, v8;
	_ =	sdelay $0x2  }
0x3e8: {  	vm1 =	vlt.u32 v6, $0x2;
	v6 =	vpop (erf)  }
0x3e9: {  	v6 =	vsel vm1, $0x0, v6  }
0x3ea: {  	[tilespmem:v3+s2+$0x0] =	vst.idx.msk $0xffff, v6  }
0x3eb: {  	[tilespmem:v59+s11+$0x0] =	vst.idx.add.s32.msk vm0, v5  }
0x3ec: {  	v3 =	vld.idx.msk [tilespmem:v11+s11+$0x0], $0xffff;
	_ =	sdelay $0x3  }
0x3ed: {  	_, v5, vm0 =	vpop (xrf1);
	v8 =	vld [tilespmem:s13+$0x0]  }
0x3ee: {  	v3 =	vadd.s32 v5, v3  }
0x3ef: {  	v3 =	vcvt.s32.f32 v3;
	_ =	sdelay $0x1  }
0x3f0: {  	(erf) = vrcp.f32 v3  }
0x3f1: {  	v62 =	vshrl.u32 v8, $0xF  }
0x3f2: {  	v3 =	vadd.s32 $0x40, v62  }
0x3f3: {  	(xrf1) =	vunique.msk.u32 $0xffff, v3;
	_ =	sdelay $0x2  }
0x3f4: {  	v6 =	vand.u32 $0x7FFF, v7;
	v7 =	vadd.s32 $0xFFFFFC01, v61;
	_ =	sdelay $0x2  }
0x3f5: {  	vm1 =	vlt.u32 v7, $0x2;
	v7 =	vpop (erf)  }
0x3f6: {  	v7 =	vsel vm1, $0x0, v7  }
0x3f7: {  	[tilespmem:v6+s2+$0x0] =	vst.idx.msk $0xffff, v7  }
0x3f8: {  	[tilespmem:v11+s11+$0x0] =	vst.idx.add.s32.msk vm0, v5  }
0x3f9: {  	v5 =	vld.idx.msk [tilespmem:v3+s11+$0x0], $0xffff;
	_ =	sdelay $0x3  }
0x3fa: {  	_, v6, vm0 =	vpop (xrf1)  }
0x3fb: {  	s30 =	simm.s32 $0x4;
	(v2sf) =	vpush v4, $0xF;
	v4 =	vadd.s32 v6, v5  }
0x3fc: {  	s14 =	smin.u32 s30, $0x7FF;
	v4 =	vcvt.s32.f32 v4  }
0x3fd: {  	s14 =	sshll.u32 s14, $0x4  }
0x3fe: {  	(erf) = vrcp.f32 v4;
	v4 =	vld [tilespmem:s14+$0x10000];
	_ =	sdelay $0x4  }
0x3ff: {  	v7 =	vand.u32 $0x7FFF, v8;
	v5 =	vadd.s32 $0xFFFFFC01, v62;
	v8 =	vshrl.u32 v4, $0xF  }
0x400: {  	vm1 =	vlt.u32 v5, $0x2;
	v5 =	vadd.s32 $0x40, v8  }
0x401: {  	(xrf1) =	vunique.msk.u32 $0xffff, v5;
	_ =	sdelay $0x9  }
0x402: {  	v63 =	vpop (erf)  }
0x403: {  	v8 =	vsel vm1, $0x0, v63  }
0x404: {  	s31 =	spop (v2sf);
	s14 =	simm.s32 $0x0;
	[tilespmem:v7+s2+$0x0] =	vst.idx.msk $0xffff, v8  }
.LBB2_36:
0x405: {  	[tilespmem:v3+s11+$0x0] =	vst.idx.add.s32.msk vm0, v6;
	s13 =	sadd.s32 $0x40, s13;
	s15 =	smov.u32 s14;
	s14 =	sadd.s32 $0x4, s14  }
0x406: {  	v3 =	vld.idx.msk [tilespmem:v5+s11+$0x0], $0xffff;
	p0 =	slt.u32 s14, $0x7FC;
	_, v6, vm0 =	vpop (xrf1);
	_ =	sdelay $0x5  }
0x407: {  	v3 =	vadd.s32 v6, v3;
	v7 =	vld [tilespmem:s13+$0xFFFFFFE0]  }
0x408: {  	v3 =	vcvt.s32.f32 v3;
	_ =	sdelay $0x1  }
0x409: {  	(erf) = vrcp.f32 v3;
	_ =	sdelay $0x1  }
0x40a: {  	v3 =	vshrl.u32 v7, $0xF  }
0x40b: {  	v8 =	vadd.s32 $0x40, v3;
	v3 =	vadd.s32 $0xFFFFFC01, v3  }
0x40c: {  	(xrf1) =	vunique.msk.u32 $0xffff, v8;
	_ =	sdelay $0x1  }
0x40d: {  	v4 =	vand.u32 $0x7FFF, v4;
	_ =	sdelay $0x1  }
0x40e: {  	v10 =	vadd.s32 $0xFFFFFBC1, v5  }
0x40f: {  	vm1 =	vlt.u32 v10, $0x2;
	v9 =	vpop (erf)  }
0x410: {  	v9 =	vsel vm1, $0x0, v9  }
0x411: {  	[tilespmem:v4+s2+$0x0] =	vst.idx.msk $0xffff, v9  }
0x412: {  	[tilespmem:v5+s11+$0x0] =	vst.idx.add.s32.msk vm0, v6  }
0x413: {  	v4 =	vld.idx.msk [tilespmem:v8+s11+$0x0], $0xffff;
	_ =	sdelay $0x4  }
0x414: {  	_, v5, vm0 =	vpop (xrf1)  }
0x415: {  	v6 =	vld [tilespmem:s13+$0xFFFFFFF0];
	v4 =	vadd.s32 v5, v4  }
0x416: {  	v4 =	vcvt.s32.f32 v4;
	_ =	sdelay $0x1  }
0x417: {  	(erf) = vrcp.f32 v4;
	_ =	sdelay $0x1  }
0x418: {  	v4 =	vshrl.u32 v6, $0xF  }
0x419: {  	v9 =	vadd.s32 $0x40, v4;
	v4 =	vadd.s32 $0xFFFFFC01, v4  }
0x41a: {  	(xrf1) =	vunique.msk.u32 $0xffff, v9;
	_ =	sdelay $0x1  }
0x41b: {  	v7 =	vand.u32 $0x7FFF, v7;
	_ =	sdelay $0x2  }
0x41c: {  	vm1 =	vlt.u32 v3, $0x2;
	v3 =	vpop (erf)  }
0x41d: {  	v3 =	vsel vm1, $0x0, v3  }
0x41e: {  	[tilespmem:v7+s2+$0x0] =	vst.idx.msk $0xffff, v3  }
0x41f: {  	[tilespmem:v8+s11+$0x0] =	vst.idx.add.s32.msk vm0, v5  }
0x420: {  	v3 =	vld.idx.msk [tilespmem:v9+s11+$0x0], $0xffff;
	_ =	sdelay $0x4  }
0x421: {  	_, v5, vm0 =	vpop (xrf1)  }
0x422: {  	v7 =	vld [tilespmem:s13+$0x0];
	v3 =	vadd.s32 v5, v3  }
0x423: {  	v3 =	vcvt.s32.f32 v3;
	_ =	sdelay $0x1  }
0x424: {  	(erf) = vrcp.f32 v3;
	_ =	sdelay $0x1  }
0x425: {  	v8 =	vshrl.u32 v7, $0xF  }
0x426: {  	v3 =	vadd.s32 $0x40, v8;
	v8 =	vadd.s32 $0xFFFFFC01, v8  }
0x427: {  	(xrf1) =	vunique.msk.u32 $0xffff, v3;
	_ =	sdelay $0x1  }
0x428: {  	v6 =	vand.u32 $0x7FFF, v6;
	_ =	sdelay $0x2  }
0x429: {  	vm1 =	vlt.u32 v4, $0x2;
	v4 =	vpop (erf)  }
0x42a: {  	v4 =	vsel vm1, $0x0, v4  }
0x42b: {  	s15 =	sadd.s32 $0x8, s15;
	[tilespmem:v6+s2+$0x0] =	vst.idx.msk $0xffff, v4  }
0x42c: {  	s15 =	smin.u32 s15, $0x7FF;
	[tilespmem:v9+s11+$0x0] =	vst.idx.add.s32.msk vm0, v5  }
0x42d: {  	s15 =	sshll.u32 s15, $0x4;
	v5 =	vld.idx.msk [tilespmem:v3+s11+$0x0], $0xffff  }
0x42e: {  	v4 =	vld [tilespmem:s15+$0x10000];
	_ =	sdelay $0x3  }
0x42f: {  	_, v6, vm0 =	vpop (xrf1)  }
0x430: {  	v9 =	vshrl.u32 v4, $0xF;
	v10 =	vadd.s32 v6, v5  }
0x431: {  	v5 =	vadd.s32 $0x40, v9;
	v9 =	vcvt.s32.f32 v10  }
0x432: {  	(xrf1) =	vunique.msk.u32 $0xffff, v5  }
0x433: {  	(erf) = vrcp.f32 v9;
	_ =	sdelay $0x5  }
0x434: {  	v7 =	vand.u32 $0x7FFF, v7  }
.Ltmp17:
0x435: {  	(pc) =	sbr.rel @p0 .LBB2_36-.Ltmp17, $4  }
0x436: {  	_ = 	snop  }
0x437: {  	vm1 =	vlt.u32 v8, $0x2;
	v8 =	vpop (erf)  }
0x438: {  	v8 =	vsel vm1, $0x0, v8  }
0x439: {  	[tilespmem:v7+s2+$0x0] =	vst.idx.msk $0xffff, v8  }
0x43a: {  	_ =	sdelay $0x2  }
0x43b: {  	s12 =	sadd.s32 $0x1, s12  }
0x43c: {  	p0 =	sne.s32 s12, s7  }
.Ltmp18:
0x43d: {  	[tilespmem:v3+s11+$0x0] =	vst.idx.add.s32.msk vm0, v6;
	(pc) =	sbr.rel @p0 .LBB2_1-.Ltmp18, $4  }
0x43e: {  	_, v3, vm0 =	vpop (xrf1);
	[hbm4b:s6+s2] =	stream.linear.scatter [tilespmem:s2], [sflag:$0x1], $0x8000, $0x38;
	[tilespmem:$0x18880] =	vst v63  }
0x43f: {  	_ =	swait.ge [sflag:s8], $0x8000  }
0x440: {  	[sflag:s8] =	ssyncset.done $0x0  }
0x441: {  	[sflag:s8] =	ssyncadd.s32 $0xFFFF8000  }
0x442: {  	_ =	sfence.sel $0x180000  }
0x443: {  	[bflag:$0x0] =	sbarrier.arrive $0xFFFF  }
0x444: {  	p0 =	sne.s32 s1, $0x0;
	_ =	strace $0x90000047  }
0x445: {  	s0 =	sadd.s32 @!p0 $0x100000, s0;
	[bflag:$0x2] =	sbarrier.arrive $0xFFFF  }
0x446: {  	[sflag:s0] =	ssyncadd.tile.s32 @!p0 $0x1;
	_ =	shalt  }
.Lfunc_end2:
_tile_overlayer_lowered:
.L_overlay_start_2:
0x447: {  	(tag) =	ssettag $0x2  }
0x448: {  	s0 =	rddreg [dreg:$0x0];
	s2 =	stileid.u32  }
0x449: {  	s1 =	rddreg [dreg:$0x1];
	p0 =	sne.s32 s2, $0x0  }
0x44a: {  	s3 =	rddreg [dreg:$0x2];
	[bflag:$0x3] =	sbarrier.arrive $0xFFFF;
	s2 =	simm.s32 @!p0 $0x1C01  }
0x44b: {  	[timem:s3], [sflag:s2] =	dma.local @!p0 [hbm:s0], s1  }
0x44c: {  	s0 =	simm.s32 @!p0 $0x1  }
0x44d: {  	_ =	swait.ge @!p0 [sflag:s0], s1  }
0x44e: {  	s1 =	ssub.s32 @!p0 $0x0, s1;
	[sflag:s0] =	ssyncset.done @!p0 $0x0  }
0x44f: {  	[sflag:s0] =	ssyncadd.s32 @!p0 s1  }
0x450: {  	[bflag:$0x3] =	sbarrier.arrive $0xFFFF  }
0x451: {  	_ =	shalt  }

</sc_bundles>
